<compile_context>
chip_gen: v7x
topology: tpu7x:2x2x1
jax: 0.10.2.dev20260603
libtpu: 0.0.44.dev20260713+nightly
codegen_flags: <defaults>
</compile_context>

<pallas_src>
import jax
import jax.numpy as jnp
import numpy as np
from jax.experimental import pallas as pl
from jax.experimental.pallas import tpu as pltpu

N = 10000
E = 320000
FIN = 128
FE = 16
H = 4
C = 128
CE = 16
K = 5000

BN = 400
BE = 3200


def _node_proj_kernel(x_ref, wn_ref, bn_ref, h_ref):
    h_ref[...] = jnp.dot(x_ref[...], wn_ref[...],
                         preferred_element_type=jnp.float32) + bn_ref[...]


def _node_proj(x, W_node, b_node):
    return pl.pallas_call(
        _node_proj_kernel,
        grid=(N // BN,),
        in_specs=[
            pl.BlockSpec((BN, FIN), lambda i: (i, 0)),
            pl.BlockSpec((FIN, H * C), lambda i: (0, 0)),
            pl.BlockSpec((H * C,), lambda i: (0,)),
        ],
        out_specs=pl.BlockSpec((BN, H * C), lambda i: (i, 0)),
        out_shape=jax.ShapeDtypeStruct((N, H * C), jnp.float32),
    )(x, W_node, b_node)


def _edge_proj_kernel(ea_ref, we_ref, be_ref, e_ref):
    e_ref[...] = jnp.dot(ea_ref[...], we_ref[...],
                         preferred_element_type=jnp.float32) + be_ref[...]


def _edge_proj(edge_attr, W_edge, b_edge):
    return pl.pallas_call(
        _edge_proj_kernel,
        grid=(E // BE,),
        in_specs=[
            pl.BlockSpec((BE, FE), lambda i: (i, 0)),
            pl.BlockSpec((FE, H * CE), lambda i: (0, 0)),
            pl.BlockSpec((H * CE,), lambda i: (0,)),
        ],
        out_specs=pl.BlockSpec((BE, H * CE), lambda i: (i, 0)),
        out_shape=jax.ShapeDtypeStruct((E, H * CE), jnp.float32),
    )(edge_attr, W_edge, b_edge)


CHUNK = 256


def _upd_kernel(hs_ref, al_ref, o_ref):
    al = al_ref[...]
    mult = jnp.concatenate(
        [jnp.broadcast_to(al[:, hh:hh + 1], (BE, C)) for hh in range(H)], axis=1)
    o_ref[...] = hs_ref[...] * mult


def _make_updates(hsflat, alpha):
    return pl.pallas_call(
        _upd_kernel,
        grid=(E // BE,),
        in_specs=[pl.BlockSpec((BE, H * C), lambda i: (i, 0)),
                  pl.BlockSpec((BE, H), lambda i: (i, 0))],
        out_specs=pl.BlockSpec((BE, H * C), lambda i: (i, 0)),
        out_shape=jax.ShapeDtypeStruct((E, H * C), jnp.float32),
    )(hsflat, alpha)


def _agg_kernel(dst_ref, upd_ref, out_ref):
    @pl.when(pl.program_id(0) == 0)
    def _init():
        out_ref[...] = jnp.zeros(out_ref.shape, out_ref.dtype)

    def body(i, carry):
        d = dst_ref[i]
        out_ref[pl.ds(d, 1), :] += upd_ref[pl.ds(i, 1), :]
        return carry

    jax.lax.fori_loop(0, CHUNK, body, 0)


def _aggregate(dstv, hsflat, alpha):
    upd = _make_updates(hsflat, alpha)
    return pl.pallas_call(
        _agg_kernel,
        grid=(E // CHUNK,),
        in_specs=[
            pl.BlockSpec((CHUNK,), lambda i: (i,), memory_space=pltpu.SMEM),
            pl.BlockSpec((CHUNK, H * C), lambda i: (i, 0)),
        ],
        out_specs=pl.BlockSpec((N, H * C), lambda i: (0, 0)),
        out_shape=jax.ShapeDtypeStruct((N, H * C), jnp.float32),
    )(dstv, upd)


def kernel(x, edge_attr, edge_index, batch, W_node, b_node, W_edge, b_edge, att, p):
    src = edge_index[0]
    dst = edge_index[1]

    h = _node_proj(x, W_node, b_node).reshape(N, H, C)
    e = _edge_proj(edge_attr, W_edge, b_edge).reshape(E, H, CE)

    h_src = h[src]
    h_dst = h[dst]
    feat = jnp.concatenate([h_dst, h_src, e], axis=-1)
    logits = jax.nn.leaky_relu(jnp.einsum('ehf,hf->eh', feat, att), 0.2)
    m = jax.ops.segment_max(logits, dst, num_segments=N)
    m = jnp.where(jnp.isfinite(m), m, 0.0)
    ex = jnp.exp(logits - m[dst])
    den = jax.ops.segment_sum(ex, dst, num_segments=N)
    alpha = ex / (den[dst] + 1e-16)
    out = _aggregate(dst, h_src.reshape(E, H * C), alpha).reshape(N, H, C)
    nx = jax.nn.relu(out.mean(axis=1))
    ne = jax.nn.relu(e.mean(axis=1))

    score = jnp.tanh(nx @ p / (jnp.linalg.norm(p) + 1e-16))
    topv, perm = jax.lax.top_k(score, K)
    x_new = nx[perm] * topv[:, None]
    mask = jnp.zeros((N,), bool).at[perm].set(True)
    mapping = jnp.zeros((N,), jnp.int32).at[perm].set(jnp.arange(K, dtype=jnp.int32))
    emask = mask[src] & mask[dst]
    new_ei = jnp.where(emask[None, :], mapping[edge_index], -1)
    new_ea = jnp.where(emask[:, None], ne, 0.0)
    batch_new = batch[perm]
    return x_new, new_ei, new_ea, batch_new, perm, score

# --- scband reference (transcript-rebuilt; emitter-appended) ---
"""Pipeline reference for scband-wegat-topk-conv-70695161692580 (READ-ONLY COPY).

The authoritative reference and input builder live on the scoring server;
editing this copy changes nothing except your own understanding.
"""

import jax, jax.numpy as jnp
import numpy as np

N = 10000
E = 320000
FIN = 128
FE = 16
H = 4
C = 128
CE = 16
RATIO = 0.5


def setup_inputs(seed: int = 0) -> dict:
    key = jax.random.key(seed)
    ks = jax.random.split(key, 8)
    x = jax.random.normal(ks[0], (N, FIN), jnp.float32)
    edge_attr = jax.random.normal(ks[1], (E, FE), jnp.float32)
    edge_index = jax.random.randint(ks[2], (2, E), 0, N, jnp.int32)
    batch = jnp.zeros((N,), jnp.int32)
    s = 1.0 / np.sqrt(FIN)
    W_node = jax.random.uniform(ks[3], (FIN, H * C), jnp.float32, -s, s)
    b_node = jnp.zeros((H * C,), jnp.float32)
    se = 1.0 / np.sqrt(FE)
    W_edge = jax.random.uniform(ks[4], (FE, H * CE), jnp.float32, -se, se)
    b_edge = jnp.zeros((H * CE,), jnp.float32)
    att = jax.random.normal(ks[5], (H, 2 * C + CE), jnp.float32) * 0.1
    p = jax.random.normal(ks[6], (C,), jnp.float32)
    return {"x": x, "edge_attr": edge_attr, "edge_index": edge_index, "batch": batch,
            "W_node": W_node, "b_node": b_node, "W_edge": W_edge, "b_edge": b_edge,
            "att": att, "p": p}


def _wegat(x, edge_attr, edge_index, W_node, b_node, W_edge, b_edge, att):
    src = edge_index[0]
    dst = edge_index[1]
    h = (x @ W_node + b_node).reshape(N, H, C)
    e = (edge_attr @ W_edge + b_edge).reshape(E, H, CE)
    h_src = h[src]
    h_dst = h[dst]
    feat = jnp.concatenate([h_dst, h_src, e], axis=-1)  # [E, H, 2C+CE]
    logits = jax.nn.leaky_relu(jnp.einsum('ehf,hf->eh', feat, att), 0.2)
    # segment softmax over destination nodes
    m = jax.ops.segment_max(logits, dst, num_segments=N)
    m = jnp.where(jnp.isfinite(m), m, 0.0)
    ex = jnp.exp(logits - m[dst])
    den = jax.ops.segment_sum(ex, dst, num_segments=N)
    alpha = ex / (den[dst] + 1e-16)
    out = jax.ops.segment_sum(h_src * alpha[:, :, None], dst, num_segments=N)
    node_out = out.mean(axis=1)  # concat=False -> mean over heads
    edge_out = e.mean(axis=1)
    return node_out, edge_out


def _topk_pool(x, edge_index, edge_attr, batch, p):
    score = jnp.tanh(x @ p / (jnp.linalg.norm(p) + 1e-16))
    k = int(np.ceil(RATIO * N))
    topv, perm = jax.lax.top_k(score, k)
    x_new = x[perm] * topv[:, None]
    mask = jnp.zeros((N,), bool).at[perm].set(True)
    mapping = jnp.zeros((N,), jnp.int32).at[perm].set(jnp.arange(k, dtype=jnp.int32))
    emask = mask[edge_index[0]] & mask[edge_index[1]]
    # static-shape edge filtering: invalid edges marked -1 / zeroed
    new_ei = jnp.where(emask[None, :], mapping[edge_index], -1)
    new_ea = jnp.where(emask[:, None], edge_attr, 0.0)
    batch_new = batch[perm]
    return x_new, new_ei, new_ea, batch_new, perm, score


def reference(x, edge_attr, edge_index, batch, W_node, b_node, W_edge, b_edge, att, p):
    nx, ne = _wegat(x, edge_attr, edge_index, W_node, b_node, W_edge, b_edge, att)
    nx = jax.nn.relu(nx)
    ne = jax.nn.relu(ne)
    return _topk_pool(nx, edge_index, ne, batch, p)

if __name__ == "__main__":
    import jax
    _d = setup_inputs()
    print(jax.jit(kernel)(*tuple(_d.values())))

</pallas_src>

<mosaic_0001>
module attributes {stable_mosaic.version = 14 : i64} {
  func.func @_edge_proj_kernel(%arg0: i32, %arg1: memref<3200x16xf32, #tpu.memory_space<vmem>>, %arg2: memref<16x64xf32, #tpu.memory_space<vmem>>, %arg3: memref<64xf32, #tpu.memory_space<vmem>>, %arg4: memref<3200x64xf32, #tpu.memory_space<vmem>>) attributes {dimension_semantics = [#tpu.dimension_semantics<arbitrary>], iteration_bounds = array<i64: 100>, scalar_prefetch = 0 : i64, scratch_operands = 0 : i64, tpu.core_type = #tpu.core_type<tc>, window_params = [{transform_indices = @transform_0, window_bounds = array<i64: 3200, 16>}, {pipeline_mode = #tpu.pipeline_mode<synchronous>, transform_indices = @transform_1, window_bounds = array<i64: 16, 64>}, {pipeline_mode = #tpu.pipeline_mode<synchronous>, transform_indices = @transform_2, window_bounds = array<i64: 64>}, {transform_indices = @transform_3, window_bounds = array<i64: 3200, 64>}]} {
    %get3A = arith.constant 0 : index
    %get3A_0 = arith.constant 0 : index
    %get3A_1 = vector.load %arg1[%get3A, %get3A_0] : memref<3200x16xf32, #tpu.memory_space<vmem>>, vector<3200x16xf32>
    %get3A_2 = arith.constant 0 : index
    %get3A_3 = arith.constant 0 : index
    %get3A_4 = vector.load %arg2[%get3A_2, %get3A_3] : memref<16x64xf32, #tpu.memory_space<vmem>>, vector<16x64xf32>
    %dot_general3A = arith.constant dense<0.000000e+00> : vector<3200x64xf32>
    %dot_general3A_5 = tpu.matmul %get3A_1, %get3A_4, %dot_general3A {dimension_numbers = #tpu.dot_dimension_numbers<[1], [0], [0], [1], [0, 0, 1, 1], [], []>, transpose_lhs_hint = false} : vector<3200x16xf32>, vector<16x64xf32>, vector<3200x64xf32> -> vector<3200x64xf32>
    %get3A_6 = arith.constant 0 : index
    %get3A_7 = vector.load %arg3[%get3A_6] : memref<64xf32, #tpu.memory_space<vmem>>, vector<64xf32>
    %broadcast_in_dim3A = vector.shape_cast %get3A_7 : vector<64xf32> to vector<1x64xf32>
    %add3A = vector.broadcast %broadcast_in_dim3A : vector<1x64xf32> to vector<3200x64xf32>
    %add3A_8 = arith.addf %dot_general3A_5, %add3A : vector<3200x64xf32>
    %swap3A = arith.constant 0 : index
    %swap3A_9 = arith.constant 0 : index
    %swap3A_10 = vector.load %arg4[%swap3A, %swap3A_9] : memref<3200x64xf32, #tpu.memory_space<vmem>>, vector<3200x64xf32>
    tpu.vector_store %arg4[%swap3A, %swap3A_9], %add3A_8 {strides = array<i32>} : memref<3200x64xf32, #tpu.memory_space<vmem>>, vector<3200x64xf32>,
    return
  }
  func.func @transform_0(%arg0: i32) -> (i32, i32) {
    %c0_i32 = arith.constant 0 : i32
    %c0_i32_0 = arith.constant 0 : i32
    return %arg0, %c0_i32 : i32, i32
  }
  func.func @transform_1(%arg0: i32) -> (i32, i32) {
    %c0_i32 = arith.constant 0 : i32
    %c0_i32_0 = arith.constant 0 : i32
    %c0_i32_1 = arith.constant 0 : i32
    return %c0_i32, %c0_i32_0 : i32, i32
  }
  func.func @transform_2(%arg0: i32) -> i32 {
    %c0_i32 = arith.constant 0 : i32
    %c0_i32_0 = arith.constant 0 : i32
    return %c0_i32 : i32
  }
  func.func @transform_3(%arg0: i32) -> (i32, i32) {
    %c0_i32 = arith.constant 0 : i32
    %c0_i32_0 = arith.constant 0 : i32
    return %arg0, %c0_i32 : i32, i32
  }
}

module attributes {stable_mosaic.version = 14 : i64} {
  func.func @_node_proj_kernel(%arg0: i32, %arg1: memref<400x128xf32, #tpu.memory_space<vmem>>, %arg2: memref<128x512xf32, #tpu.memory_space<vmem>>, %arg3: memref<512xf32, #tpu.memory_space<vmem>>, %arg4: memref<400x512xf32, #tpu.memory_space<vmem>>) attributes {dimension_semantics = [#tpu.dimension_semantics<arbitrary>], iteration_bounds = array<i64: 25>, scalar_prefetch = 0 : i64, scratch_operands = 0 : i64, tpu.core_type = #tpu.core_type<tc>, window_params = [{transform_indices = @transform_0, window_bounds = array<i64: 400, 128>}, {pipeline_mode = #tpu.pipeline_mode<synchronous>, transform_indices = @transform_1, window_bounds = array<i64: 128, 512>}, {pipeline_mode = #tpu.pipeline_mode<synchronous>, transform_indices = @transform_2, window_bounds = array<i64: 512>}, {transform_indices = @transform_3, window_bounds = array<i64: 400, 512>}]} {
    %get3A = arith.constant 0 : index
    %get3A_0 = arith.constant 0 : index
    %get3A_1 = vector.load %arg1[%get3A, %get3A_0] : memref<400x128xf32, #tpu.memory_space<vmem>>, vector<400x128xf32>
    %get3A_2 = arith.constant 0 : index
    %get3A_3 = arith.constant 0 : index
    %get3A_4 = vector.load %arg2[%get3A_2, %get3A_3] : memref<128x512xf32, #tpu.memory_space<vmem>>, vector<128x512xf32>
    %dot_general3A = arith.constant dense<0.000000e+00> : vector<400x512xf32>
    %dot_general3A_5 = tpu.matmul %get3A_1, %get3A_4, %dot_general3A {dimension_numbers = #tpu.dot_dimension_numbers<[1], [0], [0], [1], [0, 0, 1, 1], [], []>, transpose_lhs_hint = false} : vector<400x128xf32>, vector<128x512xf32>, vector<400x512xf32> -> vector<400x512xf32>
    %get3A_6 = arith.constant 0 : index
    %get3A_7 = vector.load %arg3[%get3A_6] : memref<512xf32, #tpu.memory_space<vmem>>, vector<512xf32>
    %broadcast_in_dim3A = vector.shape_cast %get3A_7 : vector<512xf32> to vector<1x512xf32>
    %add3A = vector.broadcast %broadcast_in_dim3A : vector<1x512xf32> to vector<400x512xf32>
    %add3A_8 = arith.addf %dot_general3A_5, %add3A : vector<400x512xf32>
    %swap3A = arith.constant 0 : index
    %swap3A_9 = arith.constant 0 : index
    %swap3A_10 = vector.load %arg4[%swap3A, %swap3A_9] : memref<400x512xf32, #tpu.memory_space<vmem>>, vector<400x512xf32>
    tpu.vector_store %arg4[%swap3A, %swap3A_9], %add3A_8 {strides = array<i32>} : memref<400x512xf32, #tpu.memory_space<vmem>>, vector<400x512xf32>,
    return
  }
  func.func @transform_0(%arg0: i32) -> (i32, i32) {
    %c0_i32 = arith.constant 0 : i32
    %c0_i32_0 = arith.constant 0 : i32
    return %arg0, %c0_i32 : i32, i32
  }
  func.func @transform_1(%arg0: i32) -> (i32, i32) {
    %c0_i32 = arith.constant 0 : i32
    %c0_i32_0 = arith.constant 0 : i32
    %c0_i32_1 = arith.constant 0 : i32
    return %c0_i32, %c0_i32_0 : i32, i32
  }
  func.func @transform_2(%arg0: i32) -> i32 {
    %c0_i32 = arith.constant 0 : i32
    %c0_i32_0 = arith.constant 0 : i32
    return %c0_i32 : i32
  }
  func.func @transform_3(%arg0: i32) -> (i32, i32) {
    %c0_i32 = arith.constant 0 : i32
    %c0_i32_0 = arith.constant 0 : i32
    return %arg0, %c0_i32 : i32, i32
  }
}

module attributes {stable_mosaic.version = 14 : i64} {
  func.func @_upd_kernel(%arg0: i32, %arg1: memref<3200x512xf32, #tpu.memory_space<vmem>>, %arg2: memref<3200x4xf32, #tpu.memory_space<vmem>>, %arg3: memref<3200x512xf32, #tpu.memory_space<vmem>>) attributes {dimension_semantics = [#tpu.dimension_semantics<arbitrary>], iteration_bounds = array<i64: 100>, scalar_prefetch = 0 : i64, scratch_operands = 0 : i64, tpu.core_type = #tpu.core_type<tc>, window_params = [{transform_indices = @transform_0, window_bounds = array<i64: 3200, 512>}, {transform_indices = @transform_1, window_bounds = array<i64: 3200, 4>}, {transform_indices = @transform_2, window_bounds = array<i64: 3200, 512>}]} {
    %get3A = arith.constant 0 : index
    %get3A_0 = arith.constant 0 : index
    %get3A_1 = vector.load %arg2[%get3A, %get3A_0] : memref<3200x4xf32, #tpu.memory_space<vmem>>, vector<3200x4xf32>
    %slice3A = vector.extract_strided_slice %get3A_1 {offsets = [0, 0], sizes = [3200, 1], strides = [1, 1]} : vector<3200x4xf32> to vector<3200x1xf32>
    %broadcast_in_dim3A = vector.shape_cast %slice3A : vector<3200x1xf32> to vector<3200x1xf32>
    %broadcast_in_dim3A_2 = vector.broadcast %broadcast_in_dim3A : vector<3200x1xf32> to vector<3200x128xf32>
    %slice3A_3 = vector.extract_strided_slice %get3A_1 {offsets = [0, 1], sizes = [3200, 1], strides = [1, 1]} : vector<3200x4xf32> to vector<3200x1xf32>
    %broadcast_in_dim3A_4 = vector.shape_cast %slice3A_3 : vector<3200x1xf32> to vector<3200x1xf32>
    %broadcast_in_dim3A_5 = vector.broadcast %broadcast_in_dim3A_4 : vector<3200x1xf32> to vector<3200x128xf32>
    %slice3A_6 = vector.extract_strided_slice %get3A_1 {offsets = [0, 2], sizes = [3200, 1], strides = [1, 1]} : vector<3200x4xf32> to vector<3200x1xf32>
    %broadcast_in_dim3A_7 = vector.shape_cast %slice3A_6 : vector<3200x1xf32> to vector<3200x1xf32>
    %broadcast_in_dim3A_8 = vector.broadcast %broadcast_in_dim3A_7 : vector<3200x1xf32> to vector<3200x128xf32>
    %slice3A_9 = vector.extract_strided_slice %get3A_1 {offsets = [0, 3], sizes = [3200, 1], strides = [1, 1]} : vector<3200x4xf32> to vector<3200x1xf32>
    %broadcast_in_dim3A_10 = vector.shape_cast %slice3A_9 : vector<3200x1xf32> to vector<3200x1xf32>
    %broadcast_in_dim3A_11 = vector.broadcast %broadcast_in_dim3A_10 : vector<3200x1xf32> to vector<3200x128xf32>
    %concatenate3A = tpu.concatenate %broadcast_in_dim3A_2, %broadcast_in_dim3A_5, %broadcast_in_dim3A_8, %broadcast_in_dim3A_11 in 1 : vector<3200x128xf32>, vector<3200x128xf32>, vector<3200x128xf32>, vector<3200x128xf32> -> vector<3200x512xf32>
    %get3A_12 = arith.constant 0 : index
    %get3A_13 = arith.constant 0 : index
    %get3A_14 = vector.load %arg1[%get3A_12, %get3A_13] : memref<3200x512xf32, #tpu.memory_space<vmem>>, vector<3200x512xf32>
    %mul3A = arith.mulf %get3A_14, %concatenate3A : vector<3200x512xf32>
    %swap3A = arith.constant 0 : index
    %swap3A_15 = arith.constant 0 : index
    %swap3A_16 = vector.load %arg3[%swap3A, %swap3A_15] : memref<3200x512xf32, #tpu.memory_space<vmem>>, vector<3200x512xf32>
    tpu.vector_store %arg3[%swap3A, %swap3A_15], %mul3A {strides = array<i32>} : memref<3200x512xf32, #tpu.memory_space<vmem>>, vector<3200x512xf32>,
    return
  }
  func.func @transform_0(%arg0: i32) -> (i32, i32) {
    %c0_i32 = arith.constant 0 : i32
    %c0_i32_0 = arith.constant 0 : i32
    return %arg0, %c0_i32 : i32, i32
  }
  func.func @transform_1(%arg0: i32) -> (i32, i32) {
    %c0_i32 = arith.constant 0 : i32
    %c0_i32_0 = arith.constant 0 : i32
    return %arg0, %c0_i32 : i32, i32
  }
  func.func @transform_2(%arg0: i32) -> (i32, i32) {
    %c0_i32 = arith.constant 0 : i32
    %c0_i32_0 = arith.constant 0 : i32
    return %arg0, %c0_i32 : i32, i32
  }
}

module attributes {stable_mosaic.version = 14 : i64} {
  func.func @_agg_kernel(%arg0: i32, %arg1: memref<256xi32, #tpu.memory_space<smem>>, %arg2: memref<256x512xf32, #tpu.memory_space<vmem>>, %arg3: memref<10000x512xf32, #tpu.memory_space<vmem>>) attributes {dimension_semantics = [#tpu.dimension_semantics<arbitrary>], iteration_bounds = array<i64: 1250>, scalar_prefetch = 0 : i64, scratch_operands = 0 : i64, tpu.core_type = #tpu.core_type<tc>, window_params = [{transform_indices = @transform_0, window_bounds = array<i64: 256>}, {transform_indices = @transform_1, window_bounds = array<i64: 256, 512>}, {pipeline_mode = #tpu.pipeline_mode<synchronous>, transform_indices = @transform_2, window_bounds = array<i64: 10000, 512>}]} {
    %eq3A = arith.constant 0 : i32
    %eq3A_0 = arith.cmpi eq, %arg0, %eq3A : i32
    %convert_element_type3A = arith.extui %eq3A_0 : i1 to i32
    %cond3A = arith.constant 0 : i32
    %cond3A_1 = arith.cmpi ne, %convert_element_type3A, %cond3A : i32
    scf.if %cond3A_1 {
      %broadcast_in_dim3A = arith.constant 0.000000e+00 : f32
      %broadcast_in_dim3A_6 = vector.broadcast %broadcast_in_dim3A : f32 to vector<10000x512xf32>
      %swap3A = arith.constant 0 : index
      %swap3A_7 = arith.constant 0 : index
      %swap3A_8 = vector.load %arg3[%swap3A, %swap3A_7] : memref<10000x512xf32, #tpu.memory_space<vmem>>, vector<10000x512xf32>
      tpu.vector_store %arg3[%swap3A, %swap3A_7], %broadcast_in_dim3A_6 {strides = array<i32>} : memref<10000x512xf32, #tpu.memory_space<vmem>>, vector<10000x512xf32>,
    } else {
    }
    %scan3A = arith.constant 0 : i32
    %scan3A_2 = arith.constant 256 : i32
    %scan3A_3 = arith.addi %scan3A, %scan3A_2 : i32
    %scan3A_4 = arith.constant 1 : i32
    scf.for %scan3A_6 = %scan3A to %scan3A_3 step %scan3A_4  : i32 {
      %get3A = arith.index_cast %scan3A_6 : i32 to index
      %get3A_7 = memref.load %arg1[%get3A] : memref<256xi32, #tpu.memory_space<smem>>
      %get3A_8 = arith.index_cast %get3A_7 : i32 to index
      %get3A_9 = arith.constant 0 : index
      %get3A_10 = vector.load %arg3[%get3A_8, %get3A_9] : memref<10000x512xf32, #tpu.memory_space<vmem>>, vector<1x512xf32>
      %get3A_11 = arith.index_cast %scan3A_6 : i32 to index
      %get3A_12 = arith.constant 0 : index
      %get3A_13 = vector.load %arg2[%get3A_11, %get3A_12] : memref<256x512xf32, #tpu.memory_space<vmem>>, vector<1x512xf32>
      %add3A = arith.addf %get3A_10, %get3A_13 : vector<1x512xf32>
      %swap3A = arith.index_cast %get3A_7 : i32 to index
      %swap3A_14 = arith.constant 0 : index
      %swap3A_15 = vector.load %arg3[%swap3A, %swap3A_14] : memref<10000x512xf32, #tpu.memory_space<vmem>>, vector<1x512xf32>
      tpu.vector_store %arg3[%swap3A, %swap3A_14], %add3A {strides = array<i32>} : memref<10000x512xf32, #tpu.memory_space<vmem>>, vector<1x512xf32>,
    }
    %scan3A_5 = arith.constant 256 : i32
    return
  }
  func.func @transform_0(%arg0: i32) -> i32 {
    %c0_i32 = arith.constant 0 : i32
    return %arg0 : i32
  }
  func.func @transform_1(%arg0: i32) -> (i32, i32) {
    %c0_i32 = arith.constant 0 : i32
    %c0_i32_0 = arith.constant 0 : i32
    return %arg0, %c0_i32 : i32, i32
  }
  func.func @transform_2(%arg0: i32) -> (i32, i32) {
    %c0_i32 = arith.constant 0 : i32
    %c0_i32_0 = arith.constant 0 : i32
    %c0_i32_1 = arith.constant 0 : i32
    return %c0_i32, %c0_i32_0 : i32, i32
  }
}

</mosaic_0001>

<sc_bundles>
// kernel: gather_offload_async_start.1
scs
__scs_entry_jumppad:
0x0: {  	(pc) =	sbr.rel $0x88, $3  }
0x1: {  	(tag) =	ssettag $0x0;
	lr =	simm.s32 $0x1  }
0x2: {  	[smem:$0x3F97] =	sst lr;
	_ =	strace $0xD0000000  }
0x3: {  	_ = 	snop  }
0x4: {  	_ = 	snop  }
0x5: {  	_ = 	snop  }
0x6: {  	_ = 	snop  }
0x7: {  	_ = 	snop  }
__scs_overlays_trampoline_lowered:
0x8: {  	[smem:$0x3FA6] =	sst s0  }
0x9: {  	[smem:$0x3FA7] =	sst s1  }
0xa: {  	[smem:$0x3FA8] =	sst s2  }
0xb: {  	[smem:$0x3FA9] =	sst s3  }
0xc: {  	[smem:$0x3FAA] =	sst s4  }
0xd: {  	[smem:$0x3FAB] =	sst s5  }
0xe: {  	[smem:$0x3FAC] =	sst s6  }
0xf: {  	[smem:$0x3FAD] =	sst s7  }
0x10: {  	[smem:$0x3FAE] =	sst s8  }
0x11: {  	[smem:$0x3FAF] =	sst s9;
	s0 =	simm.s32 @!p0 $0x0  }
0x12: {  	s1 =	sld [smem:$0x3F95];
	s0 =	simm.s32 @p0 $0x1  }
0x13: {  	[smem:$0x3FB0] =	sst s0;
	s0 =	simm.s32 @!p1 $0x0  }
0x14: {  	s2 =	sld [smem:$0x3F94];
	s0 =	simm.s32 @p1 $0x1  }
0x15: {  	[smem:$0x3FB1] =	sst s0;
	s0 =	simm.s32 @!p2 $0x0  }
0x16: {  	s3 =	sld [smem:$0x3FDB];
	s0 =	simm.s32 @p2 $0x1  }
0x17: {  	s4 =	simm.s32 $0x1BF5;
	[smem:$0x3FB3] =	sst s0  }
0x18: {  	s0 =	sld [smem:$0x3F96];
	_ =	swait.ge [sflag:s4], $0x0  }
0x19: {  	s7 =	sld [smem:$0x3F97]  }
0x1a: {  	s8 =	sadd.s32 $0xFFFFE003, lr  }
0x1b: {  	s9 =	sadd.s32 $0xFFFFFEF7, lr;
	s5 =	simm.s32 $0xFFFFFFFF;
	p2 =	slt.u32 s8, $0xFFFFF086  }
0x1c: {  	p1 =	slt.u32 s9, $0xF7A;
	s5 =	simm.s32 @!p2 $0x0  }
0x1d: {  	s5 =	simm.s32 @p1 $0x1;
	p0 =	seq.s32 s7, s2  }
0x1e: {  	s7 =	smul.u32 @!p0 $0xF7A, s2;
	p2 =	seq.s32 @!p0 s5, $0x0  }
0x1f: {  	s9 =	smul.u32 $0xF7A, s1;
	s8 =	simm.s32 @!p0 $0x1BF5;
	p2 =	por !p2, p0  }
0x20: {  	[sflag:s8] =	ssyncset.s32 @!p0 $0xFFFFF086;
	s6 =	sadd.s32 @!p0 s3, s7;
	s7 =	simm.s32 @!p0 $0x108  }
0x21: {  	s3 =	sadd.s32 s3, s9;
	s6 =	sadd.s32 @!p0 $0x88, s6;
	s7 =	simm.s32 @p2 $0x1082  }
0x22: {  	[simem:s7], [sflag:s8] =	dma.local @!p0 [hbm:s6], $0xF7A  }
0x23: {  	s9 =	sor.u32 $0xD0000000, s2;
	s6 =	simm.s32 $0x108;
	_ =	swait.ge @!p0 [sflag:s8], $0x0  }
0x24: {  	s3 =	sadd.s32 $0x88, s3;
	s6 =	simm.s32 @!p1 $0x1082;
	[sflag:s4] =	ssyncset.s32 $0xFFFFF086  }
0x25: {  	[simem:s6], [sflag:s4] =	dma.local [hbm:s3], $0xF7A  }
0x26: {  	[smem:$0x3F97] =	sst s1;
	(tag) =	ssettag s2;
	_ =	strace s9  }
0x27: {  	s1 =	sld [smem:$0x3FA7]  }
0x28: {  	s2 =	sld [smem:$0x3FA8]  }
0x29: {  	s4 =	sld [smem:$0x3FAA]  }
0x2a: {  	p0 =	seq.s32 s5, $0x0;
	s5 =	sld [smem:$0x3FAB]  }
0x2b: {  	s6 =	sld [smem:$0x3FAC]  }
0x2c: {  	s7 =	sld [smem:$0x3FAD]  }
0x2d: {  	s3 =	simm.s32 $0x108;
	s8 =	sld [smem:$0x3FAE]  }
0x2e: {  	s3 =	simm.s32 @!p0 $0x1082;
	s9 =	sld [smem:$0x3FAF]  }
0x2f: {  	lr =	sadd.s32 s0, s3;
	s0 =	sld [smem:$0x3FA6]  }
0x30: {  	s3 =	sld [smem:$0x3FA9]  }
0x31: {  	[smem:$0x3FB2] =	sst s10  }
0x32: {  	s10 =	sld [smem:$0x3FB0];
	_ =	sdelay $0x3  }
0x33: {  	p0 =	seq.s32 s10, $0x1;
	s10 =	sld [smem:$0x3FB2];
	_ =	sdelay $0x3  }
0x34: {  	[smem:$0x3FB2] =	sst s10  }
0x35: {  	s10 =	sld [smem:$0x3FB1];
	_ =	sdelay $0x3  }
0x36: {  	p1 =	seq.s32 s10, $0x1;
	s10 =	sld [smem:$0x3FB2];
	_ =	sdelay $0x3  }
0x37: {  	[smem:$0x3FB2] =	sst s10  }
0x38: {  	s10 =	sld [smem:$0x3FB3]  }
0x39: {  	_ = 	snop;
	(pc) =	sbr.ind lr, $3  }
0x3a: {  	_ = 	snop  }
0x3b: {  	_ = 	snop  }
0x3c: {  	p2 =	seq.s32 s10, $0x1;
	s10 =	sld [smem:$0x3FB2]  }
0x3d: {  	_ =	shalt  }
0x3e: {  	_ =	shalt  }
0x3f: {  	_ =	shalt  }
0x40: {  	_ =	shalt  }
0x41: {  	_ =	shalt  }
0x42: {  	_ =	shalt  }
0x43: {  	_ =	shalt  }
0x44: {  	_ =	shalt  }
0x45: {  	_ =	shalt  }
0x46: {  	_ =	shalt  }
0x47: {  	_ =	shalt  }
0x48: {  	_ =	shalt  }
0x49: {  	_ =	shalt  }
0x4a: {  	_ =	shalt  }
0x4b: {  	_ =	shalt  }
0x4c: {  	_ =	shalt  }
0x4d: {  	_ =	shalt  }
0x4e: {  	_ =	shalt  }
0x4f: {  	_ =	shalt  }
0x50: {  	_ =	shalt  }
0x51: {  	_ =	shalt  }
0x52: {  	_ =	shalt  }
0x53: {  	_ =	shalt  }
0x54: {  	_ =	shalt  }
0x55: {  	_ =	shalt  }
0x56: {  	_ =	shalt  }
0x57: {  	_ =	shalt  }
0x58: {  	_ =	shalt  }
0x59: {  	_ =	shalt  }
0x5a: {  	_ =	shalt  }
0x5b: {  	_ =	shalt  }
0x5c: {  	_ =	shalt  }
0x5d: {  	_ =	shalt  }
0x5e: {  	_ =	shalt  }
0x5f: {  	_ =	shalt  }
0x60: {  	_ =	shalt  }
0x61: {  	_ =	shalt  }
0x62: {  	_ =	shalt  }
0x63: {  	_ =	shalt  }
0x64: {  	_ =	shalt  }
0x65: {  	_ =	shalt  }
0x66: {  	_ =	shalt  }
0x67: {  	_ =	shalt  }
0x68: {  	_ =	shalt  }
0x69: {  	_ =	shalt  }
0x6a: {  	_ =	shalt  }
0x6b: {  	_ =	shalt  }
0x6c: {  	_ =	shalt  }
0x6d: {  	_ =	shalt  }
0x6e: {  	_ =	shalt  }
0x6f: {  	_ =	shalt  }
0x70: {  	_ =	shalt  }
0x71: {  	_ =	shalt  }
0x72: {  	_ =	shalt  }
0x73: {  	_ =	shalt  }
0x74: {  	_ =	shalt  }
0x75: {  	_ =	shalt  }
0x76: {  	_ =	shalt  }
0x77: {  	_ =	shalt  }
0x78: {  	_ =	shalt  }
0x79: {  	_ =	shalt  }
0x7a: {  	_ =	shalt  }
0x7b: {  	_ =	shalt  }
0x7c: {  	_ =	shalt  }
0x7d: {  	_ =	shalt  }
0x7e: {  	_ =	shalt  }
0x7f: {  	_ =	shalt  }
0x80: {  	_ =	shalt  }
0x81: {  	_ =	shalt  }
0x82: {  	_ =	shalt  }
0x83: {  	_ =	shalt  }
0x84: {  	_ =	shalt  }
0x85: {  	_ =	shalt  }
0x86: {  	_ =	shalt  }
0x87: {  	_ =	shalt  }
.Lfunc_end0:
.L_simem_size_0:
called_computation.5_lowered:
.L_overlay_start_0:
0x88: {  	s0 =	sld [smem:$0x3FD9]  }
0x89: {  	s1 =	sld [smem:$0x3FFE];
	_ =	sdelay $0x3  }
0x8a: {  	s0 =	sadd.s32 s1, s0  }
0x8b: {  	[smem:$0x3FBE] =	sst s0  }
0x8c: {  	_ = 	snop  }
0x8d: {  	s0 =	sld [smem:$0x3FD0];
	_ =	sdelay $0x2  }
0x8e: {  	s2 =	simm.s32 $0xB;
	s3 =	simm.s32 $0x10;
	s13 =	sld [smem:$0x3FC6]  }
0x8f: {  	[smem:s3], [sflag:s2] =	dma.local [hbm:s0], $0x1  }
0x90: {  	_ =	swait.eq [sflag:s2], $0x1  }
0x91: {  	[sflag:s2] =	ssyncset.done $0x0  }
0x92: {  	[sflag:s2] =	ssyncadd.s32 $0xFFFFFFFF  }
0x93: {  	s14 =	sld [smem:$0x13];
	(tm) =	ssettm $0x1  }
0x94: {  	s15 =	sld [smem:$0x3FFB];
	_ =	sdelay $0x3  }
0x95: {  	_ =	strace s15  }
0x96: {  	s2 =	sld [smem:$0x3FFC];
	_ =	sdelay $0x3  }
0x97: {  	_ =	strace s2  }
0x98: {  	s2 =	sld [smem:$0x3FFD];
	_ =	sdelay $0x3  }
0x99: {  	_ =	strace s2  }
0x9a: {  	_ =	strace $0x8FFFFFFF  }
0x9b: {  	s16 =	sld [smem:$0x3FDB];
	_ =	sdelay $0x1  }
0x9c: {  	s17 =	simm.s32 $_scs_section_size  }
0x9d: {  	s4 =	simm.s32 $_size__tile_overlayer_lowered;
	s5 =	simm.s32 $_tile_overlayer_lowered  }
0x9e: {  	s20 =	simm.s32 $0x1BFF;
	s19 =	sshll.u32 s5, $0x1;
	s2 =	sadd.s32 s17, s16  }
0x9f: {  	s6 =	simm.s32 $0x0;
	s18 =	sshll.u32 s4, $0x1;
	s4 =	sadd.s32 s19, s2  }
0xa0: {  	[timem:s6], [sflag:s20] =	dma.local [hbm:s4], s18  }
0xa1: {  	_ =	swait.ge [sflag:s20], s18  }
0xa2: {  	s3 =	ssub.s32 $0x0, s18;
	[sflag:s20] =	ssyncset.done $0x0  }
0xa3: {  	[sflag:s20] =	ssyncadd.s32 s3;
	_ =	sdelay $0x1  }
0xa4: {  	s21 =	simm.s32 $0x1B8B  }
0xa5: {  	_ =	swait.ge [sflag:s21], $0x1  }
0xa6: {  	[sflag:s21] =	ssyncset.done $0x0  }
0xa7: {  	s23 =	simm.s32 $0x1B8E;
	s22 =	sld [smem:$0x3FFE];
	[sflag:s21] =	ssyncadd.s32 $0xFFFFFFFF  }
0xa8: {  	s24 =	simm.s32 $execute0_lowered;
	[smem:$0x3FD2] =	sst s23  }
0xa9: {  	s4 =	sshll.u32 s24, $0x1;
	_ =	strace $0x80000055;
	[dreg:$0x1] =	wrdreg $0xFFFFFFFF  }
0xaa: {  	s25 =	simm.s32 $_size_execute0_lowered;
	s2 =	sadd.s32 s2, s4;
	[dreg:$0x0] =	wrdreg $0x0  }
0xab: {  	s4 =	sshll.u32 s25, $0x1;
	[dreg:$0x2] =	wrdreg s2  }
0xac: {  	[dreg:$0x3] =	wrdreg s4  }
0xad: {  	[dreg:$0x4] =	wrdreg $0xC0  }
0xae: {  	_ =	task [dreg:s6], $0x5FFFF  }
0xaf: {  	[dreg:$0x1] =	wrdreg $0xFFFFFFFF  }
0xb0: {  	[dreg:$0x0] =	wrdreg $0x60  }
0xb1: {  	[dreg:$0x2] =	wrdreg s13  }
0xb2: {  	[dreg:$0x3] =	wrdreg s22  }
0xb3: {  	[dreg:$0x4] =	wrdreg s14  }
0xb4: {  	[dreg:$0x5] =	wrdreg $0xA  }
0xb5: {  	_ =	task.clear_ibuf [dreg:s6], $0x6FFFF;
	_ =	strace $0x90000055  }
0xb6: {  	s26 =	simm.s32 $0xA;
	_ =	strace $0x80000057  }
0xb7: {  	_ =	swait.ge [sflag:s26], $0x1  }
0xb8: {  	[sflag:s26] =	ssyncadd.s32 $0xFFFFFFFF  }
0xb9: {  	_ =	strace $0x90000057  }
0xba: {  	_ =	sfence  }
0xbb: {  	s28 =	sld [smem:$0x0];
	_ =	sdelay $0x1  }
0xbc: {  	s29 =	srdreg.scid  }
0xbd: {  	s30 =	sshll.u32 s29, $0xD;
	s31 =	sshrl.u32 s29, $0x2  }
0xbe: {  	s1 =	sand.u32 $0x1, s29;
	s2 =	sand.u32 $0x4000, s30;
	s0 =	sadd.s32 s31, s28  }
0xbf: {  	s1 =	sor.u32 s2, s1;
	s0 =	sshll.u32 s0, $0x11  }
0xc0: {  	s0 =	sor.u32 s0, s1  }
0xc1: {  	s0 =	sadd.s32 $0x8F2B, s0  }
0xc2: {  	[sflag:s0] =	ssyncadd.remote.s32 $0x1  }
0xc3: {  	_ =	sfence.sel $0xFFFF  }
0xc4: {  	[dreg:$0x0] =	wrdreg $0xFFFFFFFF;
	(pc) =	sbr.abs _section_cstart, $3  }
0xc5: {  	[dreg:$0x1] =	wrdreg $0xFFFFFFFF  }
0xc6: {  	_ =	task.clear_ibuf [dreg:s6], $0x2FFFF;
	_ =	strace $0x9FFFFFFF  }
0xc7: {  	(tm) =	ssettm $0x7FFFFFFF  }
tec
execute0_lowered:
.L_overlay_start_1:
0x0: {  	(tag) =	ssettag $0x1  }
0x1: {  	s2 =	rddreg [dreg:$0x0]  }
0x2: {  	s5 =	rddreg [dreg:$0x1]  }
0x3: {  	s3 =	rddreg [dreg:$0x2]  }
0x4: {  	s0 =	rddreg [dreg:$0x3];
	s1 =	stileid.u32  }
0x5: {  	_ =	strace $0x80000056;
	s6 =	simm.s32 $0x1;
	s8 =	simm.s32 $0x2  }
0x6: {  	s30 =	simm.s32 $0x3;
	s12 =	simm.s32 $0x0;
	s4 =	sshll.u32 s1, $0x4  }
0x7: {  	s9 =	simm.s32 $0x0;
	s10 =	simm.s32 $0x0;
	s7 =	ssub.s32 $0x1380, s4  }
0x8: {  	s5 =	sadd.s32 $0x2A000, s5;
	[sflag:s6] =	ssyncpa.u1 $0x0;
	s6 =	sshrl.u32 s7, $0x8  }
0x9: {  	[sflag:s8] =	ssyncpa.u1 $0x0;
	s11 =	smov.u32 s4;
	s31 =	sshll.u32 s6, $0x4  }
0xa: {  	[sflag:s30] =	ssyncpa.u1 $0x0;
	s7 =	sadd.s32 $0x2, s6;
	s8 =	sadd.s32 $0x30, s31  }
.LBB2_1:
0xb: {  	p0 =	sgt.u32 s10, s6  }
0xc: {  	s13 =	sxor.u32 @!p0 $0xFFFFFFFF, s9;
	s14 =	sshrl.u32 @!p0 s11, $0x3  }
0xd: {  	s15 =	sand.u32 @!p0 $0x7, s11;
	s13 =	sand.u32 @!p0 $0x10, s13;
	s14 =	sadd.s32 @!p0 s5, s14  }
0xe: {  	[tilespmem:s13], [sflag:$0x2] =	stream.linear.gather @!p0 [hbm4b:s14+s15], $0x10, $0x38;
	[tilespmem:$0x40] =	vst v63  }
0xf: {  	p0 =	seq.s32 s9, $0x0  }
0x10: {  	p1 =	sge.u32 @!p0 s10, s7  }
0x11: {  	p0 =	por p1, p0  }
0x12: {  	s13 =	simm.s32 @!p0 $0x2  }
0x13: {  	_ =	swait.ge @!p0 [sflag:s13], $0x10  }
0x14: {  	[sflag:s13] =	ssyncset.done @!p0 $0x0  }
0x15: {  	[sflag:s13] =	ssyncadd.s32 @!p0 $0xFFFFFFF0;
	s13 =	sand.u32 @!p0 $0x10, s9  }
0x16: {  	(ifvalue) =	ssetifvalue @!p0 $0x7FFFFFFF;
	v0 =	vld.msk @!p0 [tilespmem:s13+$0x0 ss:$0x1], $0xffff;
	_ =	sdelay $0x4  }
0x17: {  	vm0 =	vgt.s32 @!p0 v0, $0x0  }
0x18: {  	v0 =	vnsel @!p0 vm0, $0x0, v0  }
0x19: {  	v0 =	vmin.u32 @!p0 v0, $0x270F;
	_ =	sdelay $0x3  }
0x1a: {  	s14 =	simm.s32 @!p0 $0x0;
	s13 =	sor.u32 @!p0 $0x20, s13;
	(ifvalue) =	ssetifvalue @!p0 $0x7FFFFFFF;
	vm0 =	vmmov @!p0 $0xffff  }
0x1b: {  	[tilespmem:s13], [sflag:$0x1] =	stream.indirect_vreg.gather @!p0 [hbm4b:s2+s14], $0x1, v0, vm0, $0x4038;
	[tilespmem:$0x40] =	vst v63  }
0x1c: {  	s14 =	simm.s32 @!p0 $0x1  }
0x1d: {  	_ =	swait.ge @!p0 [sflag:s14], $0x10  }
0x1e: {  	s15 =	sshrl.u32 @!p0 s12, $0x3;
	[sflag:s14] =	ssyncset.done @!p0 $0x0  }
0x1f: {  	s12 =	sand.u32 @!p0 $0x7, s12;
	[sflag:s14] =	ssyncadd.s32 @!p0 $0xFFFFFFF0;
	s14 =	sadd.s32 @!p0 s3, s15  }
0x20: {  	[hbm4b:s14+s12] =	stream.linear.scatter @!p0 [tilespmem:s13], [sflag:$0x3], $0x10, $0x38;
	[tilespmem:$0x40] =	vst v63  }
0x21: {  	s14 =	sadd.s32 $0x100, s11  }
0x22: {  	s9 =	sadd.s32 $0x10, s9;
	p1 =	sgt.s32 s14, $0x1387  }
0x23: {  	s14 =	smov.u32 @p1 s4;
	p1 =	sne.s32 s8, s9  }
.Ltmp0:
0x24: {  	p0 =	slt.u32 s10, $0x2;
	(pc) =	sbr.rel @p1 .LBB2_1-.Ltmp0, $4  }
0x25: {  	s13 =	simm.s32 @!p0 $0x3  }
0x26: {  	_ =	swait.ge @!p0 [sflag:s13], $0x10  }
0x27: {  	s12 =	smov.u32 s11;
	[sflag:s13] =	ssyncset.done @!p0 $0x0  }
0x28: {  	s10 =	sadd.s32 $0x1, s10;
	s11 =	smov.u32 s14;
	[sflag:s13] =	ssyncadd.s32 @!p0 $0xFFFFFFF0  }
0x29: {  	_ =	sfence.sel $0x180000  }
0x2a: {  	s2 =	simm.s32 $0x2;
	[bflag:$0x0] =	sbarrier.arrive $0xFFFF  }
0x2b: {  	s30 =	simm.s32 $0x3;
	[sflag:s2] =	ssyncpa.u1 $0x1  }
0x2c: {  	s31 =	simm.s32 $0x1;
	[sflag:s30] =	ssyncpa.u1 $0x1  }
0x2d: {  	[sflag:s31] =	ssyncpa.u1 $0x1  }
0x2e: {  	p0 =	sne.s32 s1, $0x0;
	_ =	strace $0x90000056  }
0x2f: {  	s0 =	sadd.s32 @!p0 $0x100000, s0;
	[bflag:$0x2] =	sbarrier.arrive $0xFFFF  }
0x30: {  	[sflag:s0] =	ssyncadd.tile.s32 @!p0 $0x1;
	_ =	shalt  }
.Lfunc_end2:
_tile_overlayer_lowered:
.L_overlay_start_2:
0x31: {  	(tag) =	ssettag $0x2  }
0x32: {  	s0 =	rddreg [dreg:$0x0];
	s2 =	stileid.u32  }
0x33: {  	s1 =	rddreg [dreg:$0x1];
	p0 =	sne.s32 s2, $0x0  }
0x34: {  	s3 =	rddreg [dreg:$0x2];
	[bflag:$0x3] =	sbarrier.arrive $0xFFFF;
	s2 =	simm.s32 @!p0 $0x1C01  }
0x35: {  	[timem:s3], [sflag:s2] =	dma.local @!p0 [hbm:s0], s1  }
0x36: {  	s0 =	simm.s32 @!p0 $0x1  }
0x37: {  	_ =	swait.ge @!p0 [sflag:s0], s1  }
0x38: {  	s1 =	ssub.s32 @!p0 $0x0, s1;
	[sflag:s0] =	ssyncset.done @!p0 $0x0  }
0x39: {  	[sflag:s0] =	ssyncadd.s32 @!p0 s1  }
0x3a: {  	[bflag:$0x3] =	sbarrier.arrive $0xFFFF  }
0x3b: {  	_ =	shalt  }

// kernel: gather_offload_async_start
scs
__scs_entry_jumppad:
0x0: {  	(pc) =	sbr.rel $0x88, $3  }
0x1: {  	(tag) =	ssettag $0x0;
	lr =	simm.s32 $0x1  }
0x2: {  	[smem:$0x3F97] =	sst lr;
	_ =	strace $0xD0000000  }
0x3: {  	_ = 	snop  }
0x4: {  	_ = 	snop  }
0x5: {  	_ = 	snop  }
0x6: {  	_ = 	snop  }
0x7: {  	_ = 	snop  }
__scs_overlays_trampoline_lowered:
0x8: {  	[smem:$0x3FA6] =	sst s0  }
0x9: {  	[smem:$0x3FA7] =	sst s1  }
0xa: {  	[smem:$0x3FA8] =	sst s2  }
0xb: {  	[smem:$0x3FA9] =	sst s3  }
0xc: {  	[smem:$0x3FAA] =	sst s4  }
0xd: {  	[smem:$0x3FAB] =	sst s5  }
0xe: {  	[smem:$0x3FAC] =	sst s6  }
0xf: {  	[smem:$0x3FAD] =	sst s7  }
0x10: {  	[smem:$0x3FAE] =	sst s8  }
0x11: {  	[smem:$0x3FAF] =	sst s9;
	s0 =	simm.s32 @!p0 $0x0  }
0x12: {  	s1 =	sld [smem:$0x3F95];
	s0 =	simm.s32 @p0 $0x1  }
0x13: {  	[smem:$0x3FB0] =	sst s0;
	s0 =	simm.s32 @!p1 $0x0  }
0x14: {  	s2 =	sld [smem:$0x3F94];
	s0 =	simm.s32 @p1 $0x1  }
0x15: {  	[smem:$0x3FB1] =	sst s0;
	s0 =	simm.s32 @!p2 $0x0  }
0x16: {  	s3 =	sld [smem:$0x3FDB];
	s0 =	simm.s32 @p2 $0x1  }
0x17: {  	s4 =	simm.s32 $0x1BF5;
	[smem:$0x3FB3] =	sst s0  }
0x18: {  	s0 =	sld [smem:$0x3F96];
	_ =	swait.ge [sflag:s4], $0x0  }
0x19: {  	s7 =	sld [smem:$0x3F97]  }
0x1a: {  	s8 =	sadd.s32 $0xFFFFE003, lr  }
0x1b: {  	s9 =	sadd.s32 $0xFFFFFEF7, lr;
	s5 =	simm.s32 $0xFFFFFFFF;
	p2 =	slt.u32 s8, $0xFFFFF086  }
0x1c: {  	p1 =	slt.u32 s9, $0xF7A;
	s5 =	simm.s32 @!p2 $0x0  }
0x1d: {  	s5 =	simm.s32 @p1 $0x1;
	p0 =	seq.s32 s7, s2  }
0x1e: {  	s7 =	smul.u32 @!p0 $0xF7A, s2;
	p2 =	seq.s32 @!p0 s5, $0x0  }
0x1f: {  	s9 =	smul.u32 $0xF7A, s1;
	s8 =	simm.s32 @!p0 $0x1BF5;
	p2 =	por !p2, p0  }
0x20: {  	[sflag:s8] =	ssyncset.s32 @!p0 $0xFFFFF086;
	s6 =	sadd.s32 @!p0 s3, s7;
	s7 =	simm.s32 @!p0 $0x108  }
0x21: {  	s3 =	sadd.s32 s3, s9;
	s6 =	sadd.s32 @!p0 $0x88, s6;
	s7 =	simm.s32 @p2 $0x1082  }
0x22: {  	[simem:s7], [sflag:s8] =	dma.local @!p0 [hbm:s6], $0xF7A  }
0x23: {  	s9 =	sor.u32 $0xD0000000, s2;
	s6 =	simm.s32 $0x108;
	_ =	swait.ge @!p0 [sflag:s8], $0x0  }
0x24: {  	s3 =	sadd.s32 $0x88, s3;
	s6 =	simm.s32 @!p1 $0x1082;
	[sflag:s4] =	ssyncset.s32 $0xFFFFF086  }
0x25: {  	[simem:s6], [sflag:s4] =	dma.local [hbm:s3], $0xF7A  }
0x26: {  	[smem:$0x3F97] =	sst s1;
	(tag) =	ssettag s2;
	_ =	strace s9  }
0x27: {  	s1 =	sld [smem:$0x3FA7]  }
0x28: {  	s2 =	sld [smem:$0x3FA8]  }
0x29: {  	s4 =	sld [smem:$0x3FAA]  }
0x2a: {  	p0 =	seq.s32 s5, $0x0;
	s5 =	sld [smem:$0x3FAB]  }
0x2b: {  	s6 =	sld [smem:$0x3FAC]  }
0x2c: {  	s7 =	sld [smem:$0x3FAD]  }
0x2d: {  	s3 =	simm.s32 $0x108;
	s8 =	sld [smem:$0x3FAE]  }
0x2e: {  	s3 =	simm.s32 @!p0 $0x1082;
	s9 =	sld [smem:$0x3FAF]  }
0x2f: {  	lr =	sadd.s32 s0, s3;
	s0 =	sld [smem:$0x3FA6]  }
0x30: {  	s3 =	sld [smem:$0x3FA9]  }
0x31: {  	[smem:$0x3FB2] =	sst s10  }
0x32: {  	s10 =	sld [smem:$0x3FB0];
	_ =	sdelay $0x3  }
0x33: {  	p0 =	seq.s32 s10, $0x1;
	s10 =	sld [smem:$0x3FB2];
	_ =	sdelay $0x3  }
0x34: {  	[smem:$0x3FB2] =	sst s10  }
0x35: {  	s10 =	sld [smem:$0x3FB1];
	_ =	sdelay $0x3  }
0x36: {  	p1 =	seq.s32 s10, $0x1;
	s10 =	sld [smem:$0x3FB2];
	_ =	sdelay $0x3  }
0x37: {  	[smem:$0x3FB2] =	sst s10  }
0x38: {  	s10 =	sld [smem:$0x3FB3]  }
0x39: {  	_ = 	snop;
	(pc) =	sbr.ind lr, $3  }
0x3a: {  	_ = 	snop  }
0x3b: {  	_ = 	snop  }
0x3c: {  	p2 =	seq.s32 s10, $0x1;
	s10 =	sld [smem:$0x3FB2]  }
0x3d: {  	_ =	shalt  }
0x3e: {  	_ =	shalt  }
0x3f: {  	_ =	shalt  }
0x40: {  	_ =	shalt  }
0x41: {  	_ =	shalt  }
0x42: {  	_ =	shalt  }
0x43: {  	_ =	shalt  }
0x44: {  	_ =	shalt  }
0x45: {  	_ =	shalt  }
0x46: {  	_ =	shalt  }
0x47: {  	_ =	shalt  }
0x48: {  	_ =	shalt  }
0x49: {  	_ =	shalt  }
0x4a: {  	_ =	shalt  }
0x4b: {  	_ =	shalt  }
0x4c: {  	_ =	shalt  }
0x4d: {  	_ =	shalt  }
0x4e: {  	_ =	shalt  }
0x4f: {  	_ =	shalt  }
0x50: {  	_ =	shalt  }
0x51: {  	_ =	shalt  }
0x52: {  	_ =	shalt  }
0x53: {  	_ =	shalt  }
0x54: {  	_ =	shalt  }
0x55: {  	_ =	shalt  }
0x56: {  	_ =	shalt  }
0x57: {  	_ =	shalt  }
0x58: {  	_ =	shalt  }
0x59: {  	_ =	shalt  }
0x5a: {  	_ =	shalt  }
0x5b: {  	_ =	shalt  }
0x5c: {  	_ =	shalt  }
0x5d: {  	_ =	shalt  }
0x5e: {  	_ =	shalt  }
0x5f: {  	_ =	shalt  }
0x60: {  	_ =	shalt  }
0x61: {  	_ =	shalt  }
0x62: {  	_ =	shalt  }
0x63: {  	_ =	shalt  }
0x64: {  	_ =	shalt  }
0x65: {  	_ =	shalt  }
0x66: {  	_ =	shalt  }
0x67: {  	_ =	shalt  }
0x68: {  	_ =	shalt  }
0x69: {  	_ =	shalt  }
0x6a: {  	_ =	shalt  }
0x6b: {  	_ =	shalt  }
0x6c: {  	_ =	shalt  }
0x6d: {  	_ =	shalt  }
0x6e: {  	_ =	shalt  }
0x6f: {  	_ =	shalt  }
0x70: {  	_ =	shalt  }
0x71: {  	_ =	shalt  }
0x72: {  	_ =	shalt  }
0x73: {  	_ =	shalt  }
0x74: {  	_ =	shalt  }
0x75: {  	_ =	shalt  }
0x76: {  	_ =	shalt  }
0x77: {  	_ =	shalt  }
0x78: {  	_ =	shalt  }
0x79: {  	_ =	shalt  }
0x7a: {  	_ =	shalt  }
0x7b: {  	_ =	shalt  }
0x7c: {  	_ =	shalt  }
0x7d: {  	_ =	shalt  }
0x7e: {  	_ =	shalt  }
0x7f: {  	_ =	shalt  }
0x80: {  	_ =	shalt  }
0x81: {  	_ =	shalt  }
0x82: {  	_ =	shalt  }
0x83: {  	_ =	shalt  }
0x84: {  	_ =	shalt  }
0x85: {  	_ =	shalt  }
0x86: {  	_ =	shalt  }
0x87: {  	_ =	shalt  }
.Lfunc_end0:
.L_simem_size_0:
called_computation.4_lowered:
.L_overlay_start_0:
0x88: {  	s0 =	sld [smem:$0x3FD9]  }
0x89: {  	s1 =	sld [smem:$0x3FFE];
	_ =	sdelay $0x3  }
0x8a: {  	s0 =	sadd.s32 s1, s0  }
0x8b: {  	[smem:$0x3FBE] =	sst s0  }
0x8c: {  	_ = 	snop  }
0x8d: {  	s0 =	sld [smem:$0x3FD0];
	_ =	sdelay $0x2  }
0x8e: {  	s13 =	simm.s32 $0xB;
	s2 =	simm.s32 $0x10  }
0x8f: {  	[smem:s2], [sflag:s13] =	dma.local [hbm:s0], $0x1  }
0x90: {  	_ =	swait.eq [sflag:s13], $0x1  }
0x91: {  	[sflag:s13] =	ssyncset.done $0x0  }
0x92: {  	[sflag:s13] =	ssyncadd.s32 $0xFFFFFFFF  }
0x93: {  	s14 =	sld [smem:$0x10];
	(tm) =	ssettm $0x1  }
0x94: {  	s15 =	sld [smem:$0x3FFB];
	_ =	sdelay $0x3  }
0x95: {  	_ =	strace s15  }
0x96: {  	s1 =	sld [smem:$0x3FFC];
	_ =	sdelay $0x3  }
0x97: {  	_ =	strace s1  }
0x98: {  	s1 =	sld [smem:$0x3FFD];
	_ =	sdelay $0x3  }
0x99: {  	_ =	strace s1  }
0x9a: {  	_ =	strace $0x8FFFFFFF  }
0x9b: {  	s16 =	sld [smem:$0x3FDB];
	_ =	sdelay $0x1  }
0x9c: {  	s17 =	simm.s32 $_scs_section_size  }
0x9d: {  	s3 =	simm.s32 $_size__tile_overlayer_lowered;
	s4 =	simm.s32 $_tile_overlayer_lowered  }
0x9e: {  	s20 =	simm.s32 $0x1BFF;
	s19 =	sshll.u32 s4, $0x1;
	s1 =	sadd.s32 s17, s16  }
0x9f: {  	s5 =	simm.s32 $0x0;
	s18 =	sshll.u32 s3, $0x1;
	s3 =	sadd.s32 s19, s1  }
0xa0: {  	[timem:s5], [sflag:s20] =	dma.local [hbm:s3], s18  }
0xa1: {  	_ =	swait.ge [sflag:s20], s18  }
0xa2: {  	s2 =	ssub.s32 $0x0, s18;
	[sflag:s20] =	ssyncset.done $0x0  }
0xa3: {  	[sflag:s20] =	ssyncadd.s32 s2;
	_ =	sdelay $0x1  }
0xa4: {  	s21 =	simm.s32 $0x1B8B  }
0xa5: {  	_ =	swait.ge [sflag:s21], $0x1  }
0xa6: {  	[sflag:s21] =	ssyncset.done $0x0  }
0xa7: {  	s23 =	simm.s32 $0x1B8E;
	s22 =	sld [smem:$0x3FFE];
	[sflag:s21] =	ssyncadd.s32 $0xFFFFFFFF  }
0xa8: {  	s24 =	simm.s32 $execute0_lowered;
	[smem:$0x3FD2] =	sst s23  }
0xa9: {  	s3 =	sshll.u32 s24, $0x1;
	_ =	strace $0x80000052;
	[dreg:$0x1] =	wrdreg $0xFFFFFFFF  }
0xaa: {  	s25 =	simm.s32 $_size_execute0_lowered;
	s1 =	sadd.s32 s1, s3;
	[dreg:$0x0] =	wrdreg $0x0  }
0xab: {  	s3 =	sshll.u32 s25, $0x1;
	[dreg:$0x2] =	wrdreg s1  }
0xac: {  	[dreg:$0x3] =	wrdreg s3  }
0xad: {  	[dreg:$0x4] =	wrdreg $0xC0  }
0xae: {  	_ =	task [dreg:s5], $0x5FFFF  }
0xaf: {  	[dreg:$0x1] =	wrdreg $0xFFFFFFFF  }
0xb0: {  	[dreg:$0x0] =	wrdreg $0x60  }
0xb1: {  	[dreg:$0x2] =	wrdreg s22  }
0xb2: {  	[dreg:$0x3] =	wrdreg s14  }
0xb3: {  	[dreg:$0x4] =	wrdreg $0x9  }
0xb4: {  	_ =	task.clear_ibuf [dreg:s5], $0x5FFFF;
	_ =	strace $0x90000052  }
0xb5: {  	s26 =	simm.s32 $0x9;
	_ =	strace $0x80000054  }
0xb6: {  	_ =	swait.ge [sflag:s26], $0x1  }
0xb7: {  	[sflag:s26] =	ssyncadd.s32 $0xFFFFFFFF  }
0xb8: {  	_ =	strace $0x90000054  }
0xb9: {  	_ =	sfence  }
0xba: {  	s28 =	sld [smem:$0x0];
	_ =	sdelay $0x1  }
0xbb: {  	s29 =	srdreg.scid  }
0xbc: {  	s30 =	sshll.u32 s29, $0xD;
	s31 =	sshrl.u32 s29, $0x2  }
0xbd: {  	s2 =	sand.u32 $0x4000, s30;
	s1 =	sand.u32 $0x1, s29;
	s0 =	sadd.s32 s31, s28  }
0xbe: {  	s1 =	sor.u32 s2, s1;
	s0 =	sshll.u32 s0, $0x11  }
0xbf: {  	s0 =	sor.u32 s0, s1  }
0xc0: {  	s0 =	sadd.s32 $0x8F2B, s0  }
0xc1: {  	[sflag:s0] =	ssyncadd.remote.s32 $0x1  }
0xc2: {  	_ =	sfence.sel $0xFFFF  }
0xc3: {  	[dreg:$0x0] =	wrdreg $0xFFFFFFFF;
	(pc) =	sbr.abs _section_cstart, $3  }
0xc4: {  	[dreg:$0x1] =	wrdreg $0xFFFFFFFF  }
0xc5: {  	_ =	task.clear_ibuf [dreg:s5], $0x2FFFF;
	_ =	strace $0x9FFFFFFF  }
0xc6: {  	(tm) =	ssettm $0x7FFFFFFF  }
0xc7: {  	_ =	shalt  }
tec
execute0_lowered:
.L_overlay_start_1:
0x0: {  	(tag) =	ssettag $0x1  }
0x1: {  	s0 =	stileid.u32  }
0x2: {  	s1 =	smin.u32 s0, $0x9  }
0x3: {  	s1 =	sadd.s32 s0, s1  }
0x4: {  	s2 =	simm.s32 $0x190;
	p0 =	slt.u32 s0, $0x9;
	s1 =	smul.u32 $0xC8, s1  }
0x5: {  	s2 =	simm.s32 @!p0 $0xC8  }
0x6: {  	s2 =	sadd.s32 s2, s1  }
0x7: {  	s3 =	smin.u32 s2, $0x1388  }
0x8: {  	s7 =	ssub.s32 s3, s1  }
0x9: {  	p0 =	sgt.s32 s7, $0x0  }
0xa: {  	s7 =	simm.s32 @!p0 $0x0  }
0xb: {  	s31 =	sand.u32 $0xFFF8, s7  }
0xc: {  	s2 =	sshrl.u32 s31, $0x3  }
0xd: {  	s9 =	rddreg [dreg:$0x0];
	s2 =	smul.u32 $0x147B, s2  }
0xe: {  	s4 =	rddreg [dreg:$0x1];
	s6 =	simm.s32 $0x1  }
0xf: {  	s11 =	simm.s32 $0x3;
	s13 =	simm.s32 $0x0;
	s8 =	sshrl.u32 s2, $0x11  }
0x10: {  	s12 =	simm.s32 $0x0;
	s5 =	sadd.s32 $0x2E00, s9;
	s10 =	smul.u32 $0xC8, s8  }
.Ltmp0:
0x11: {  	s9 =	sadd.s32 $0x2A000, s9;
	s2 =	rddreg [dreg:$0x2];
	(pc) =	sbr.rel .LBB2_1-.Ltmp0, $4  }
0x12: {  	_ =	strace $0x80000053;
	p0 =	sne.s32 s7, s10;
	s10 =	simm.s32 $0x1  }
0x13: {  	[sflag:s6] =	ssyncpa.u1 $0x0;
	s7 =	simm.s32 $0x2;
	s10 =	simm.s32 @!p0 $0x0  }
0x14: {  	[sflag:s7] =	ssyncpa.u1 $0x0;
	p0 =	por $0x0, $0x0;
	s8 =	sadd.s32 s8, s10  }
0x15: {  	vm0 =	vmmov $0xff;
	vm1 =	vcmask $0x3F20;
	[sflag:s11] =	ssyncpa.u1 $0x0;
	s11 =	smov.u32 s1;
	s10 =	sadd.s32 $0x1, s8  }
.LBB2_6:
0x16: {  	[hbm:s17] =	stream.linear.scatter [tilespmem:s14], [sflag:$0x3], $0x400, $0x38;
	[tilespmem:$0xC990] =	vst v63  }
.LBB2_7:
0x17: {  	s13 =	sadd.s32 $0xC8, s11  }
0x18: {  	s15 =	smov.u32 s1;
	p2 =	slt.s32 s13, s3  }
0x19: {  	s15 =	smov.u32 @p2 s13;
	p2 =	sne.s32 s12, s10  }
.Ltmp1:
0x1a: {  	p1 =	slt.u32 s12, $0x2;
	(pc) =	sbr.rel @!p2 .LBB2_8-.Ltmp1, $4  }
0x1b: {  	s14 =	simm.s32 @!p1 $0x3  }
0x1c: {  	s16 =	sadd.s32 $0x1, s12;
	_ =	swait.ge @!p1 [sflag:s14], $0x6400  }
0x1d: {  	p0 =	por !p0, !p0;
	s13 =	smov.u32 s11;
	[sflag:s14] =	ssyncset.done @!p1 $0x0  }
0x1e: {  	s12 =	smov.u32 s16;
	s11 =	smov.u32 s15;
	[sflag:s14] =	ssyncadd.s32 @!p1 $0xFFFF9C00  }
.LBB2_1:
0x1f: {  	p1 =	sge.u32 s12, s8  }
0x20: {  	s14 =	sxor.u32 @!p1 $0xFFFFFFFF, s12  }
0x21: {  	s14 =	sand.u32 @!p1 $0x1, s14  }
0x22: {  	s14 =	smul.u32 @!p1 $0x320, s14  }
0x23: {  	s31 =	sadd.s32 $0xFFFFFFFF, s12;
	s15 =	sshrl.u32 @!p1 s11, $0x3  }
0x24: {  	s16 =	sand.u32 @!p1 $0x7, s11;
	s15 =	sadd.s32 @!p1 s9, s15;
	s14 =	sshrl.u32 @!p1 s14, $0x2  }
0x25: {  	[tilespmem:s14], [sflag:$0x2] =	stream.linear.gather @!p1 [hbm4b:s15+s16], $0xC8, $0x38;
	[tilespmem:$0xC990] =	vst v63  }
0x26: {  	p1 =	sge.u32 s31, s8  }
.Ltmp2:
0x27: {  	_ = 	snop;
	(pc) =	sbr.rel @p1 .LBB2_7-.Ltmp2, $1  }
0x28: {  	_ =	sdelay $0x3  }
0x29: {  	s14 =	simm.s32 $0x1  }
0x2a: {  	s14 =	simm.s32 @!p0 $0x0  }
0x2b: {  	s15 =	smul.u32 $0x320, s14  }
0x2c: {  	_ =	swait.ge [sflag:s7], $0xC8  }
0x2d: {  	[sflag:s7] =	ssyncset.done $0x0;
	s16 =	sshrl.u32 s15, $0x2  }
0x2e: {  	[sflag:s7] =	ssyncadd.s32 $0xFFFFFF38;
	s15 =	sadd.s32 $0x0, s16  }
0x2f: {  	v0 =	vld.msk [tilespmem:s15+$0x0 ss:$0x1], $0xffff;
	_ =	sdelay $0x4  }
0x30: {  	vm2 =	vgt.s32 v0, $0x0  }
0x31: {  	v0 =	vnsel vm2, $0x0, v0  }
0x32: {  	v0 =	vmin.u32 v0, $0x270F  }
0x33: {  	v0 =	vshll.u32 v0, $0x4  }
0x34: {  	s14 =	smul.u32 $0x19000, s14  }
0x35: {  	s31 =	sand.u32 $0x1, s12  }
0x36: {  	s17 =	smul.u32 $0x320, s31;
	s14 =	sshrl.u32 s14, $0x2  }
0x37: {  	s19 =	smul.u32 $0x19000, s31;
	s14 =	sor.u32 $0x190, s14  }
0x38: {  	[tilespmem:s14], [sflag:$0x1] =	stream.indirect_vreg.gather [hbm:s5], $0x80, v0, vm0, $0x38;
	[tilespmem:$0xC990] =	vst v63  }
0x39: {  	s18 =	sshrl.u32 s17, $0x2;
	s20 =	sadd.s32 $0x10, s16;
	s15 =	sadd.s32 $0x400, s14  }
0x3a: {  	[tilespmem:s15], [sflag:$0x1] =	stream.indirect_vreg.gather [hbm:s5], $0x80, v0, vm1, $0x38;
	[tilespmem:$0xC990] =	vst v63  }
0x3b: {  	s17 =	sshrl.u32 s19, $0x2;
	s19 =	smov.u32 s14;
	v0 =	vld.msk [tilespmem:s20+$0x0 ss:$0x1], $0xffff;
	s20 =	simm.s32 $0x80  }
.LBB2_3:
0x3c: {  	p1 =	sne.s32 s20, $0x2C0;
	_ =	sdelay $0x4  }
0x3d: {  	vm2 =	vgt.s32 v0, $0x0  }
0x3e: {  	v0 =	vnsel vm2, $0x0, v0  }
0x3f: {  	v0 =	vmin.u32 v0, $0x270F  }
0x40: {  	v0 =	vshll.u32 v0, $0x4;
	_ =	sdelay $0x3  }
.Ltmp3:
0x41: {  	s21 =	sshra.s32 s20, $0x2;
	s19 =	sadd.s32 $0x800, s19;
	(pc) =	sbr.rel @p1 .LBB2_3-.Ltmp3, $4  }
0x42: {  	[tilespmem:s19], [sflag:$0x1] =	stream.indirect_vreg.gather [hbm:s5], $0x80, v0, vm0, $0x38;
	[tilespmem:$0xC990] =	vst v63  }
0x43: {  	s21 =	sadd.s32 s21, s16;
	s22 =	sadd.s32 $0x400, s19  }
0x44: {  	[tilespmem:s22], [sflag:$0x1] =	stream.indirect_vreg.gather [hbm:s5], $0x80, v0, vm1, $0x38;
	[tilespmem:$0xC990] =	vst v63  }
0x45: {  	s20 =	sadd.s32 $0x40, s20;
	v0 =	vld.msk [tilespmem:s21+$0x0 ss:$0x1], $0xffff  }
0x46: {  	_ =	sdelay $0x3  }
0x47: {  	vm2 =	vgt.s32 v0, $0x0  }
0x48: {  	v0 =	vnsel vm2, $0x0, v0  }
0x49: {  	v0 =	vmin.u32 v0, $0x270F  }
0x4a: {  	v0 =	vshll.u32 v0, $0x4;
	_ =	sdelay $0x3  }
0x4b: {  	s16 =	sadd.s32 $0x800, s19  }
0x4c: {  	[tilespmem:s16], [sflag:$0x1] =	stream.indirect_vreg.gather [hbm:s5], $0x80, v0, vm0, $0x38;
	[tilespmem:$0xC990] =	vst v63  }
0x4d: {  	s16 =	sadd.s32 $0x400, s16  }
0x4e: {  	[tilespmem:s16], [sflag:$0x1] =	stream.indirect_vreg.gather [hbm:s5], $0x80, v0, vm1, $0x38;
	[tilespmem:$0xC990] =	vst v63  }
0x4f: {  	v0 =	vld.msk [tilespmem:s18+$0xC0 ss:$0x1], $0xff;
	_ =	sdelay $0x4  }
0x50: {  	vm2 =	vgt.s32 v0, $0x0  }
0x51: {  	v0 =	vnsel vm2, $0x0, v0  }
0x52: {  	v0 =	vmin.u32 v0, $0x270F  }
0x53: {  	v0 =	vshll.u32 v0, $0x4;
	_ =	sdelay $0x3  }
0x54: {  	s31 =	sadd.s32 $0x6190, s17  }
0x55: {  	[tilespmem:s31], [sflag:$0x1] =	stream.indirect_vreg.gather [hbm:s5], $0x80, v0, vm0, $0x38;
	[tilespmem:$0xC990] =	vst v63  }
0x56: {  	s13 =	sshll.u32 s13, $0x4;
	_ =	swait.ge [sflag:s6], $0x6400  }
0x57: {  	s13 =	sadd.s32 s13, s4;
	[sflag:s6] =	ssyncset.done $0x0  }
0x58: {  	s17 =	sadd.s32 $0x0, s13;
	s16 =	simm.s32 $0x80;
	[sflag:s6] =	ssyncadd.s32 $0xFFFF9C00  }
.LBB2_5:
0x59: {  	[hbm:s17] =	stream.linear.scatter [tilespmem:s14], [sflag:$0x3], $0x400, $0x38;
	[tilespmem:$0xC990] =	vst v63  }
0x5a: {  	s17 =	smov.u32 s16;
	s14 =	smov.u32 s15;
	p1 =	sne.s32 s16, $0xC00  }
.Ltmp4:
0x5b: {  	s16 =	sadd.s32 $0x80, s16;
	(pc) =	sbr.rel @p1 .LBB2_5-.Ltmp4, $2  }
0x5c: {  	_ =	sdelay $0x2  }
0x5d: {  	s15 =	sadd.s32 $0x400, s15;
	s17 =	sadd.s32 s17, s13  }
.Ltmp5:
0x5e: {  	_ = 	snop;
	(pc) =	sbr.rel .LBB2_6-.Ltmp5, $1  }
0x5f: {  	_ =	sdelay $0x3  }
.LBB2_8:
0x60: {  	_ =	sfence.sel $0x180000  }
0x61: {  	s1 =	simm.s32 $0x2;
	[bflag:$0x0] =	sbarrier.arrive $0xFFFF  }
0x62: {  	s30 =	simm.s32 $0x3;
	[sflag:s1] =	ssyncpa.u1 $0x1  }
0x63: {  	s31 =	simm.s32 $0x1;
	[sflag:s30] =	ssyncpa.u1 $0x1  }
0x64: {  	[sflag:s31] =	ssyncpa.u1 $0x1  }
0x65: {  	p0 =	sne.s32 s0, $0x0;
	_ =	strace $0x90000053  }
0x66: {  	s0 =	sadd.s32 @!p0 $0x100000, s2;
	[bflag:$0x2] =	sbarrier.arrive $0xFFFF  }
0x67: {  	[sflag:s0] =	ssyncadd.tile.s32 @!p0 $0x1;
	_ =	shalt  }
.Lfunc_end2:
_tile_overlayer_lowered:
.L_overlay_start_2:
0x68: {  	(tag) =	ssettag $0x2  }
0x69: {  	s0 =	rddreg [dreg:$0x0];
	s2 =	stileid.u32  }
0x6a: {  	s1 =	rddreg [dreg:$0x1];
	p0 =	sne.s32 s2, $0x0  }
0x6b: {  	s3 =	rddreg [dreg:$0x2];
	[bflag:$0x3] =	sbarrier.arrive $0xFFFF;
	s2 =	simm.s32 @!p0 $0x1C01  }
0x6c: {  	[timem:s3], [sflag:s2] =	dma.local @!p0 [hbm:s0], s1  }
0x6d: {  	s0 =	simm.s32 @!p0 $0x1  }
0x6e: {  	_ =	swait.ge @!p0 [sflag:s0], s1  }
0x6f: {  	s1 =	ssub.s32 @!p0 $0x0, s1;
	[sflag:s0] =	ssyncset.done @!p0 $0x0  }
0x70: {  	[sflag:s0] =	ssyncadd.s32 @!p0 s1  }
0x71: {  	[bflag:$0x3] =	sbarrier.arrive $0xFFFF  }
0x72: {  	_ =	shalt  }

// kernel: scatter_offload_async_start.1
scs
__scs_entry_jumppad:
0x0: {  	(pc) =	sbr.rel $0x88, $3  }
0x1: {  	(tag) =	ssettag $0x0;
	lr =	simm.s32 $0x1  }
0x2: {  	[smem:$0x3F97] =	sst lr;
	_ =	strace $0xD0000000  }
0x3: {  	_ = 	snop  }
0x4: {  	_ = 	snop  }
0x5: {  	_ = 	snop  }
0x6: {  	_ = 	snop  }
0x7: {  	_ = 	snop  }
__scs_overlays_trampoline_lowered:
0x8: {  	[smem:$0x3FA6] =	sst s0  }
0x9: {  	[smem:$0x3FA7] =	sst s1  }
0xa: {  	[smem:$0x3FA8] =	sst s2  }
0xb: {  	[smem:$0x3FA9] =	sst s3  }
0xc: {  	[smem:$0x3FAA] =	sst s4  }
0xd: {  	[smem:$0x3FAB] =	sst s5  }
0xe: {  	[smem:$0x3FAC] =	sst s6  }
0xf: {  	[smem:$0x3FAD] =	sst s7  }
0x10: {  	[smem:$0x3FAE] =	sst s8  }
0x11: {  	[smem:$0x3FAF] =	sst s9;
	s0 =	simm.s32 @!p0 $0x0  }
0x12: {  	s1 =	sld [smem:$0x3F95];
	s0 =	simm.s32 @p0 $0x1  }
0x13: {  	[smem:$0x3FB0] =	sst s0;
	s0 =	simm.s32 @!p1 $0x0  }
0x14: {  	s2 =	sld [smem:$0x3F94];
	s0 =	simm.s32 @p1 $0x1  }
0x15: {  	[smem:$0x3FB1] =	sst s0;
	s0 =	simm.s32 @!p2 $0x0  }
0x16: {  	s3 =	sld [smem:$0x3FDB];
	s0 =	simm.s32 @p2 $0x1  }
0x17: {  	s4 =	simm.s32 $0x1BF5;
	[smem:$0x3FB3] =	sst s0  }
0x18: {  	s0 =	sld [smem:$0x3F96];
	_ =	swait.ge [sflag:s4], $0x0  }
0x19: {  	s7 =	sld [smem:$0x3F97]  }
0x1a: {  	s8 =	sadd.s32 $0xFFFFE003, lr  }
0x1b: {  	s9 =	sadd.s32 $0xFFFFFEF7, lr;
	s5 =	simm.s32 $0xFFFFFFFF;
	p2 =	slt.u32 s8, $0xFFFFF086  }
0x1c: {  	p1 =	slt.u32 s9, $0xF7A;
	s5 =	simm.s32 @!p2 $0x0  }
0x1d: {  	s5 =	simm.s32 @p1 $0x1;
	p0 =	seq.s32 s7, s2  }
0x1e: {  	s7 =	smul.u32 @!p0 $0xF7A, s2;
	p2 =	seq.s32 @!p0 s5, $0x0  }
0x1f: {  	s9 =	smul.u32 $0xF7A, s1;
	s8 =	simm.s32 @!p0 $0x1BF5;
	p2 =	por !p2, p0  }
0x20: {  	[sflag:s8] =	ssyncset.s32 @!p0 $0xFFFFF086;
	s6 =	sadd.s32 @!p0 s3, s7;
	s7 =	simm.s32 @!p0 $0x108  }
0x21: {  	s3 =	sadd.s32 s3, s9;
	s6 =	sadd.s32 @!p0 $0x88, s6;
	s7 =	simm.s32 @p2 $0x1082  }
0x22: {  	[simem:s7], [sflag:s8] =	dma.local @!p0 [hbm:s6], $0xF7A  }
0x23: {  	s9 =	sor.u32 $0xD0000000, s2;
	s6 =	simm.s32 $0x108;
	_ =	swait.ge @!p0 [sflag:s8], $0x0  }
0x24: {  	s3 =	sadd.s32 $0x88, s3;
	s6 =	simm.s32 @!p1 $0x1082;
	[sflag:s4] =	ssyncset.s32 $0xFFFFF086  }
0x25: {  	[simem:s6], [sflag:s4] =	dma.local [hbm:s3], $0xF7A  }
0x26: {  	[smem:$0x3F97] =	sst s1;
	(tag) =	ssettag s2;
	_ =	strace s9  }
0x27: {  	s1 =	sld [smem:$0x3FA7]  }
0x28: {  	s2 =	sld [smem:$0x3FA8]  }
0x29: {  	s4 =	sld [smem:$0x3FAA]  }
0x2a: {  	p0 =	seq.s32 s5, $0x0;
	s5 =	sld [smem:$0x3FAB]  }
0x2b: {  	s6 =	sld [smem:$0x3FAC]  }
0x2c: {  	s7 =	sld [smem:$0x3FAD]  }
0x2d: {  	s3 =	simm.s32 $0x108;
	s8 =	sld [smem:$0x3FAE]  }
0x2e: {  	s3 =	simm.s32 @!p0 $0x1082;
	s9 =	sld [smem:$0x3FAF]  }
0x2f: {  	lr =	sadd.s32 s0, s3;
	s0 =	sld [smem:$0x3FA6]  }
0x30: {  	s3 =	sld [smem:$0x3FA9]  }
0x31: {  	[smem:$0x3FB2] =	sst s10  }
0x32: {  	s10 =	sld [smem:$0x3FB0];
	_ =	sdelay $0x3  }
0x33: {  	p0 =	seq.s32 s10, $0x1;
	s10 =	sld [smem:$0x3FB2];
	_ =	sdelay $0x3  }
0x34: {  	[smem:$0x3FB2] =	sst s10  }
0x35: {  	s10 =	sld [smem:$0x3FB1];
	_ =	sdelay $0x3  }
0x36: {  	p1 =	seq.s32 s10, $0x1;
	s10 =	sld [smem:$0x3FB2];
	_ =	sdelay $0x3  }
0x37: {  	[smem:$0x3FB2] =	sst s10  }
0x38: {  	s10 =	sld [smem:$0x3FB3]  }
0x39: {  	_ = 	snop;
	(pc) =	sbr.ind lr, $3  }
0x3a: {  	_ = 	snop  }
0x3b: {  	_ = 	snop  }
0x3c: {  	p2 =	seq.s32 s10, $0x1;
	s10 =	sld [smem:$0x3FB2]  }
0x3d: {  	_ =	shalt  }
0x3e: {  	_ =	shalt  }
0x3f: {  	_ =	shalt  }
0x40: {  	_ =	shalt  }
0x41: {  	_ =	shalt  }
0x42: {  	_ =	shalt  }
0x43: {  	_ =	shalt  }
0x44: {  	_ =	shalt  }
0x45: {  	_ =	shalt  }
0x46: {  	_ =	shalt  }
0x47: {  	_ =	shalt  }
0x48: {  	_ =	shalt  }
0x49: {  	_ =	shalt  }
0x4a: {  	_ =	shalt  }
0x4b: {  	_ =	shalt  }
0x4c: {  	_ =	shalt  }
0x4d: {  	_ =	shalt  }
0x4e: {  	_ =	shalt  }
0x4f: {  	_ =	shalt  }
0x50: {  	_ =	shalt  }
0x51: {  	_ =	shalt  }
0x52: {  	_ =	shalt  }
0x53: {  	_ =	shalt  }
0x54: {  	_ =	shalt  }
0x55: {  	_ =	shalt  }
0x56: {  	_ =	shalt  }
0x57: {  	_ =	shalt  }
0x58: {  	_ =	shalt  }
0x59: {  	_ =	shalt  }
0x5a: {  	_ =	shalt  }
0x5b: {  	_ =	shalt  }
0x5c: {  	_ =	shalt  }
0x5d: {  	_ =	shalt  }
0x5e: {  	_ =	shalt  }
0x5f: {  	_ =	shalt  }
0x60: {  	_ =	shalt  }
0x61: {  	_ =	shalt  }
0x62: {  	_ =	shalt  }
0x63: {  	_ =	shalt  }
0x64: {  	_ =	shalt  }
0x65: {  	_ =	shalt  }
0x66: {  	_ =	shalt  }
0x67: {  	_ =	shalt  }
0x68: {  	_ =	shalt  }
0x69: {  	_ =	shalt  }
0x6a: {  	_ =	shalt  }
0x6b: {  	_ =	shalt  }
0x6c: {  	_ =	shalt  }
0x6d: {  	_ =	shalt  }
0x6e: {  	_ =	shalt  }
0x6f: {  	_ =	shalt  }
0x70: {  	_ =	shalt  }
0x71: {  	_ =	shalt  }
0x72: {  	_ =	shalt  }
0x73: {  	_ =	shalt  }
0x74: {  	_ =	shalt  }
0x75: {  	_ =	shalt  }
0x76: {  	_ =	shalt  }
0x77: {  	_ =	shalt  }
0x78: {  	_ =	shalt  }
0x79: {  	_ =	shalt  }
0x7a: {  	_ =	shalt  }
0x7b: {  	_ =	shalt  }
0x7c: {  	_ =	shalt  }
0x7d: {  	_ =	shalt  }
0x7e: {  	_ =	shalt  }
0x7f: {  	_ =	shalt  }
0x80: {  	_ =	shalt  }
0x81: {  	_ =	shalt  }
0x82: {  	_ =	shalt  }
0x83: {  	_ =	shalt  }
0x84: {  	_ =	shalt  }
0x85: {  	_ =	shalt  }
0x86: {  	_ =	shalt  }
0x87: {  	_ =	shalt  }
.Lfunc_end0:
.L_simem_size_0:
called_computation.1_lowered:
.L_overlay_start_0:
0x88: {  	s2 =	sld [smem:$0x3FD9]  }
0x89: {  	s3 =	sld [smem:$0x3FFE];
	_ =	sdelay $0x1  }
0x8a: {  	s1 =	srdreg.scid  }
0x8b: {  	s0 =	sand.u32 $0x1, s1  }
0x8c: {  	s13 =	sshll.u32 s0, $0xA;
	s2 =	sadd.s32 s3, s2  }
0x8d: {  	s2 =	sadd.s32 s2, s13  }
0x8e: {  	[smem:$0x3FBE] =	sst s2  }
0x8f: {  	_ = 	snop  }
0x90: {  	s2 =	sld [smem:$0x3FD0];
	_ =	sdelay $0x2  }
0x91: {  	s14 =	simm.s32 $0xB;
	s4 =	simm.s32 $0x10  }
0x92: {  	[smem:s4], [sflag:s14] =	dma.local [hbm:s2], $0x1  }
0x93: {  	_ =	swait.eq [sflag:s14], $0x1  }
0x94: {  	[sflag:s14] =	ssyncset.done $0x0  }
0x95: {  	[sflag:s14] =	ssyncadd.s32 $0xFFFFFFFF  }
0x96: {  	s15 =	sld [smem:$0x12];
	(tm) =	ssettm $0x1  }
0x97: {  	s16 =	sld [smem:$0x3FFB];
	_ =	sdelay $0x3  }
0x98: {  	_ =	strace s16  }
0x99: {  	s3 =	sld [smem:$0x3FFC];
	_ =	sdelay $0x3  }
0x9a: {  	_ =	strace s3  }
0x9b: {  	s3 =	sld [smem:$0x3FFD];
	_ =	sdelay $0x3  }
0x9c: {  	_ =	strace s3  }
0x9d: {  	_ =	strace $0x8FFFFFFF  }
0x9e: {  	s17 =	sld [smem:$0x3FDB];
	_ =	sdelay $0x1  }
0x9f: {  	s18 =	simm.s32 $_scs_section_size  }
0xa0: {  	s5 =	simm.s32 $_size__tile_overlayer_lowered;
	s6 =	simm.s32 $_tile_overlayer_lowered  }
0xa1: {  	s21 =	simm.s32 $0x1BFF;
	s20 =	sshll.u32 s6, $0x1;
	s3 =	sadd.s32 s18, s17  }
0xa2: {  	s7 =	simm.s32 $0x0;
	s19 =	sshll.u32 s5, $0x1;
	s5 =	sadd.s32 s20, s3  }
0xa3: {  	[timem:s7], [sflag:s21] =	dma.local [hbm:s5], s19  }
0xa4: {  	_ =	swait.ge [sflag:s21], s19  }
0xa5: {  	s4 =	ssub.s32 $0x0, s19;
	[sflag:s21] =	ssyncset.done $0x0  }
0xa6: {  	[sflag:s21] =	ssyncadd.s32 s4;
	_ =	sdelay $0x1  }
0xa7: {  	s22 =	simm.s32 $0x1B8B  }
0xa8: {  	_ =	swait.ge [sflag:s22], $0x1  }
0xa9: {  	[sflag:s22] =	ssyncset.done $0x0  }
0xaa: {  	s23 =	sld [smem:$0x3FFE];
	[sflag:s22] =	ssyncadd.s32 $0xFFFFFFFF  }
0xab: {  	s25 =	simm.s32 $0x1B8E;
	s24 =	sld [smem:$0x0]  }
0xac: {  	s26 =	simm.s32 $execute0_lowered;
	[smem:$0x3FD2] =	sst s25  }
0xad: {  	s6 =	sshll.u32 s26, $0x1;
	_ =	strace $0x8000004C;
	[dreg:$0x1] =	wrdreg $0xFFFFFFFF  }
0xae: {  	s28 =	simm.s32 $_size_execute0_lowered;
	s3 =	sadd.s32 s3, s6;
	[dreg:$0x0] =	wrdreg $0x0  }
0xaf: {  	s6 =	sshll.u32 s28, $0x1;
	[dreg:$0x2] =	wrdreg s3  }
0xb0: {  	[dreg:$0x3] =	wrdreg s6  }
0xb1: {  	[dreg:$0x4] =	wrdreg $0xC0  }
0xb2: {  	_ =	task [dreg:s7], $0x5FFFF  }
0xb3: {  	[dreg:$0x1] =	wrdreg $0xFFFFFFFF  }
0xb4: {  	[dreg:$0x0] =	wrdreg $0x60  }
0xb5: {  	[dreg:$0x2] =	wrdreg s15  }
0xb6: {  	[dreg:$0x3] =	wrdreg s23  }
0xb7: {  	[dreg:$0x4] =	wrdreg s1  }
0xb8: {  	[dreg:$0x5] =	wrdreg s24  }
0xb9: {  	[dreg:$0x6] =	wrdreg $0x9  }
0xba: {  	_ =	task.clear_ibuf [dreg:s7], $0x7FFFF;
	_ =	strace $0x9000004C  }
0xbb: {  	s29 =	simm.s32 $0x9;
	_ =	strace $0x8000004E  }
0xbc: {  	_ =	swait.ge [sflag:s29], $0x1  }
0xbd: {  	[sflag:s29] =	ssyncadd.s32 $0xFFFFFFFF  }
0xbe: {  	_ =	strace $0x9000004E  }
0xbf: {  	_ =	sfence  }
0xc0: {  	s30 =	sld [smem:$0x0];
	_ =	sdelay $0x2  }
0xc1: {  	s31 =	sshll.u32 s1, $0xD;
	s1 =	sshrl.u32 s1, $0x2  }
0xc2: {  	s3 =	sand.u32 $0x4000, s31;
	s1 =	sadd.s32 s1, s30  }
0xc3: {  	s0 =	sor.u32 s3, s0;
	s1 =	sshll.u32 s1, $0x11  }
0xc4: {  	s0 =	sor.u32 s1, s0  }
0xc5: {  	s0 =	sadd.s32 $0x8F2B, s0  }
0xc6: {  	[sflag:s0] =	ssyncadd.remote.s32 $0x1  }
0xc7: {  	_ =	sfence.sel $0xFFFF  }
0xc8: {  	[dreg:$0x0] =	wrdreg $0xFFFFFFFF;
	(pc) =	sbr.abs _section_cstart, $3  }
0xc9: {  	[dreg:$0x1] =	wrdreg $0xFFFFFFFF  }
0xca: {  	_ =	task.clear_ibuf [dreg:s7], $0x2FFFF;
	_ =	strace $0x9FFFFFFF  }
0xcb: {  	(tm) =	ssettm $0x7FFFFFFF  }
tec
execute0_lowered:
.L_overlay_start_1:
0x0: {  	(tag) =	ssettag $0x1  }
0x1: {  	s1 =	rddreg [dreg:$0x0]  }
0x2: {  	s11 =	rddreg [dreg:$0x1]  }
0x3: {  	s3 =	rddreg [dreg:$0x2];
	_ =	strace $0x8000004D;
	s12 =	simm.s32 $0x1  }
0x4: {  	v0 =	vimm.s32 $0x0;
	[sflag:s12] =	ssyncpa.u1 $0x0  }
0x5: {  	[tilespmem:$0x28] =	vst v0  }
0x6: {  	[tilespmem:$0x38] =	vst v0  }
0x7: {  	[tilespmem:$0x48] =	vst v0  }
0x8: {  	[tilespmem:$0x58] =	vst v0  }
0x9: {  	[tilespmem:$0x68] =	vst v0  }
0xa: {  	[tilespmem:$0x78] =	vst v0  }
0xb: {  	[tilespmem:$0x88] =	vst v0  }
0xc: {  	[tilespmem:$0x98] =	vst v0  }
0xd: {  	[tilespmem:$0xA8] =	vst v0  }
0xe: {  	[tilespmem:$0xB8] =	vst v0  }
0xf: {  	[tilespmem:$0xC8] =	vst v0  }
0x10: {  	[tilespmem:$0xD8] =	vst v0  }
0x11: {  	[tilespmem:$0xE8] =	vst v0  }
0x12: {  	[tilespmem:$0xF8] =	vst v0  }
0x13: {  	[tilespmem:$0x108] =	vst v0  }
0x14: {  	[tilespmem:$0x118] =	vst v0  }
0x15: {  	[tilespmem:$0x128] =	vst v0  }
0x16: {  	[tilespmem:$0x138] =	vst v0  }
0x17: {  	[tilespmem:$0x148] =	vst v0  }
0x18: {  	[tilespmem:$0x158] =	vst v0  }
0x19: {  	[tilespmem:$0x168] =	vst v0  }
0x1a: {  	[tilespmem:$0x178] =	vst v0  }
0x1b: {  	[tilespmem:$0x188] =	vst v0  }
0x1c: {  	[tilespmem:$0x198] =	vst v0  }
0x1d: {  	[tilespmem:$0x1A8] =	vst v0  }
0x1e: {  	[tilespmem:$0x1B8] =	vst v0  }
0x1f: {  	[tilespmem:$0x1C8] =	vst v0  }
0x20: {  	[tilespmem:$0x1D8] =	vst v0  }
0x21: {  	[tilespmem:$0x1E8] =	vst v0  }
0x22: {  	[tilespmem:$0x1F8] =	vst v0  }
0x23: {  	[tilespmem:$0x208] =	vst v0  }
0x24: {  	[tilespmem:$0x218] =	vst v0  }
0x25: {  	[tilespmem:$0x228] =	vst v0  }
0x26: {  	[tilespmem:$0x238] =	vst v0  }
0x27: {  	[tilespmem:$0x248] =	vst v0  }
0x28: {  	[tilespmem:$0x258] =	vst v0  }
0x29: {  	[tilespmem:$0x268] =	vst v0  }
0x2a: {  	[tilespmem:$0x278] =	vst v0  }
0x2b: {  	[tilespmem:$0x288] =	vst v0  }
0x2c: {  	[tilespmem:$0x298] =	vst v0  }
0x2d: {  	[tilespmem:$0x2A8] =	vst v0  }
0x2e: {  	[tilespmem:$0x2B8] =	vst v0  }
0x2f: {  	[tilespmem:$0x2C8] =	vst v0  }
0x30: {  	[tilespmem:$0x2D8] =	vst v0  }
0x31: {  	[tilespmem:$0x2E8] =	vst v0  }
0x32: {  	[tilespmem:$0x2F8] =	vst v0  }
0x33: {  	[tilespmem:$0x308] =	vst v0  }
0x34: {  	[tilespmem:$0x318] =	vst v0  }
0x35: {  	[tilespmem:$0x328] =	vst v0  }
0x36: {  	[tilespmem:$0x338] =	vst v0  }
0x37: {  	[tilespmem:$0x348] =	vst v0  }
0x38: {  	[tilespmem:$0x358] =	vst v0  }
0x39: {  	[tilespmem:$0x368] =	vst v0  }
0x3a: {  	[tilespmem:$0x378] =	vst v0  }
0x3b: {  	[tilespmem:$0x388] =	vst v0  }
0x3c: {  	[tilespmem:$0x398] =	vst v0  }
0x3d: {  	[tilespmem:$0x3A8] =	vst v0  }
0x3e: {  	[tilespmem:$0x3B8] =	vst v0  }
0x3f: {  	[tilespmem:$0x3C8] =	vst v0  }
0x40: {  	[tilespmem:$0x3D8] =	vst v0  }
0x41: {  	[tilespmem:$0x3E8] =	vst v0  }
0x42: {  	[tilespmem:$0x3F8] =	vst v0  }
0x43: {  	[tilespmem:$0x408] =	vst v0  }
0x44: {  	[tilespmem:$0x418] =	vst v0  }
0x45: {  	[tilespmem:$0x428] =	vst v0  }
0x46: {  	[tilespmem:$0x438] =	vst v0  }
0x47: {  	[tilespmem:$0x448] =	vst v0  }
0x48: {  	[tilespmem:$0x458] =	vst v0  }
0x49: {  	[tilespmem:$0x468] =	vst v0  }
0x4a: {  	[tilespmem:$0x478] =	vst v0  }
0x4b: {  	[tilespmem:$0x488] =	vst v0  }
0x4c: {  	[tilespmem:$0x498] =	vst v0  }
0x4d: {  	[tilespmem:$0x4A8] =	vst v0  }
0x4e: {  	[tilespmem:$0x4B8] =	vst v0  }
0x4f: {  	[tilespmem:$0x4C8] =	vst v0  }
0x50: {  	[tilespmem:$0x4D8] =	vst v0  }
0x51: {  	[tilespmem:$0x4E8] =	vst v0  }
0x52: {  	[tilespmem:$0x4F8] =	vst v0  }
0x53: {  	[tilespmem:$0x508] =	vst v0  }
0x54: {  	[tilespmem:$0x518] =	vst v0  }
0x55: {  	[tilespmem:$0x528] =	vst v0  }
0x56: {  	[tilespmem:$0x538] =	vst v0  }
0x57: {  	[tilespmem:$0x548] =	vst v0  }
0x58: {  	[tilespmem:$0x558] =	vst v0  }
0x59: {  	[tilespmem:$0x568] =	vst v0  }
0x5a: {  	[tilespmem:$0x578] =	vst v0  }
0x5b: {  	[tilespmem:$0x588] =	vst v0  }
0x5c: {  	[tilespmem:$0x598] =	vst v0  }
0x5d: {  	[tilespmem:$0x5A8] =	vst v0  }
0x5e: {  	[tilespmem:$0x5B8] =	vst v0  }
0x5f: {  	[tilespmem:$0x5C8] =	vst v0  }
0x60: {  	[tilespmem:$0x5D8] =	vst v0  }
0x61: {  	[tilespmem:$0x5E8] =	vst v0  }
0x62: {  	[tilespmem:$0x5F8] =	vst v0  }
0x63: {  	[tilespmem:$0x608] =	vst v0  }
0x64: {  	[tilespmem:$0x618] =	vst v0  }
0x65: {  	[tilespmem:$0x628] =	vst v0  }
0x66: {  	[tilespmem:$0x638] =	vst v0  }
0x67: {  	[tilespmem:$0x648] =	vst v0  }
0x68: {  	[tilespmem:$0x658] =	vst v0  }
0x69: {  	[tilespmem:$0x668] =	vst v0  }
0x6a: {  	[tilespmem:$0x678] =	vst v0  }
0x6b: {  	[tilespmem:$0x688] =	vst v0  }
0x6c: {  	[tilespmem:$0x698] =	vst v0  }
0x6d: {  	[tilespmem:$0x6A8] =	vst v0  }
0x6e: {  	[tilespmem:$0x6B8] =	vst v0  }
0x6f: {  	[tilespmem:$0x6C8] =	vst v0  }
0x70: {  	[tilespmem:$0x6D8] =	vst v0  }
0x71: {  	[tilespmem:$0x6E8] =	vst v0  }
0x72: {  	[tilespmem:$0x6F8] =	vst v0  }
0x73: {  	[tilespmem:$0x708] =	vst v0  }
0x74: {  	[tilespmem:$0x718] =	vst v0  }
0x75: {  	[tilespmem:$0x728] =	vst v0  }
0x76: {  	[tilespmem:$0x738] =	vst v0  }
0x77: {  	[tilespmem:$0x748] =	vst v0  }
0x78: {  	[tilespmem:$0x758] =	vst v0  }
0x79: {  	[tilespmem:$0x768] =	vst v0  }
0x7a: {  	[tilespmem:$0x778] =	vst v0  }
0x7b: {  	[tilespmem:$0x788] =	vst v0  }
0x7c: {  	[tilespmem:$0x798] =	vst v0  }
0x7d: {  	[tilespmem:$0x7A8] =	vst v0  }
0x7e: {  	[tilespmem:$0x7B8] =	vst v0  }
0x7f: {  	[tilespmem:$0x7C8] =	vst v0  }
0x80: {  	[tilespmem:$0x7D8] =	vst v0  }
0x81: {  	[tilespmem:$0x7E8] =	vst v0  }
0x82: {  	[tilespmem:$0x7F8] =	vst v0  }
0x83: {  	[tilespmem:$0x808] =	vst v0  }
0x84: {  	[tilespmem:$0x818] =	vst v0  }
0x85: {  	[tilespmem:$0x828] =	vst v0  }
0x86: {  	[tilespmem:$0x838] =	vst v0  }
0x87: {  	[tilespmem:$0x848] =	vst v0  }
0x88: {  	[tilespmem:$0x858] =	vst v0  }
0x89: {  	[tilespmem:$0x868] =	vst v0  }
0x8a: {  	[tilespmem:$0x878] =	vst v0  }
0x8b: {  	[tilespmem:$0x888] =	vst v0  }
0x8c: {  	[tilespmem:$0x898] =	vst v0  }
0x8d: {  	[tilespmem:$0x8A8] =	vst v0  }
0x8e: {  	[tilespmem:$0x8B8] =	vst v0  }
0x8f: {  	[tilespmem:$0x8C8] =	vst v0  }
0x90: {  	[tilespmem:$0x8D8] =	vst v0  }
0x91: {  	[tilespmem:$0x8E8] =	vst v0  }
0x92: {  	[tilespmem:$0x8F8] =	vst v0  }
0x93: {  	[tilespmem:$0x908] =	vst v0  }
0x94: {  	[tilespmem:$0x918] =	vst v0  }
0x95: {  	[tilespmem:$0x928] =	vst v0  }
0x96: {  	[tilespmem:$0x938] =	vst v0  }
0x97: {  	[tilespmem:$0x948] =	vst v0  }
0x98: {  	[tilespmem:$0x958] =	vst v0  }
0x99: {  	[tilespmem:$0x968] =	vst v0  }
0x9a: {  	[tilespmem:$0x978] =	vst v0  }
0x9b: {  	[tilespmem:$0x988] =	vst v0  }
0x9c: {  	[tilespmem:$0x998] =	vst v0  }
0x9d: {  	[tilespmem:$0x9A8] =	vst v0  }
0x9e: {  	[tilespmem:$0x9B8] =	vst v0  }
0x9f: {  	[tilespmem:$0x9C8] =	vst v0  }
0xa0: {  	[tilespmem:$0x9D8] =	vst v0  }
0xa1: {  	[tilespmem:$0x9E8] =	vst v0  }
0xa2: {  	[tilespmem:$0x9F8] =	vst v0  }
0xa3: {  	[tilespmem:$0xA08] =	vst v0  }
0xa4: {  	[tilespmem:$0xA18] =	vst v0  }
0xa5: {  	[tilespmem:$0xA28] =	vst v0  }
0xa6: {  	[tilespmem:$0xA38] =	vst v0  }
0xa7: {  	[tilespmem:$0xA48] =	vst v0  }
0xa8: {  	[tilespmem:$0xA58] =	vst v0  }
0xa9: {  	[tilespmem:$0xA68] =	vst v0  }
0xaa: {  	[tilespmem:$0xA78] =	vst v0  }
0xab: {  	[tilespmem:$0xA88] =	vst v0  }
0xac: {  	[tilespmem:$0xA98] =	vst v0  }
0xad: {  	[tilespmem:$0xAA8] =	vst v0  }
0xae: {  	[tilespmem:$0xAB8] =	vst v0  }
0xaf: {  	[tilespmem:$0xAC8] =	vst v0  }
0xb0: {  	[tilespmem:$0xAD8] =	vst v0  }
0xb1: {  	[tilespmem:$0xAE8] =	vst v0  }
0xb2: {  	[tilespmem:$0xAF8] =	vst v0  }
0xb3: {  	[tilespmem:$0xB08] =	vst v0  }
0xb4: {  	[tilespmem:$0xB18] =	vst v0  }
0xb5: {  	[tilespmem:$0xB28] =	vst v0  }
0xb6: {  	[tilespmem:$0xB38] =	vst v0  }
0xb7: {  	[tilespmem:$0xB48] =	vst v0  }
0xb8: {  	[tilespmem:$0xB58] =	vst v0  }
0xb9: {  	[tilespmem:$0xB68] =	vst v0  }
0xba: {  	[tilespmem:$0xB78] =	vst v0  }
0xbb: {  	[tilespmem:$0xB88] =	vst v0  }
0xbc: {  	[tilespmem:$0xB98] =	vst v0  }
0xbd: {  	[tilespmem:$0xBA8] =	vst v0  }
0xbe: {  	[tilespmem:$0xBB8] =	vst v0  }
0xbf: {  	[tilespmem:$0xBC8] =	vst v0  }
0xc0: {  	[tilespmem:$0xBD8] =	vst v0  }
0xc1: {  	[tilespmem:$0xBE8] =	vst v0  }
0xc2: {  	[tilespmem:$0xBF8] =	vst v0  }
0xc3: {  	[tilespmem:$0xC08] =	vst v0  }
0xc4: {  	[tilespmem:$0xC18] =	vst v0  }
0xc5: {  	[tilespmem:$0xC28] =	vst v0  }
0xc6: {  	[tilespmem:$0xC38] =	vst v0  }
0xc7: {  	[tilespmem:$0xC48] =	vst v0  }
0xc8: {  	[tilespmem:$0xC58] =	vst v0  }
0xc9: {  	[tilespmem:$0xC68] =	vst v0  }
0xca: {  	[tilespmem:$0xC78] =	vst v0  }
0xcb: {  	[tilespmem:$0xC88] =	vst v0  }
0xcc: {  	[tilespmem:$0xC98] =	vst v0  }
0xcd: {  	[tilespmem:$0xCA8] =	vst v0  }
0xce: {  	[tilespmem:$0xCB8] =	vst v0  }
0xcf: {  	[tilespmem:$0xCC8] =	vst v0  }
0xd0: {  	[tilespmem:$0xCD8] =	vst v0  }
0xd1: {  	[tilespmem:$0xCE8] =	vst v0  }
0xd2: {  	[tilespmem:$0xCF8] =	vst v0  }
0xd3: {  	[tilespmem:$0xD08] =	vst v0  }
0xd4: {  	[tilespmem:$0xD18] =	vst v0  }
0xd5: {  	[tilespmem:$0xD28] =	vst v0  }
0xd6: {  	[tilespmem:$0xD38] =	vst v0  }
0xd7: {  	[tilespmem:$0xD48] =	vst v0  }
0xd8: {  	[tilespmem:$0xD58] =	vst v0  }
0xd9: {  	[tilespmem:$0xD68] =	vst v0  }
0xda: {  	[tilespmem:$0xD78] =	vst v0  }
0xdb: {  	[tilespmem:$0xD88] =	vst v0  }
0xdc: {  	[tilespmem:$0xD98] =	vst v0  }
0xdd: {  	[tilespmem:$0xDA8] =	vst v0  }
0xde: {  	[tilespmem:$0xDB8] =	vst v0  }
0xdf: {  	[tilespmem:$0xDC8] =	vst v0  }
0xe0: {  	[tilespmem:$0xDD8] =	vst v0  }
0xe1: {  	[tilespmem:$0xDE8] =	vst v0  }
0xe2: {  	[tilespmem:$0xDF8] =	vst v0  }
0xe3: {  	[tilespmem:$0xE08] =	vst v0  }
0xe4: {  	[tilespmem:$0xE18] =	vst v0  }
0xe5: {  	[tilespmem:$0xE28] =	vst v0  }
0xe6: {  	[tilespmem:$0xE38] =	vst v0  }
0xe7: {  	[tilespmem:$0xE48] =	vst v0  }
0xe8: {  	[tilespmem:$0xE58] =	vst v0  }
0xe9: {  	[tilespmem:$0xE68] =	vst v0  }
0xea: {  	[tilespmem:$0xE78] =	vst v0  }
0xeb: {  	[tilespmem:$0xE88] =	vst v0  }
0xec: {  	[tilespmem:$0xE98] =	vst v0  }
0xed: {  	[tilespmem:$0xEA8] =	vst v0  }
0xee: {  	[tilespmem:$0xEB8] =	vst v0  }
0xef: {  	[tilespmem:$0xEC8] =	vst v0  }
0xf0: {  	[tilespmem:$0xED8] =	vst v0  }
0xf1: {  	[tilespmem:$0xEE8] =	vst v0  }
0xf2: {  	[tilespmem:$0xEF8] =	vst v0  }
0xf3: {  	[tilespmem:$0xF08] =	vst v0  }
0xf4: {  	[tilespmem:$0xF18] =	vst v0  }
0xf5: {  	[tilespmem:$0xF28] =	vst v0  }
0xf6: {  	[tilespmem:$0xF38] =	vst v0  }
0xf7: {  	[tilespmem:$0xF48] =	vst v0  }
0xf8: {  	[tilespmem:$0xF58] =	vst v0  }
0xf9: {  	[tilespmem:$0xF68] =	vst v0  }
0xfa: {  	[tilespmem:$0xF78] =	vst v0  }
0xfb: {  	[tilespmem:$0xF88] =	vst v0  }
0xfc: {  	[tilespmem:$0xF98] =	vst v0  }
0xfd: {  	[tilespmem:$0xFA8] =	vst v0  }
0xfe: {  	[tilespmem:$0xFB8] =	vst v0  }
0xff: {  	[tilespmem:$0xFC8] =	vst v0  }
0x100: {  	[tilespmem:$0xFD8] =	vst v0  }
0x101: {  	[tilespmem:$0xFE8] =	vst v0  }
0x102: {  	[tilespmem:$0xFF8] =	vst v0  }
0x103: {  	[tilespmem:$0x1028] =	vst v0  }
0x104: {  	[tilespmem:$0x10E8] =	vst v0  }
0x105: {  	[tilespmem:$0x1068] =	vst v0  }
0x106: {  	[tilespmem:$0x1058] =	vst v0  }
0x107: {  	[tilespmem:$0x1B28] =	vst v0  }
0x108: {  	[tilespmem:$0x1B18] =	vst v0  }
0x109: {  	[tilespmem:$0x1B08] =	vst v0  }
0x10a: {  	[tilespmem:$0x1AF8] =	vst v0  }
0x10b: {  	[tilespmem:$0x1AE8] =	vst v0  }
0x10c: {  	[tilespmem:$0x1AD8] =	vst v0  }
0x10d: {  	[tilespmem:$0x1AC8] =	vst v0  }
0x10e: {  	[tilespmem:$0x1AB8] =	vst v0  }
0x10f: {  	[tilespmem:$0x1AA8] =	vst v0  }
0x110: {  	[tilespmem:$0x1A98] =	vst v0  }
0x111: {  	[tilespmem:$0x1A88] =	vst v0  }
0x112: {  	[tilespmem:$0x1A78] =	vst v0  }
0x113: {  	[tilespmem:$0x1A68] =	vst v0  }
0x114: {  	[tilespmem:$0x1A58] =	vst v0  }
0x115: {  	[tilespmem:$0x1A48] =	vst v0  }
0x116: {  	[tilespmem:$0x1A38] =	vst v0  }
0x117: {  	[tilespmem:$0x1A28] =	vst v0  }
0x118: {  	[tilespmem:$0x1A18] =	vst v0  }
0x119: {  	[tilespmem:$0x1A08] =	vst v0  }
0x11a: {  	[tilespmem:$0x19F8] =	vst v0  }
0x11b: {  	[tilespmem:$0x19E8] =	vst v0  }
0x11c: {  	[tilespmem:$0x19D8] =	vst v0  }
0x11d: {  	[tilespmem:$0x19C8] =	vst v0  }
0x11e: {  	[tilespmem:$0x19B8] =	vst v0  }
0x11f: {  	[tilespmem:$0x19A8] =	vst v0  }
0x120: {  	[tilespmem:$0x1998] =	vst v0  }
0x121: {  	[tilespmem:$0x1988] =	vst v0  }
0x122: {  	[tilespmem:$0x1978] =	vst v0  }
0x123: {  	[tilespmem:$0x1968] =	vst v0  }
0x124: {  	[tilespmem:$0x1958] =	vst v0  }
0x125: {  	[tilespmem:$0x1948] =	vst v0  }
0x126: {  	[tilespmem:$0x1938] =	vst v0  }
0x127: {  	[tilespmem:$0x1928] =	vst v0  }
0x128: {  	[tilespmem:$0x1918] =	vst v0  }
0x129: {  	[tilespmem:$0x1908] =	vst v0  }
0x12a: {  	[tilespmem:$0x18F8] =	vst v0  }
0x12b: {  	[tilespmem:$0x18E8] =	vst v0  }
0x12c: {  	[tilespmem:$0x18D8] =	vst v0  }
0x12d: {  	[tilespmem:$0x18C8] =	vst v0  }
0x12e: {  	[tilespmem:$0x18B8] =	vst v0  }
0x12f: {  	[tilespmem:$0x18A8] =	vst v0  }
0x130: {  	[tilespmem:$0x1898] =	vst v0  }
0x131: {  	[tilespmem:$0x1888] =	vst v0  }
0x132: {  	[tilespmem:$0x1878] =	vst v0  }
0x133: {  	[tilespmem:$0x1868] =	vst v0  }
0x134: {  	[tilespmem:$0x1858] =	vst v0  }
0x135: {  	[tilespmem:$0x1848] =	vst v0  }
0x136: {  	[tilespmem:$0x1838] =	vst v0  }
0x137: {  	[tilespmem:$0x1828] =	vst v0  }
0x138: {  	[tilespmem:$0x1818] =	vst v0  }
0x139: {  	[tilespmem:$0x1808] =	vst v0  }
0x13a: {  	[tilespmem:$0x17F8] =	vst v0  }
0x13b: {  	[tilespmem:$0x17E8] =	vst v0  }
0x13c: {  	[tilespmem:$0x17D8] =	vst v0  }
0x13d: {  	[tilespmem:$0x17C8] =	vst v0  }
0x13e: {  	[tilespmem:$0x17B8] =	vst v0  }
0x13f: {  	[tilespmem:$0x17A8] =	vst v0  }
0x140: {  	[tilespmem:$0x1798] =	vst v0  }
0x141: {  	[tilespmem:$0x1788] =	vst v0  }
0x142: {  	[tilespmem:$0x1778] =	vst v0  }
0x143: {  	[tilespmem:$0x1768] =	vst v0  }
0x144: {  	[tilespmem:$0x1758] =	vst v0  }
0x145: {  	[tilespmem:$0x1748] =	vst v0  }
0x146: {  	[tilespmem:$0x1738] =	vst v0  }
0x147: {  	[tilespmem:$0x1728] =	vst v0  }
0x148: {  	[tilespmem:$0x1718] =	vst v0  }
0x149: {  	[tilespmem:$0x1708] =	vst v0  }
0x14a: {  	[tilespmem:$0x16F8] =	vst v0  }
0x14b: {  	[tilespmem:$0x16E8] =	vst v0  }
0x14c: {  	[tilespmem:$0x16D8] =	vst v0  }
0x14d: {  	[tilespmem:$0x16C8] =	vst v0  }
0x14e: {  	[tilespmem:$0x16B8] =	vst v0  }
0x14f: {  	[tilespmem:$0x16A8] =	vst v0  }
0x150: {  	[tilespmem:$0x1698] =	vst v0  }
0x151: {  	[tilespmem:$0x1688] =	vst v0  }
0x152: {  	[tilespmem:$0x1678] =	vst v0  }
0x153: {  	[tilespmem:$0x1668] =	vst v0  }
0x154: {  	[tilespmem:$0x1658] =	vst v0  }
0x155: {  	[tilespmem:$0x1648] =	vst v0  }
0x156: {  	[tilespmem:$0x1638] =	vst v0  }
0x157: {  	[tilespmem:$0x1628] =	vst v0  }
0x158: {  	[tilespmem:$0x1618] =	vst v0  }
0x159: {  	[tilespmem:$0x1608] =	vst v0  }
0x15a: {  	[tilespmem:$0x15F8] =	vst v0  }
0x15b: {  	[tilespmem:$0x15E8] =	vst v0  }
0x15c: {  	[tilespmem:$0x15D8] =	vst v0  }
0x15d: {  	[tilespmem:$0x15C8] =	vst v0  }
0x15e: {  	[tilespmem:$0x15B8] =	vst v0  }
0x15f: {  	[tilespmem:$0x15A8] =	vst v0  }
0x160: {  	[tilespmem:$0x1598] =	vst v0  }
0x161: {  	[tilespmem:$0x1588] =	vst v0  }
0x162: {  	[tilespmem:$0x1578] =	vst v0  }
0x163: {  	[tilespmem:$0x1568] =	vst v0  }
0x164: {  	[tilespmem:$0x1558] =	vst v0  }
0x165: {  	[tilespmem:$0x1548] =	vst v0  }
0x166: {  	[tilespmem:$0x1538] =	vst v0  }
0x167: {  	[tilespmem:$0x1528] =	vst v0  }
0x168: {  	[tilespmem:$0x1518] =	vst v0  }
0x169: {  	[tilespmem:$0x1508] =	vst v0  }
0x16a: {  	[tilespmem:$0x14F8] =	vst v0  }
0x16b: {  	[tilespmem:$0x14E8] =	vst v0  }
0x16c: {  	[tilespmem:$0x14D8] =	vst v0  }
0x16d: {  	[tilespmem:$0x14C8] =	vst v0  }
0x16e: {  	[tilespmem:$0x14B8] =	vst v0  }
0x16f: {  	[tilespmem:$0x14A8] =	vst v0  }
0x170: {  	[tilespmem:$0x1498] =	vst v0  }
0x171: {  	[tilespmem:$0x1488] =	vst v0  }
0x172: {  	[tilespmem:$0x1478] =	vst v0  }
0x173: {  	[tilespmem:$0x1468] =	vst v0  }
0x174: {  	[tilespmem:$0x1458] =	vst v0  }
0x175: {  	[tilespmem:$0x1448] =	vst v0  }
0x176: {  	[tilespmem:$0x1438] =	vst v0  }
0x177: {  	[tilespmem:$0x1428] =	vst v0  }
0x178: {  	[tilespmem:$0x1418] =	vst v0  }
0x179: {  	[tilespmem:$0x1408] =	vst v0  }
0x17a: {  	[tilespmem:$0x13F8] =	vst v0  }
0x17b: {  	[tilespmem:$0x13E8] =	vst v0  }
0x17c: {  	[tilespmem:$0x13D8] =	vst v0  }
0x17d: {  	[tilespmem:$0x13C8] =	vst v0  }
0x17e: {  	[tilespmem:$0x13B8] =	vst v0  }
0x17f: {  	[tilespmem:$0x13A8] =	vst v0  }
0x180: {  	[tilespmem:$0x1398] =	vst v0  }
0x181: {  	[tilespmem:$0x1388] =	vst v0  }
0x182: {  	[tilespmem:$0x1378] =	vst v0  }
0x183: {  	[tilespmem:$0x1368] =	vst v0  }
0x184: {  	[tilespmem:$0x1358] =	vst v0  }
0x185: {  	[tilespmem:$0x1348] =	vst v0  }
0x186: {  	[tilespmem:$0x1338] =	vst v0  }
0x187: {  	[tilespmem:$0x1328] =	vst v0  }
0x188: {  	[tilespmem:$0x1318] =	vst v0  }
0x189: {  	[tilespmem:$0x1308] =	vst v0  }
0x18a: {  	[tilespmem:$0x12F8] =	vst v0  }
0x18b: {  	[tilespmem:$0x12E8] =	vst v0  }
0x18c: {  	[tilespmem:$0x12D8] =	vst v0  }
0x18d: {  	[tilespmem:$0x12C8] =	vst v0  }
0x18e: {  	[tilespmem:$0x12B8] =	vst v0  }
0x18f: {  	[tilespmem:$0x12A8] =	vst v0  }
0x190: {  	[tilespmem:$0x1298] =	vst v0  }
0x191: {  	[tilespmem:$0x1288] =	vst v0  }
0x192: {  	[tilespmem:$0x1278] =	vst v0  }
0x193: {  	[tilespmem:$0x1268] =	vst v0  }
0x194: {  	[tilespmem:$0x1258] =	vst v0  }
0x195: {  	[tilespmem:$0x1248] =	vst v0  }
0x196: {  	[tilespmem:$0x1238] =	vst v0  }
0x197: {  	[tilespmem:$0x1228] =	vst v0  }
0x198: {  	[tilespmem:$0x1218] =	vst v0  }
0x199: {  	[tilespmem:$0x1208] =	vst v0  }
0x19a: {  	[tilespmem:$0x11F8] =	vst v0  }
0x19b: {  	[tilespmem:$0x11E8] =	vst v0  }
0x19c: {  	[tilespmem:$0x11D8] =	vst v0  }
0x19d: {  	[tilespmem:$0x11C8] =	vst v0  }
0x19e: {  	[tilespmem:$0x11B8] =	vst v0  }
0x19f: {  	[tilespmem:$0x11A8] =	vst v0  }
0x1a0: {  	[tilespmem:$0x1198] =	vst v0  }
0x1a1: {  	[tilespmem:$0x1188] =	vst v0  }
0x1a2: {  	[tilespmem:$0x1178] =	vst v0  }
0x1a3: {  	[tilespmem:$0x1168] =	vst v0  }
0x1a4: {  	[tilespmem:$0x1158] =	vst v0  }
0x1a5: {  	[tilespmem:$0x1148] =	vst v0  }
0x1a6: {  	[tilespmem:$0x1138] =	vst v0  }
0x1a7: {  	s4 =	stileid.u32;
	[tilespmem:$0x1128] =	vst v0  }
0x1a8: {  	s0 =	smul.u32 $0x17, s4;
	[tilespmem:$0x1118] =	vst v0  }
0x1a9: {  	s2 =	smin.u32 s4, $0x3;
	[tilespmem:$0x1108] =	vst v0  }
0x1aa: {  	[tilespmem:$0x10F8] =	vst v0;
	s0 =	sadd.s32 s2, s0  }
0x1ab: {  	p0 =	slt.u32 s4, $0x3;
	[tilespmem:$0x10C8] =	vst v0;
	s2 =	simm.s32 $0x2880;
	s6 =	smul.u32 $0x1B0, s0  }
0x1ac: {  	s2 =	simm.s32 @!p0 $0x26D0;
	[tilespmem:$0x10D8] =	vst v0  }
0x1ad: {  	[tilespmem:$0x10B8] =	vst v0;
	s0 =	sadd.s32 s2, s6  }
0x1ae: {  	s5 =	simm.s32 $0x2;
	[tilespmem:$0x1038] =	vst v0;
	s7 =	smin.u32 s0, $0x27100  }
0x1af: {  	s8 =	simm.s32 $0x9;
	s10 =	simm.s32 $0xA;
	[tilespmem:$0x10A8] =	vst v0;
	s0 =	ssub.s32 s7, s6  }
0x1b0: {  	s30 =	simm.s32 $0xB;
	s16 =	simm.s32 $0x0;
	[tilespmem:$0x1098] =	vst v0;
	p0 =	sgt.s32 s0, $0x0  }
0x1b1: {  	p4 =	por $0x0, $0x0;
	s17 =	simm.s32 $0xC;
	[tilespmem:$0x1088] =	vst v0;
	s0 =	simm.s32 @!p0 $0x0  }
0x1b2: {  	s21 =	simm.s32 $0x0;
	s18 =	simm.s32 $0x0;
	[tilespmem:$0x1078] =	vst v0;
	s28 =	smulhi.u32 $0x4BDA12F7, s0  }
0x1b3: {  	s20 =	simm.s32 $0x0;
	s3 =	sand.u32 $0x1, s3;
	s31 =	sshll.u32 s4, $0x5;
	[tilespmem:$0x1048] =	vst v0  }
0x1b4: {  	s2 =	sshrl.u32 s28, $0x7;
	[tilespmem:$0x1018] =	vst v0;
	[dreg:$0x6] =	wrdreg s3;
	s3 =	smul.u32 $0x4E20, s3  }
0x1b5: {  	[tilespmem:$0x1008] =	vst v0;
	[sflag:s5] =	ssyncpa.u1 $0x0;
	v0 =	vimm.s32 $0xFFFFFFFF;
	[dreg:$0x5] =	wrdreg s31;
	s29 =	smul.u32 $0x1B0, s2  }
.Ltmp0:
0x1b6: {  	[tilespmem:$0x3648] =	vst v0;
	[sflag:s8] =	ssyncpa.u1 $0x0;
	s3 =	sadd.s32 s3, s11;
	(pc) =	sbr.rel .LBB2_1-.Ltmp0, $4  }
0x1b7: {  	[sflag:s10] =	ssyncpa.u1 $0x0;
	s11 =	sadd.s32 $0x271000, s11;
	p0 =	sne.s32 s0, s29  }
0x1b8: {  	[sflag:s30] =	ssyncpa.u1 $0x0;
	s14 =	sadd.s32 $0x3D26A00, s3;
	s12 =	simm.s32 @!p0 $0x0  }
0x1b9: {  	s15 =	sadd.s32 $0x3D1CC00, s3;
	s19 =	smov.u32 s6;
	s12 =	sadd.s32 s12, s2  }
0x1ba: {  	v0 =	vlaneseq.u32;
	[dreg:$0x7] =	wrdreg s6;
	p0 =	por $0x1, $0x1;
	s4 =	sadd.s32 $0x1, s12  }
.LBB2_18:
0x1bb: {  	s0 =	simm.s32 $0x2  }
0x1bc: {  	_ =	swait.ge [sflag:s0], $0x0  }
0x1bd: {  	[sflag:s0] =	ssyncset.done $0x0;
	s0 =	simm.s32 $0x0  }
.LBB2_19:
0x1be: {  	_ =	swait.ge [sflag:s17], s0  }
0x1bf: {  	s31 =	ssub.s32 $0x0, s0;
	v1 =	vmov s23;
	vm0 =	veq.s32 v0, $0x0;
	[sflag:s17] =	ssyncset.done $0x0  }
0x1c0: {  	vm15 =	veq.s32 v0, $0x2;
	v1 =	vsel vm0, s28, v1;
	[sflag:s17] =	ssyncadd.s32 s31  }
0x1c1: {  	v1 =	vsel vm15, s21, v1;
	[sflag:s17] =	ssyncpa.u1 $0x1  }
0x1c2: {  	[tilespmem:$0x3648] =	vst v1  }
.LBB2_20:
0x1c3: {  	s0 =	sadd.s32 $0x1B0, s19  }
0x1c4: {  	s2 =	smov.u32 s6;
	p1 =	slt.s32 s0, s7  }
0x1c5: {  	s2 =	smov.u32 @p1 s0;
	p1 =	sne.s32 s20, s4  }
.Ltmp1:
0x1c6: {  	_ = 	snop;
	(pc) =	sbr.rel @!p1 .LBB2_21-.Ltmp1, $4  }
0x1c7: {  	_ = 	snop  }
0x1c8: {  	s21 =	smov.u32 s18  }
0x1c9: {  	s31 =	sadd.s32 $0x1, s20;
	s18 =	smov.u32 s19;
	p0 =	por !p0, !p0  }
0x1ca: {  	p4 =	por !p4, !p4;
	s20 =	smov.u32 s31;
	s19 =	smov.u32 s2  }
.LBB2_1:
0x1cb: {  	p2 =	sge.u32 s20, s12  }
0x1cc: {  	s0 =	smulhi.u32 @!p2 $0xAAAAAAAB, s20  }
0x1cd: {  	s2 =	smov.u32 s19;
	p3 =	sgt.s32 @!p2 s19, $0x26F50  }
0x1ce: {  	s3 =	sshra.s32 @!p2 s19, $0x1F;
	p3 =	por !p3, p2;
	s0 =	sshrl.u32 @!p2 s0, $0x1  }
0x1cf: {  	s3 =	sand.u32 @!p2 s3, s19;
	s2 =	simm.s32 @p3 $0x26F50;
	s0 =	smul.u32 @!p2 $0x3, s0  }
0x1d0: {  	s2 =	ssub.s32 @!p2 s2, s3  }
0x1d1: {  	s23 =	sadd.s32 $0xFFFFFFFF, s20;
	s2 =	sadd.s32 @!p2 $0xFFFD90B0, s2;
	s0 =	ssub.s32 @!p2 s20, s0  }
0x1d2: {  	s3 =	sshll.u32 @!p2 s2, $0x2;
	p3 =	sgt.s32 @!p2 s2, $0x1AF;
	s0 =	smul.u32 @!p2 $0x6C0, s0  }
0x1d3: {  	s5 =	sand.u32 @!p2 $0x7, s19;
	s2 =	ssub.s32 @!p2 $0x6C0, s3;
	p3 =	por !p3, p2  }
0x1d4: {  	s3 =	sshrl.u32 @!p2 s19, $0x3;
	s2 =	sshrl.u32 @!p2 s2, $0x2;
	s0 =	sshrl.u32 @!p2 s0, $0x2  }
0x1d5: {  	s3 =	sadd.s32 @!p2 s3, s14;
	s2 =	simm.s32 @!p3 $0x0;
	s0 =	sadd.s32 @!p2 $0x3888, s0  }
0x1d6: {  	[tilespmem:s0], [sflag:$0xA] =	stream.linear.gather @!p2 [hbm4b:s3+s5], s2, $0x38;
	[tilespmem:$0x1F0F8] =	vst v63  }
0x1d7: {  	p2 =	sge.u32 s23, s12  }
0x1d8: {  	p3 =	sgt.s32 @!p2 s18, $0x26F50  }
0x1d9: {  	s0 =	smov.u32 s18;
	s2 =	sshra.s32 @!p2 s18, $0x1F;
	p3 =	por !p3, p2  }
0x1da: {  	s2 =	sand.u32 @!p2 s2, s18;
	s0 =	simm.s32 @p3 $0x26F50  }
0x1db: {  	s0 =	ssub.s32 @!p2 s0, s2  }
0x1dc: {  	s0 =	sadd.s32 @!p2 $0xFFFD90B0, s0  }
0x1dd: {  	s2 =	sshll.u32 @!p2 s0, $0x2  }
0x1de: {  	p3 =	sgt.s32 @!p2 s0, $0x1AF;
	s0 =	ssub.s32 @!p2 $0x6C0, s2  }
0x1df: {  	s22 =	ssub.s32 @!p2 $0x27100, s18;
	p3 =	por !p3, p2;
	s0 =	sshrl.u32 @!p2 s0, $0x2  }
0x1e0: {  	s2 =	sand.u32 @!p2 $0x1, s23;
	s0 =	simm.s32 @!p3 $0x0;
	p3 =	slt.s32 @!p2 s22, $0x1  }
0x1e1: {  	s3 =	simm.s32 @!p2 $0xA;
	s2 =	smul.u32 @!p2 $0x6C0, s2;
	p3 =	por p2, p3  }
.Ltmp2:
0x1e2: {  	_ =	swait.ge @!p2 [sflag:s3], s0;
	(pc) =	sbr.rel @p3 .LBB2_7-.Ltmp2, $4  }
0x1e3: {  	s5 =	ssub.s32 @!p2 $0x0, s0;
	[sflag:s3] =	ssyncset.done @!p2 $0x0  }
0x1e4: {  	s2 =	sshrl.u32 @!p2 s2, $0x2;
	[sflag:s3] =	ssyncadd.s32 @!p2 s5;
	s3 =	sshrl.u32 @!p2 s18, $0x3  }
0x1e5: {  	s2 =	sadd.s32 @!p2 $0x3D98, s2;
	s5 =	sand.u32 @!p2 $0x7, s18;
	s3 =	sadd.s32 @!p2 s3, s15  }
0x1e6: {  	[tilespmem:s2], [sflag:$0xB] =	stream.linear.gather @!p2 [hbm4b:s3+s5], s0, $0x38;
	[tilespmem:$0x1F0F8] =	vst v63  }
0x1e7: {  	s0 =	smulhi.u32 $0xAAAAAAAB, s23;
	_ =	sdelay $0x1  }
0x1e8: {  	s0 =	sshrl.u32 s0, $0x1  }
0x1e9: {  	s0 =	smul.u32 $0x3, s0;
	_ =	sdelay $0x1  }
0x1ea: {  	s0 =	ssub.s32 s23, s0  }
0x1eb: {  	s2 =	simm.s32 $0x1;
	s0 =	smul.u32 $0x6C0, s0  }
.Ltmp3:
0x1ec: {  	s2 =	simm.s32 @!p0 $0x0;
	(pc) =	sbr.rel .LBB2_4-.Ltmp3, $4  }
0x1ed: {  	s2 =	smul.u32 $0x36000, s2  }
0x1ee: {  	p3 =	slt.s32 @!p2 s22, $0x1B0;
	s0 =	sshrl.u32 s0, $0x2  }
0x1ef: {  	p2 =	por !p3, p2;
	s2 =	sshrl.u32 s2, $0x2;
	s0 =	sadd.s32 $0x3888, s0  }
0x1f0: {  	s24 =	simm.s32 $0x0;
	s22 =	simm.s32 @p2 $0x1B0;
	s23 =	sadd.s32 $0x40F8, s2;
	v1 =	vmov s0  }
.LBB2_3:
0x1f1: {  	p2 =	sge.s32 s24, s22  }
.Ltmp4:
0x1f2: {  	_ = 	snop;
	(pc) =	sbr.rel @p2 .LBB2_7-.Ltmp4, $2  }
0x1f3: {  	_ =	sdelay $0x2  }
0x1f4: {  	s23 =	sadd.s32 $0x800, s23  }
.LBB2_4:
0x1f5: {  	p2 =	sle.s32 s22, s24  }
.Ltmp5:
0x1f6: {  	_ = 	snop;
	(pc) =	sbr.rel @p2 .LBB2_3-.Ltmp5, $2  }
0x1f7: {  	_ =	sdelay $0x2  }
0x1f8: {  	s0 =	smov.u32 s24;
	s24 =	sadd.s32 $0x10, s24  }
0x1f9: {  	s2 =	ssub.s32 s22, s0  }
0x1fa: {  	p2 =	slt.s32 s2, $0x10  }
0x1fb: {  	s2 =	simm.s32 @!p2 $0x10  }
0x1fc: {  	v2 =	vmov s2  }
0x1fd: {  	vm0 =	vgt.s32 v2, v0;
	_ =	sdelay $0x5  }
0x1fe: {  	v2 =	vld.idx.msk [tilespmem:v1+s0+$0x0 ss:$0x1], vm0;
	_ =	sdelay $0x2  }
0x1ff: {  	p2 =	slt.s32 s24, s22;
	s2 =	smov.u32 s22  }
0x200: {  	s3 =	smov.u32 s23;
	s25 =	simm.s32 $0x0;
	s2 =	smov.u32 @p2 s24  }
.LBB2_6:
0x201: {  	(v2sf) =	vpush v2, s25;
	_ =	sdelay $0xc  }
0x202: {  	s25 =	sadd.s32 $0x1, s25  }
0x203: {  	s31 =	sadd.s32 s25, s0  }
0x204: {  	p2 =	slt.s32 s31, s2;
	s5 =	spop (v2sf)  }
.Ltmp6:
0x205: {  	s5 =	sshll.u32 s5, $0x4;
	(pc) =	sbr.rel @p2 .LBB2_6-.Ltmp6, $4  }
0x206: {  	s5 =	sand.u32 $0x1FFFFFF0, s5  }
0x207: {  	s5 =	sadd.s32 s11, s5  }
0x208: {  	[tilespmem:s3], [sflag:$0x9] =	stream.linear.gather [hbm4b:s5+s16], $0x4, $0x38;
	[tilespmem:$0x1F0F8] =	vst v63  }
0x209: {  	s3 =	sadd.s32 $0x80, s3  }
.Ltmp7:
0x20a: {  	_ = 	snop;
	(pc) =	sbr.rel .LBB2_3-.Ltmp7, $1  }
0x20b: {  	_ =	sdelay $0x3  }
.LBB2_7:
0x20c: {  	p2 =	slt.u32 s20, $0x2  }
.Ltmp8:
0x20d: {  	_ = 	snop;
	(pc) =	sbr.rel @p2 .LBB2_20-.Ltmp8, $1  }
0x20e: {  	_ =	sdelay $0x3  }
0x20f: {  	p2 =	sgt.s32 s21, $0x26F50  }
0x210: {  	s0 =	smov.u32 s21;
	s2 =	sshra.s32 s21, $0x1F;
	s3 =	ssub.s32 $0x27100, s21  }
0x211: {  	s0 =	simm.s32 @!p2 $0x26F50;
	s2 =	sand.u32 s2, s21;
	p2 =	slt.s32 s3, $0x1B0  }
0x212: {  	s0 =	ssub.s32 s0, s2;
	s3 =	simm.s32 @!p2 $0x1B0  }
0x213: {  	s0 =	sadd.s32 $0xFFFD90B0, s0;
	s24 =	sshll.u32 s3, $0x2  }
0x214: {  	s28 =	simm.s32 $0x9;
	s25 =	sshll.u32 s0, $0x2;
	s2 =	sand.u32 $0x3FFFFFFC, s24  }
0x215: {  	p2 =	sgt.s32 s0, $0x1AF;
	s26 =	ssub.s32 $0x6C0, s25;
	_ =	swait.ge [sflag:s28], s2  }
0x216: {  	s2 =	ssub.s32 $0x0, s2;
	[sflag:s28] =	ssyncset.done $0x0;
	s0 =	sshrl.u32 s26, $0x2  }
0x217: {  	s30 =	simm.s32 $0xB;
	[sflag:s28] =	ssyncadd.s32 s2;
	s0 =	simm.s32 @p2 $0x0  }
0x218: {  	_ =	swait.ge [sflag:s30], s0  }
0x219: {  	s0 =	ssub.s32 $0x0, s0;
	[sflag:s30] =	ssyncset.done $0x0  }
0x21a: {  	[sflag:s30] =	ssyncadd.s32 s0  }
0x21b: {  	v1 =	vld [tilespmem:$0x3648];
	_ =	sdelay $0x4  }
0x21c: {  	(v2sf) =	vpush v1, $0x0  }
0x21d: {  	(v2sf) =	vpush v1, $0x1  }
0x21e: {  	(v2sf) =	vpush v1, $0x2;
	_ =	sdelay $0x3  }
0x21f: {  	s0 =	sadd.s32 $0x1B0, s21  }
0x220: {  	s2 =	ssub.s32 $0x4E200, s21;
	p2 =	slt.s32 s7, s0  }
0x221: {  	s0 =	smov.u32 @p2 s7;
	p2 =	sgt.s32 s2, $0x0  }
0x222: {  	s25 =	ssub.s32 s0, s21;
	s2 =	simm.s32 @!p2 $0x0  }
0x223: {  	p2 =	slt.s32 s2, s25  }
0x224: {  	s25 =	smov.u32 @p2 s2  }
0x225: {  	s24 =	simm.s32 $0x1;
	p2 =	slt.s32 s25, $0x1  }
.Ltmp9:
0x226: {  	s24 =	simm.s32 @!p4 $0x0;
	(pc) =	sbr.rel @p2 .LBB2_12-.Ltmp9, $4  }
0x227: {  	s31 =	smul.u32 $0x6C0, s24  }
0x228: {  	s26 =	spop (v2sf)  }
0x229: {  	s0 =	sshrl.u32 s31, $0x2;
	s29 =	spop (v2sf)  }
0x22a: {  	s22 =	sadd.s32 $0x3D98, s0;
	s21 =	spop (v2sf)  }
0x22b: {  	s0 =	smin.u32 s25, $0x10  }
0x22c: {  	v1 =	vmov s0  }
0x22d: {  	p3 =	sgt.s32 s25, $0x10;
	vm1 =	vgt.u32 v1, v0  }
.Ltmp10:
0x22e: {  	_ = 	snop;
	(pc) =	sbr.rel @!p3 .LBB2_11-.Ltmp10, $2  }
0x22f: {  	_ =	sdelay $0x2  }
0x230: {  	s23 =	simm.s32 $0x10;
	s28 =	sadd.s32 $0xFFFFFFF0, s25;
	s0 =	smov.u32 s22;
	vm0 =	vmmov vm1  }
.LBB2_10:
0x231: {  	s2 =	smin.u32 s28, $0x10;
	s23 =	sadd.s32 $0x10, s23;
	v1 =	vld.msk [tilespmem:s0+$0x0 ss:$0x1], vm1  }
0x232: {  	v2 =	vmov s2;
	p3 =	slt.s32 s23, s25  }
0x233: {  	vm1 =	vgt.u32 v2, v0  }
.Ltmp11:
0x234: {  	(pc) =	sbr.rel @p3 .LBB2_10-.Ltmp11, $3  }
0x235: {  	_ =	sdelay $0x1  }
0x236: {  	v1 =	vshll.u32 v1, $0x4  }
0x237: {  	s28 =	sadd.s32 $0xFFFFFFF0, s28;
	[tilespmem:s0+$0x0] =	vst.msk vm0, v1;
	s0 =	sadd.s32 $0x10, s0;
	vm0 =	vmmov vm1  }
.LBB2_11:
0x238: {  	_ =	sdelay $0x4  }
0x239: {  	v1 =	vld.msk [tilespmem:s0+$0x0 ss:$0x1], vm1;
	_ =	sdelay $0x4  }
0x23a: {  	v1 =	vshll.u32 v1, $0x4  }
0x23b: {  	[tilespmem:s0+$0x0] =	vst.msk vm0, v1  }
.LBB2_12:
0x23c: {  	s0 =	sand.u32 $0x1, s20  }
0x23d: {  	s0 =	smul.u32 $0x1B0, s0  }
0x23e: {  	p3 =	sne.s32 s29, $0xFFFFFFFF  }
0x23f: {  	v1 =	vld.msk @!p3 [tilespmem:s0+$0x3D98], $0x1;
	_ =	sdelay $0x4  }
0x240: {  	(v2sf) =	vpush @!p3 v1, $0x0;
	_ =	sdelay $0xc  }
.Ltmp12:
0x241: {  	_ = 	snop;
	(pc) =	sbr.rel @p2 .LBB2_18-.Ltmp12, $4  }
0x242: {  	_ = 	snop  }
0x243: {  	s28 =	spop @!p3 (v2sf)  }
0x244: {  	s21 =	simm.s32 @!p3 $0x0;
	s23 =	smov.u32 s28  }
0x245: {  	[sflag:s17] =	ssyncpa.u1 $0x0;
	s28 =	smov.u32 @p3 s26;
	s23 =	smov.u32 @p3 s29  }
0x246: {  	v1 =	vld.msk [tilespmem:s22+$0x0], $0x1;
	_ =	sdelay $0x4  }
0x247: {  	(v2sf) =	vpush v1, $0x0;
	_ =	sdelay $0xe  }
0x248: {  	s0 =	simm.s32 @!p4 $0x0;
	s26 =	smul.u32 $0x36000, s24;
	s31 =	spop (v2sf)  }
0x249: {  	s29 =	ssub.s32 $0x0, s25;
	s0 =	simm.s32 @p4 $0x1;
	p2 =	seq.s32 s28, s31  }
0x24a: {  	s2 =	smov.u32 s28;
	[smem:$0x7FD] =	sst s0;
	p3 =	sgt.s32 @!p2 s28, $0x0  }
0x24b: {  	s0 =	sshrl.u32 s26, $0x2;
	s26 =	sadd.s32 $0x1, s29;
	p3 =	por !p3, p2  }
0x24c: {  	s2 =	simm.s32 @p3 $0x0;
	p3 =	seq.s32 s26, $0x0  }
.Ltmp13:
0x24d: {  	_ = 	snop;
	(pc) =	sbr.rel @p3 .LBB2_15-.Ltmp13, $4  }
0x24e: {  	s6 =	smov.u32 s4;
	s25 =	simm.s32 $0x0  }
0x24f: {  	s24 =	sadd.s32 $0x40F8, s0;
	s0 =	simm.s32 @!p2 $0x1;
	s3 =	smin.u32 @!p2 s2, $0x270FF  }
0x250: {  	s30 =	sadd.s32 $0x1, s22;
	s0 =	smov.u32 @p2 s25;
	s5 =	sand.u32 @!p2 $0x3FFF8, s3  }
0x251: {  	s2 =	simm.s32 @!p2 $0x1B38;
	s3 =	sand.u32 @!p2 $0x7, s3;
	s5 =	sadd.s32 @!p2 s1, s5  }
.LBB2_14:
0x252: {  	s4 =	smov.u32 s0  }
0x253: {  	[tilespmem:s2], [sflag:$0x2] =	stream.linear.gather @!p2 [hbm4b:s5+s3], $0x4, $0x38;
	[tilespmem:$0x1F0F8] =	vst v63  }
0x254: {  	s26 =	sadd.s32 $0x1, s26;
	s3 =	smov.u32 s31;
	v1 =	vld.msk [tilespmem:s30+$0x0], $0x1  }
0x255: {  	p3 =	seq.s32 s26, $0x0;
	_ =	sdelay $0x3  }
0x256: {  	(v2sf) =	vpush v1, $0x0;
	_ =	sdelay $0xe  }
0x257: {  	s31 =	spop (v2sf)  }
0x258: {  	p2 =	seq.s32 s3, s31  }
0x259: {  	p4 =	sgt.s32 @!p2 s3, $0x0;
	s2 =	sshll.u32 @!p2 s0, $0x6;
	s0 =	sadd.s32 @!p2 $0x1, s0  }
.Ltmp14:
0x25a: {  	p4 =	por !p4, p2;
	s2 =	sshra.s32 @!p2 s2, $0x2;
	(pc) =	sbr.rel @!p3 .LBB2_14-.Ltmp14, $4  }
0x25b: {  	s0 =	smov.u32 @p2 s4;
	s3 =	simm.s32 @p4 $0x0;
	s2 =	sadd.s32 @!p2 $0x1B38, s2  }
0x25c: {  	s3 =	smin.u32 @!p2 s3, $0x270FF  }
0x25d: {  	s4 =	sand.u32 @!p2 $0x3FFF8, s3;
	s3 =	sand.u32 @!p2 $0x7, s3  }
0x25e: {  	s30 =	sadd.s32 $0x1, s30;
	s5 =	sadd.s32 @!p2 s1, s4  }
.LBB2_15:
0x25f: {  	[tilespmem:s2], [sflag:$0x2] =	stream.linear.gather @!p2 [hbm4b:s5+s3], $0x4, $0x38;
	[tilespmem:$0x1F0F8] =	vst v63  }
0x260: {  	s0 =	sshll.u32 s0, $0x2  }
0x261: {  	s31 =	simm.s32 $0x2;
	s0 =	sand.u32 $0x3FFFFFFC, s0  }
0x262: {  	_ =	swait.ge [sflag:s31], s0  }
0x263: {  	s0 =	ssub.s32 $0x0, s0;
	[sflag:s31] =	ssyncset.done $0x0  }
0x264: {  	[sflag:s31] =	ssyncadd.s32 s0  }
0x265: {  	v1 =	vld.msk [tilespmem:s22+$0x0], $0x1;
	_ =	sdelay $0x4  }
0x266: {  	(v2sf) =	vpush v1, $0x0;
	_ =	sdelay $0xe  }
0x267: {  	s26 =	spop (v2sf)  }
0x268: {  	p2 =	sne.s32 s28, s26  }
0x269: {  	p4 =	sne.s32 @p2 s28, s23  }
0x26a: {  	p3 =	por !p4, !p2  }
0x26b: {  	s0 =	simm.s32 @!p3 $0x0  }
0x26c: {  	v1 =	vld.msk @!p3 [tilespmem:s0+$0x1B38], $0xf  }
0x26d: {  	p5 =	sgt.u32 @!p3 s28, $0x270FF  }
0x26e: {  	s2 =	sshll.u32 @!p3 s21, $0x6;
	p6 =	por @p2 p5, !p4  }
0x26f: {  	s2 =	sshra.s32 @!p3 s2, $0x2;
	p1 =	por p6, !p2;
	p6 =	por p4, !p2  }
0x270: {  	s3 =	sadd.s32 @!p3 $0x28, s2;
	s4 =	sand.u32 @!p1 $0x3FFF8, s28;
	s5 =	sshll.u32 @!p6 s21, $0x6  }
0x271: {  	s28 =	sand.u32 @!p1 $0x7, s28;
	[tilespmem:s2+$0x28] =	vst.add.f32.msk @!p3 $0xf, v1;
	s2 =	sadd.s32 @!p1 s1, s4;
	s4 =	sshra.s32 @!p6 s5, $0x2  }
0x272: {  	[hbm4b:s2+s28] =	stream.linear.scatter @!p1 [tilespmem:s3], [sflag:$0xC], $0x4, $0x38;
	[tilespmem:$0x1F0F8] =	vst v63  }
0x273: {  	s0 =	rddreg [dreg:$0x5];
	s2 =	sadd.s32 @!p6 $0x28, s4;
	s3 =	simm.s32 @!p6 $0x1  }
0x274: {  	[spmem:s0] =	stream.linear.scatter @!p6 [tilespmem:s2], [sflag:$0x1], $0x4, $0x38;
	[tilespmem:$0x1F0F8] =	vst v63  }
0x275: {  	s0 =	sadd.s32 @p2 $0x1, s21;
	_ =	swait.ge @!p6 [sflag:s3], $0x4  }
0x276: {  	s2 =	sshrl.u32 @p2 s0, $0x4;
	[sflag:s3] =	ssyncset.done @!p6 $0x0  }
0x277: {  	s2 =	smulhi.u32 @p2 $0x97B425F, s2;
	[sflag:s3] =	ssyncadd.s32 @!p6 $0xFFFFFFFC  }
0x278: {  	s28 =	sadd.s32 $0x1, s29;
	v1 =	vld.msk @p2 [tilespmem:s24+$0x0], $0xf  }
0x279: {  	p1 =	por @p2 !p5, !p4;
	p4 =	seq.s32 s28, $0x0;
	s2 =	smul.u32 @p2 $0x1B0, s2  }
.Ltmp15:
0x27a: {  	p1 =	por !p1, !p2;
	s3 =	simm.s32 @!p3 $0x0;
	(pc) =	sbr.rel @p4 .LBB2_17-.Ltmp15, $4  }
0x27b: {  	s4 =	sshll.u32 @!p2 s21, $0x6;
	s3 =	simm.s32 @!p1 $0x10;
	s0 =	ssub.s32 @p2 s0, s2  }
0x27c: {  	s29 =	simm.s32 $0x0;
	s3 =	sadd.s32 @!p3 $0x0, s3;
	s5 =	sshll.u32 @p2 s0, $0x4  }
0x27d: {  	s30 =	sshra.s32 @!p2 s4, $0x2;
	s2 =	simm.s32 @p2 $0x1;
	s3 =	smov.u32 @p3 s25;
	[tilespmem:s5+$0x28] =	vst.msk @p2 $0xf, v1  }
0x27e: {  	s21 =	smov.u32 @p2 s0;
	s29 =	smov.u32 @p2 s3;
	s25 =	smov.u32 @p2 s2;
	v1 =	vld.msk @!p2 [tilespmem:s24+$0x0], $0xf  }
.LBB2_16:
0x27f: {  	_ =	sdelay $0x3  }
0x280: {  	s22 =	sadd.s32 $0x1, s22;
	[tilespmem:s30+$0x28] =	vst.add.f32.msk @!p2 $0xf, v1  }
0x281: {  	v1 =	vld.msk [tilespmem:s22+$0x0], $0x1;
	_ =	sdelay $0x4  }
0x282: {  	(v2sf) =	vpush v1, $0x0;
	_ =	sdelay $0xe  }
0x283: {  	s0 =	smov.u32 s26;
	s26 =	spop (v2sf)  }
0x284: {  	p2 =	sne.s32 s0, s26  }
0x285: {  	p5 =	sne.s32 @p2 s0, s23  }
0x286: {  	s4 =	sshll.u32 @!p2 s21, $0x6;
	p4 =	por !p5, !p2  }
0x287: {  	s30 =	sshra.s32 @!p2 s4, $0x2;
	s4 =	sshll.u32 @!p4 s25, $0x6  }
0x288: {  	s4 =	sshra.s32 @!p4 s4, $0x2  }
0x289: {  	p1 =	sgt.u32 @!p4 s0, $0x270FF;
	v1 =	vld.msk @!p4 [tilespmem:s4+$0x1B38], $0xf  }
0x28a: {  	s31 =	sshll.u32 @!p4 s21, $0x6;
	p6 =	por @p2 p1, !p5;
	p1 =	por @p2 !p1, !p5  }
0x28b: {  	s8 =	simm.s32 @!p4 $0x0;
	s31 =	sshra.s32 @!p4 s31, $0x2;
	p1 =	por !p1, !p2  }
0x28c: {  	p5 =	por p5, !p2;
	s8 =	simm.s32 @!p1 $0x10;
	p1 =	por p6, !p2  }
0x28d: {  	s4 =	sadd.s32 @!p4 $0x28, s31;
	s13 =	sshll.u32 @!p5 s21, $0x6;
	s10 =	sand.u32 @!p1 $0x3FFF8, s0  }
0x28e: {  	s13 =	sshra.s32 @!p5 s13, $0x2;
	s0 =	sand.u32 @!p1 $0x7, s0;
	s10 =	sadd.s32 @!p1 s1, s10;
	[tilespmem:s31+$0x28] =	vst.add.f32.msk @!p4 $0xf, v1  }
0x28f: {  	[hbm4b:s10+s0] =	stream.linear.scatter @!p1 [tilespmem:s4], [sflag:$0xC], $0x4, $0x38;
	[tilespmem:$0x1F0F8] =	vst v63  }
0x290: {  	s2 =	rddreg [dreg:$0x5];
	s0 =	sadd.s32 @!p5 $0x28, s13;
	s4 =	simm.s32 @!p5 $0x1  }
0x291: {  	[spmem:s2] =	stream.linear.scatter @!p5 [tilespmem:s0], [sflag:$0x1], $0x4, $0x38;
	[tilespmem:$0x1F0F8] =	vst v63  }
0x292: {  	s3 =	sadd.s32 @p2 $0x1, s21;
	_ =	swait.ge @!p5 [sflag:s4], $0x4  }
0x293: {  	s5 =	sshrl.u32 @p2 s3, $0x4;
	[sflag:s4] =	ssyncset.done @!p5 $0x0  }
0x294: {  	s24 =	sadd.s32 $0x80, s24;
	s5 =	smulhi.u32 @p2 $0x97B425F, s5;
	[sflag:s4] =	ssyncadd.s32 @!p5 $0xFFFFFFFC  }
0x295: {  	s28 =	sadd.s32 $0x1, s28;
	v1 =	vld.msk @p2 [tilespmem:s24+$0x0], $0xf  }
0x296: {  	p3 =	seq.s32 s28, $0x0;
	s5 =	smul.u32 @p2 $0x1B0, s5  }
.Ltmp16:
0x297: {  	_ = 	snop;
	(pc) =	sbr.rel @!p3 .LBB2_16-.Ltmp16, $4  }
0x298: {  	s3 =	ssub.s32 @p2 s3, s5  }
0x299: {  	s8 =	sadd.s32 @!p4 s8, s29;
	s5 =	sshll.u32 @p2 s3, $0x4  }
0x29a: {  	s9 =	sadd.s32 @p2 $0x1, s25;
	s8 =	smov.u32 @p4 s29;
	[tilespmem:s5+$0x28] =	vst.msk @p2 $0xf, v1  }
0x29b: {  	s25 =	smov.u32 @p2 s9;
	s21 =	smov.u32 @p2 s3;
	s29 =	smov.u32 @p2 s8;
	v1 =	vld.msk @!p2 [tilespmem:s24+$0x0], $0xf  }
.LBB2_17:
.Ltmp17:
0x29c: {  	_ = 	snop;
	(pc) =	sbr.rel .LBB2_19-.Ltmp17, $3  }
0x29d: {  	s2 =	sld [smem:$0x7FD];
	_ =	sdelay $0x1  }
0x29e: {  	s0 =	sshrl.u32 s29, $0x2;
	s28 =	smov.u32 s26  }
0x29f: {  	s4 =	smov.u32 s6;
	s6 =	rddreg [dreg:$0x7];
	p4 =	seq.s32 s2, $0x1;
	[tilespmem:s30+$0x28] =	vst.add.f32.msk @!p2 $0xf, v1  }
.LBB2_21:
0x2a0: {  	_ =	sfence.sel $0x180000  }
0x2a1: {  	s0 =	simm.s32 $0x9;
	[bflag:$0x0] =	sbarrier.arrive $0xFFFF  }
0x2a2: {  	s24 =	simm.s32 $0xA;
	[sflag:s0] =	ssyncpa.u1 $0x1  }
0x2a3: {  	s25 =	simm.s32 $0xB;
	[sflag:s24] =	ssyncpa.u1 $0x1  }
0x2a4: {  	s26 =	simm.s32 $0x2;
	[sflag:s25] =	ssyncpa.u1 $0x1  }
0x2a5: {  	[sflag:s26] =	ssyncpa.u1 $0x1  }
0x2a6: {  	v0 =	vld [tilespmem:$0x3648];
	_ =	sdelay $0x4  }
0x2a7: {  	(v2sf) =	vpush v0, $0x0  }
0x2a8: {  	(v2sf) =	vpush v0, $0x1;
	_ =	sdelay $0x1  }
0x2a9: {  	(v2sf) =	vpush v0, $0x2;
	_ =	sdelay $0xb  }
0x2aa: {  	s0 =	spop (v2sf)  }
0x2ab: {  	s2 =	spop (v2sf)  }
0x2ac: {  	s3 =	smov.u32 s0;
	p0 =	sne.s32 s0, s2  }
0x2ad: {  	s4 =	spop (v2sf);
	s3 =	simm.s32 @!p0 $0xFFFFFFFF  }
0x2ae: {  	v2 =	vimm.s32 $0x1;
	v3 =	vlaneseq.u32;
	p0 =	seq.s32 s4, $0xFFFFFFFF;
	v1 =	vmov s3  }
0x2af: {  	s16 =	stileid.u32;
	v0 =	vperm.xlane v0, v2;
	p1 =	sne.s32 @!p0 s0, s2;
	v1 =	vperm.xlane v1, v3  }
0x2b0: {  	vm0 =	vcmask $0x3F04;
	s6 =	simm.s32 $0x3648;
	s0 =	simm.s32 @!p0 $0x1;
	p1 =	por !p1, p0  }
0x2b1: {  	s3 =	sshll.u32 s16, $0x1;
	s2 =	sshll.u32 @!p0 s4, $0x6;
	s0 =	simm.s32 @p1 $0x0;
	v0 =	vsel vm0, v1, v0  }
0x2b2: {  	s5 =	sor.u32 $0x200, s3;
	s2 =	sshra.s32 @!p0 s2, $0x2;
	s0 =	sor.u32 @!p0 s0, s3;
	[tilespmem:$0x3648] =	vst v0  }
0x2b3: {  	[spmem:s5] =	stream.linear.scatter [tilespmem:s6], [sflag:$0x1], $0x2, $0x38;
	[tilespmem:$0x1F0F8] =	vst v63  }
0x2b4: {  	s2 =	sadd.s32 @!p0 $0x28, s2;
	s0 =	sshll.u32 @!p0 s0, $0x4  }
0x2b5: {  	[spmem:s0] =	stream.linear.scatter @!p0 [tilespmem:s2], [sflag:$0x1], $0x10, $0x38;
	[tilespmem:$0x1F0F8] =	vst v63  }
0x2b6: {  	s0 =	simm.s32 @!p0 $0x12  }
0x2b7: {  	s28 =	simm.s32 $0x1;
	s0 =	simm.s32 @p0 $0x2  }
0x2b8: {  	_ =	swait.ge [sflag:s28], s0  }
0x2b9: {  	s0 =	ssub.s32 $0x0, s0;
	[sflag:s28] =	ssyncset.done $0x0  }
0x2ba: {  	p0 =	sne.s32 s16, $0x0;
	[sflag:s28] =	ssyncadd.s32 s0  }
.Ltmp18:
0x2bb: {  	_ =	sfence.stream.spmem;
	(pc) =	sbr.rel @p0 .LBB2_38-.Ltmp18, $4  }
0x2bc: {  	s29 =	simm.s32 $0x3;
	[bflag:$0x0] =	sbarrier.arrive $0xFFFF  }
0x2bd: {  	s30 =	simm.s32 $0x4;
	[sflag:s29] =	ssyncpa.u1 $0x1  }
0x2be: {  	s31 =	simm.s32 $0x3C;
	[sflag:s30] =	ssyncpa.u1 $0x1  }
0x2bf: {  	s17 =	rddreg [dreg:$0x6];
	[sflag:s31] =	ssyncpa.u1 $0x1  }
0x2c0: {  	_ =	sfence.stream.spmem;
	s0 =	simm.s32 $0x5  }
0x2c1: {  	s2 =	simm.s32 $0x200;
	s3 =	simm.s32 $0x3658;
	[sflag:s0] =	ssyncpa.u1 $0x0  }
0x2c2: {  	[tilespmem:s3], [sflag:$0x5] =	stream.linear.gather [spmem:s2], $0x20, $0x38;
	[tilespmem:$0x1F0F8] =	vst v63  }
0x2c3: {  	s26 =	simm.s32 $0x0;
	s28 =	simm.s32 $0x3678  }
0x2c4: {  	[tilespmem:s28], [sflag:$0x5] =	stream.linear.gather [spmem:s26], $0x200, $0x38;
	[tilespmem:$0x1F0F8] =	vst v63  }
0x2c5: {  	_ =	swait.ge [sflag:s0], $0x220  }
0x2c6: {  	[sflag:s0] =	ssyncset.done $0x0  }
0x2c7: {  	s29 =	simm.s32 $0x0;
	[sflag:s0] =	ssyncadd.s32 $0xFFFFFDE0  }
0x2c8: {  	v0 =	vld.msk [tilespmem:s29+$0x3658], $0x1;
	_ =	sdelay $0x1  }
0x2c9: {  	s30 =	simm.s32 $0x1  }
0x2ca: {  	v1 =	vld.msk [tilespmem:s30+$0x3658], $0x1;
	_ =	sdelay $0x1  }
0x2cb: {  	(v2sf) =	vpush v0, $0x0;
	_ =	sdelay $0x2  }
0x2cc: {  	(v2sf) =	vpush v1, $0x0;
	_ =	sdelay $0x2  }
0x2cd: {  	s31 =	simm.s32 $0x2  }
0x2ce: {  	v0 =	vld.msk [tilespmem:s31+$0x3658], $0x1;
	_ =	sdelay $0x2  }
0x2cf: {  	s6 =	simm.s32 $0xFFFFFFFF;
	s2 =	simm.s32 $0xFFFFFFFF;
	s0 =	simm.s32 $0xC  }
.LBB2_23:
0x2d0: {  	s3 =	smov.u32 s6;
	s4 =	smov.u32 s2  }
0x2d1: {  	s2 =	sshra.s32 s0, $0x2;
	p1 =	sne.s32 s0, $0x7C;
	s0 =	sadd.s32 $0x4, s0;
	(v2sf) =	vpush v0, $0x0  }
0x2d2: {  	v0 =	vld.msk [tilespmem:s2+$0x3658], $0x1  }
.Ltmp19:
0x2d3: {  	(pc) =	sbr.rel @p1 .LBB2_23-.Ltmp19, $4  }
0x2d4: {  	s6 =	spop (v2sf)  }
0x2d5: {  	p2 =	sne.s32 s4, $0xFFFFFFFF;
	s2 =	smov.u32 s6  }
0x2d6: {  	p3 =	seq.s32 s6, $0xFFFFFFFF;
	s2 =	smov.u32 @p2 s4  }
0x2d7: {  	s6 =	smov.u32 @p3 s3;
	s2 =	smov.u32 @p3 s4  }
0x2d8: {  	(v2sf) =	vpush v0, $0x0;
	_ =	sdelay $0x8  }
0x2d9: {  	s0 =	spop (v2sf)  }
0x2da: {  	p1 =	sne.s32 s2, $0xFFFFFFFF;
	s3 =	smov.u32 s0  }
0x2db: {  	s9 =	simm.s32 $0x6;
	p2 =	seq.s32 s0, $0xFFFFFFFF;
	s3 =	smov.u32 @p1 s2  }
0x2dc: {  	s10 =	simm.s32 $0x3638;
	s3 =	smov.u32 @p2 s2;
	s2 =	spop (v2sf)  }
0x2dd: {  	s0 =	smov.u32 @p2 s6;
	p1 =	sne.s32 s3, $0xFFFFFFFF;
	s4 =	smov.u32 s2  }
.Ltmp20:
0x2de: {  	p2 =	seq.s32 s2, $0xFFFFFFFF;
	s4 =	smov.u32 @p1 s3;
	(pc) =	sbr.rel .LBB2_25-.Ltmp20, $4  }
0x2df: {  	s11 =	simm.s32 $0x0;
	s4 =	smov.u32 @p2 s3;
	s7 =	spop (v2sf)  }
0x2e0: {  	[sflag:s9] =	ssyncpa.u1 $0x0;
	p1 =	sne.s32 s4, $0xFFFFFFFF;
	s8 =	smov.u32 s7  }
0x2e1: {  	s2 =	smov.u32 @p2 s0;
	p2 =	seq.s32 s7, $0xFFFFFFFF;
	s8 =	smov.u32 @p1 s4  }
0x2e2: {  	s6 =	simm.s32 $0x0;
	s7 =	smov.u32 @p2 s2;
	s8 =	smov.u32 @p2 s4  }
.LBB2_30:
0x2e3: {  	p1 =	sgt.u32 s12, $0x270FF  }
0x2e4: {  	p2 =	seq.s32 @!p1 s12, s8  }
0x2e5: {  	p1 =	por p1, p2  }
0x2e6: {  	p2 =	sne.s32 @!p1 s12, s7  }
0x2e7: {  	p1 =	por p1, !p2  }
0x2e8: {  	s0 =	sshll.u32 @p1 s11, $0x6  }
0x2e9: {  	s0 =	sand.u32 @!p1 $0x3FFF8, s12  }
0x2ea: {  	s2 =	sand.u32 @!p1 $0x7, s12;
	s0 =	sadd.s32 @!p1 s1, s0  }
0x2eb: {  	[tilespmem:s10], [sflag:$0x6] =	stream.linear.gather @!p1 [hbm4b:s0+s2], $0x4, $0x38;
	[tilespmem:$0x1F0F8] =	vst v63  }
0x2ec: {  	_ =	swait.ge @!p1 [sflag:s9], $0x4  }
0x2ed: {  	[sflag:s9] =	ssyncset.done @!p1 $0x0  }
0x2ee: {  	[sflag:s9] =	ssyncadd.s32 @!p1 $0xFFFFFFFC  }
0x2ef: {  	v1 =	vld @!p1 [tilespmem:$0x3638];
	_ =	sdelay $0x2  }
0x2f0: {  	s0 =	sshll.u32 @!p1 s11, $0x6  }
0x2f1: {  	s2 =	sshrl.u32 @!p1 s0, $0x2  }
0x2f2: {  	[tilespmem:s2+$0x3678] =	vst.add.f32.msk @!p1 $0xffff, v1  }
0x2f3: {  	s0 =	sshrl.u32 s0, $0x2;
	[tilespmem:s6+$0x3658] =	vst.msk $0x1, v0  }
0x2f4: {  	v0 =	vld [tilespmem:s0+$0x3678];
	_ =	sdelay $0x2  }
0x2f5: {  	s31 =	sshll.u32 s6, $0x6  }
0x2f6: {  	s0 =	sshra.s32 s31, $0x2  }
0x2f7: {  	s6 =	sadd.s32 $0x1, s6;
	[tilespmem:s0+$0x3678] =	vst v0  }
.LBB2_32:
0x2f8: {  	s11 =	sadd.s32 $0x1, s11  }
0x2f9: {  	p1 =	sne.s32 s11, $0x20  }
.Ltmp21:
0x2fa: {  	_ = 	snop;
	(pc) =	sbr.rel @!p1 .LBB2_33-.Ltmp21, $1  }
0x2fb: {  	_ =	sdelay $0x3  }
.LBB2_25:
0x2fc: {  	v0 =	vld.msk [tilespmem:s11+$0x3658], $0x1;
	_ =	sdelay $0x4  }
0x2fd: {  	(v2sf) =	vpush v0, $0x0;
	_ =	sdelay $0xe  }
0x2fe: {  	s12 =	spop (v2sf)  }
0x2ff: {  	p1 =	seq.s32 s12, $0xFFFFFFFF  }
.Ltmp22:
0x300: {  	_ = 	snop;
	(pc) =	sbr.rel @p1 .LBB2_32-.Ltmp22, $1  }
0x301: {  	_ =	sdelay $0x3  }
0x302: {  	p1 =	slt.s32 s6, $0x1  }
.Ltmp23:
0x303: {  	_ = 	snop;
	(pc) =	sbr.rel @p1 .LBB2_30-.Ltmp23, $1  }
0x304: {  	_ =	sdelay $0x3  }
0x305: {  	s13 =	simm.s32 $0x3658;
	p1 =	por $0x0, $0x0  }
0x306: {  	v1 =	vld.msk @!p1 [tilespmem:s13+$0x0], $0x1;
	_ =	sdelay $0x4  }
0x307: {  	(v2sf) =	vpush @!p1 v1, $0x0;
	_ =	sdelay $0xd  }
0x308: {  	p3 =	sne.s32 s6, $0x1  }
.Ltmp24:
0x309: {  	s0 =	spop @!p1 (v2sf);
	(pc) =	sbr.rel @!p3 .LBB2_29-.Ltmp24, $4  }
0x30a: {  	p2 =	seq.s32 @!p1 s12, s0  }
0x30b: {  	s14 =	simm.s32 $0x0;
	p2 =	por !p2, p1  }
0x30c: {  	s0 =	simm.s32 $0xFFFFFFFF;
	s14 =	simm.s32 @p2 $0xFFFFFFFF  }
0x30d: {  	s15 =	simm.s32 $0x1;
	s14 =	smov.u32 @p1 s0  }
.LBB2_28:
0x30e: {  	s0 =	smov.u32 s14;
	p1 =	sne.s32 s14, $0xFFFFFFFF  }
0x30f: {  	s13 =	sadd.s32 $0x1, s13;
	s14 =	smov.u32 s15;
	s15 =	sadd.s32 $0x1, s15  }
0x310: {  	p2 =	sne.s32 s6, s15;
	v1 =	vld.msk @!p1 [tilespmem:s13+$0x0], $0x1;
	_ =	sdelay $0x4  }
0x311: {  	(v2sf) =	vpush @!p1 v1, $0x0;
	_ =	sdelay $0xe  }
.Ltmp25:
0x312: {  	s2 =	spop @!p1 (v2sf);
	(pc) =	sbr.rel @p2 .LBB2_28-.Ltmp25, $4  }
0x313: {  	p3 =	seq.s32 @!p1 s12, s2  }
0x314: {  	p3 =	por !p3, p1  }
0x315: {  	s14 =	simm.s32 @p3 $0xFFFFFFFF  }
0x316: {  	s14 =	smov.u32 @p1 s0  }
.LBB2_29:
0x317: {  	p1 =	sne.s32 s14, $0xFFFFFFFF  }
.Ltmp26:
0x318: {  	_ = 	snop;
	(pc) =	sbr.rel @!p1 .LBB2_30-.Ltmp26, $1  }
0x319: {  	_ =	sdelay $0x3  }
0x31a: {  	s0 =	sshll.u32 s11, $0x4  }
0x31b: {  	s0 =	sand.u32 $0x3FFFFFF0, s0  }
0x31c: {  	v0 =	vld [tilespmem:s0+$0x3678]  }
.Ltmp27:
0x31d: {  	_ = 	snop;
	(pc) =	sbr.rel .LBB2_32-.Ltmp27, $4  }
0x31e: {  	_ = 	snop  }
0x31f: {  	s31 =	sshll.u32 s14, $0x6  }
0x320: {  	s0 =	sshra.s32 s31, $0x2  }
0x321: {  	[tilespmem:s0+$0x3678] =	vst.add.f32.msk $0xffff, v0  }
.LBB2_33:
0x322: {  	s0 =	simm.s32 $0x6;
	p1 =	seq.s32 s6, $0x0  }
0x323: {  	[sflag:s0] =	ssyncpa.u1 $0x1;
	v0 =	vimm.s32 @p1 $0xFFFFFFFF  }
0x324: {  	s9 =	sadd.s32 $0xFFFFFFFF, s6;
	[tilespmem:$0x3878] =	vst @p1 v0  }
0x325: {  	v0 =	vld.msk @!p1 [tilespmem:s9+$0x3658], $0x1;
	_ =	sdelay $0x1  }
0x326: {  	v1 =	vld.msk @!p1 [tilespmem:$0x3658], $0x1;
	_ =	sdelay $0x2  }
0x327: {  	p2 =	seq.s32 @!p1 s9, $0x0;
	v0 =	vbroadcast @!p1 v0, $0x0  }
0x328: {  	vm0 =	vmmov @!p1 $0x1;
	p2 =	por !p2, p1  }
0x329: {  	v1 =	vnsel @!p1 vm0, $0xFFFFFFFF, v1;
	vm0 =	vcmask @!p1 $0x308;
	v0 =	vpsel !p2, $0xFFFFFFFF, v0  }
0x32a: {  	p2 =	sne.s32 @!p1 s8, s7;
	v0 =	vsel @!p1 vm0, v1, v0  }
0x32b: {  	s0 =	simm.s32 @!p1 $0x3678;
	s2 =	simm.s32 @!p1 $0x0;
	p3 =	por !p2, p1;
	[tilespmem:$0x3878] =	vst @!p1 v0  }
0x32c: {  	[spmem:s2] =	stream.linear.scatter @!p1 [tilespmem:s0], [sflag:$0x1], $0x10, $0x38;
	[tilespmem:$0x1F0F8] =	vst v63  }
0x32d: {  	s0 =	sshll.u32 @!p3 s9, $0x6  }
0x32e: {  	s0 =	sshra.s32 @!p3 s0, $0x2  }
0x32f: {  	s2 =	simm.s32 @!p3 $0x10;
	s0 =	sadd.s32 @!p3 $0x3678, s0  }
0x330: {  	[spmem:s2] =	stream.linear.scatter @!p3 [tilespmem:s0], [sflag:$0x1], $0x10, $0x38;
	[tilespmem:$0x1F0F8] =	vst v63  }
0x331: {  	s0 =	simm.s32 @!p3 $0x1  }
0x332: {  	_ =	swait.ge @!p3 [sflag:s0], $0x20  }
0x333: {  	p1 =	por p2, p1;
	[sflag:s0] =	ssyncset.done @!p3 $0x0  }
0x334: {  	[sflag:s0] =	ssyncadd.s32 @!p3 $0xFFFFFFE0;
	s0 =	simm.s32 @!p1 $0x1  }
0x335: {  	_ =	swait.ge @!p1 [sflag:s0], $0x10  }
0x336: {  	s29 =	simm.s32 $0x3878;
	[sflag:s0] =	ssyncset.done @!p1 $0x0  }
0x337: {  	s30 =	simm.s32 $0x200;
	s31 =	simm.s32 $0x1;
	[sflag:s0] =	ssyncadd.s32 @!p1 $0xFFFFFFF0  }
0x338: {  	[spmem:s30] =	stream.linear.scatter [tilespmem:s29], [sflag:$0x1], $0x10, $0x38;
	[tilespmem:$0x1F0F8] =	vst v63  }
0x339: {  	_ =	swait.ge [sflag:s31], $0x10  }
0x33a: {  	[sflag:s31] =	ssyncset.done $0x0  }
0x33b: {  	p1 =	seq.s32 s17, $0x0;
	s8 =	rddreg [dreg:$0x2];
	[sflag:s31] =	ssyncadd.s32 $0xFFFFFFF0  }
0x33c: {  	s2 =	sshll.u32 @p1 s8, $0xE;
	s7 =	rddreg [dreg:$0x3]  }
0x33d: {  	s0 =	sadd.s32 @p1 $0x15C3C, s2;
	s2 =	sshll.u32 @p1 s7, $0x11  }
0x33e: {  	_ =	sfence.stream.spmem;
	s0 =	sor.u32 @p1 s2, s0  }
0x33f: {  	[sflag:s0] =	ssyncadd.remote.s32 @p1 $0x1;
	s0 =	simm.s32 @p1 $0x4  }
0x340: {  	s3 =	simm.s32 @!p1 $0x3C;
	s2 =	sand.u32 $0xFFFFFFFE, s8;
	_ =	swait.ge @p1 [sflag:s0], $0x6  }
0x341: {  	s4 =	simm.s32 @!p1 $0x0;
	s2 =	sadd.s32 @!p1 $0x4, s2;
	[sflag:s0] =	ssyncset.done @p1 $0x0  }
0x342: {  	s5 =	simm.s32 @!p1 $0x20;
	[sflag:s0] =	ssyncadd.s32 @p1 $0xFFFFFFFA;
	s0 =	sshll.u32 @!p1 s2, $0x1A  }
0x343: {  	s2 =	sshll.u32 @!p1 s2, $0xD;
	s0 =	sor.u32 @!p1 s0, s7;
	_ =	swait.eq @!p1 [sflag:s3], $0x1  }
0x344: {  	s2 =	sor.u32 @!p1 $0x1C04, s2;
	s3 =	simm.s32 @!p1 $0x1C03;
	s0 =	sor.u32 @!p1 $0x80004000, s0  }
0x345: {  	[spmem:s5], [sflag:s2] =	dma.general @!p1 [spmem:s4], [sflag:s3], length:$0x4, [dreg:$0x0], stride_count:$0x0, ici_dest:s0, dma_misc:DstOpCode:WRITE  }
0x346: {  	p2 =	slt.s32 s9, $0x2;
	s4 =	simm.s32 @!p1 $0x40;
	s5 =	simm.s32 @!p1 $0x42  }
0x347: {  	[spmem:s5], [sflag:s2] =	dma.general @!p1 [spmem:s4], [sflag:s3], length:$0x2, [dreg:$0x0], stride_count:$0x0, ici_dest:s0, dma_misc:DstOpCode:WRITE  }
.Ltmp28:
0x348: {  	s0 =	simm.s32 @!p1 $0x3;
	(pc) =	sbr.rel @p2 .LBB2_37-.Ltmp28, $4  }
0x349: {  	s2 =	sshll.u32 @!p1 s8, $0xE;
	_ =	swait.ge @!p1 [sflag:s0], $0x6  }
0x34a: {  	s3 =	sshll.u32 @!p1 s7, $0x11;
	s2 =	sadd.s32 @!p1 $0x11C3C, s2;
	[sflag:s0] =	ssyncset.done @!p1 $0x0  }
0x34b: {  	[sflag:s0] =	ssyncadd.s32 @!p1 $0xFFFFFFFA;
	s0 =	sor.u32 @!p1 s3, s2  }
0x34c: {  	[sflag:s0] =	ssyncadd.remote.s32 @!p1 $0xFFFFFFFF;
	s0 =	simm.s32 $0x0  }
0x34d: {  	s0 =	simm.s32 $0x3659  }
0x34e: {  	v0 =	vld.msk [tilespmem:s0+$0x0], $0x1;
	_ =	sdelay $0x4  }
0x34f: {  	(v2sf) =	vpush v0, $0x0;
	_ =	sdelay $0xd  }
0x350: {  	s3 =	sadd.s32 $0xFFFFFFFE, s6  }
0x351: {  	s3 =	sadd.s32 $0xFFFFFFFF, s3;
	s0 =	spop (v2sf)  }
0x352: {  	p2 =	sne.s32 s3, $0x0;
	p1 =	sgt.u32 s0, $0x270FF  }
.Ltmp29:
0x353: {  	s4 =	sand.u32 @!p1 $0x3FFF8, s0;
	(pc) =	sbr.rel @!p2 .LBB2_36-.Ltmp29, $4  }
0x354: {  	s2 =	simm.s32 $0x3688;
	s0 =	sand.u32 @!p1 $0x7, s0;
	s4 =	sadd.s32 @!p1 s1, s4  }
0x355: {  	[hbm4b:s4+s0] =	stream.linear.scatter @!p1 [tilespmem:s2], [sflag:$0x5], $0x4, $0x38;
	[tilespmem:$0x1F0F8] =	vst v63  }
0x356: {  	s0 =	simm.s32 $0x0  }
0x357: {  	s6 =	simm.s32 $0x0;
	s7 =	simm.s32 $0x365A;
	s0 =	simm.s32 @!p1 $0x10  }
.LBB2_35:
0x358: {  	v0 =	vld.msk [tilespmem:s7+$0x0], $0x1;
	s3 =	sadd.s32 $0xFFFFFFFF, s3;
	s6 =	sadd.s32 s6, s0  }
0x359: {  	p1 =	sne.s32 s3, $0x0;
	_ =	sdelay $0x3  }
0x35a: {  	(v2sf) =	vpush v0, $0x0;
	_ =	sdelay $0xe  }
.Ltmp30:
0x35b: {  	s4 =	spop (v2sf);
	(pc) =	sbr.rel @p1 .LBB2_35-.Ltmp30, $4  }
0x35c: {  	s0 =	simm.s32 $0x0;
	p2 =	sgt.u32 s4, $0x270FF  }
0x35d: {  	s2 =	sadd.s32 $0x10, s2;
	s0 =	simm.s32 @!p2 $0x10;
	s5 =	sand.u32 @!p2 $0x3FFF8, s4  }
0x35e: {  	s7 =	sadd.s32 $0x1, s7;
	s4 =	sand.u32 @!p2 $0x7, s4;
	s5 =	sadd.s32 @!p2 s1, s5  }
0x35f: {  	[hbm4b:s5+s4] =	stream.linear.scatter @!p2 [tilespmem:s2], [sflag:$0x5], $0x4, $0x38;
	[tilespmem:$0x1F0F8] =	vst v63  }
.LBB2_36:
0x360: {  	s0 =	sadd.s32 s6, s0  }
0x361: {  	s0 =	sshrl.u32 s0, $0x2  }
.LBB2_37:
0x362: {  	s2 =	simm.s32 $0x5  }
0x363: {  	_ =	swait.ge [sflag:s2], s0  }
0x364: {  	s31 =	ssub.s32 $0x0, s0;
	[sflag:s2] =	ssyncset.done $0x0  }
0x365: {  	[sflag:s2] =	ssyncadd.s32 s31  }
0x366: {  	[sflag:s2] =	ssyncpa.u1 $0x1  }
.LBB2_38:
0x367: {  	s0 =	sor.u32 s17, s16  }
0x368: {  	p1 =	sne.s32 s0, $0x0  }
.Ltmp31:
0x369: {  	_ = 	snop;
	(pc) =	sbr.rel @p1 .LBB2_53-.Ltmp31, $3  }
0x36a: {  	_ =	sdelay $0x1  }
0x36b: {  	[bflag:$0x0] =	sbarrier.arrive $0xFFFF  }
0x36c: {  	_ =	sfence  }
0x36d: {  	s0 =	simm.s32 $0x7  }
0x36e: {  	s2 =	simm.s32 $0x200;
	s3 =	simm.s32 $0x3658;
	[sflag:s0] =	ssyncpa.u1 $0x0  }
0x36f: {  	[tilespmem:s3], [sflag:$0x7] =	stream.linear.gather [spmem:s2], $0x20, $0x38;
	[tilespmem:$0x1F0F8] =	vst v63  }
0x370: {  	s30 =	simm.s32 $0x3678;
	s2 =	simm.s32 $0x0  }
0x371: {  	[tilespmem:s30], [sflag:$0x7] =	stream.linear.gather [spmem:s2], $0x200, $0x38;
	[tilespmem:$0x1F0F8] =	vst v63  }
.Ltmp32:
0x372: {  	_ = 	snop;
	(pc) =	sbr.rel .LBB2_40-.Ltmp32, $4  }
0x373: {  	_ =	swait.ge [sflag:s0], $0x220  }
0x374: {  	[sflag:s0] =	ssyncset.done $0x0  }
0x375: {  	s31 =	simm.s32 $0x8;
	[sflag:s0] =	ssyncadd.s32 $0xFFFFFDE0  }
0x376: {  	s3 =	simm.s32 $0x0;
	[sflag:s31] =	ssyncpa.u1 $0x0  }
.LBB2_45:
0x377: {  	p1 =	slt.u32 s4, $0x27100  }
0x378: {  	s0 =	sand.u32 @p1 $0x3FFF8, s4  }
0x379: {  	s4 =	sand.u32 @p1 $0x7, s4;
	s5 =	simm.s32 @p1 $0x3638;
	s0 =	sadd.s32 @p1 s1, s0  }
0x37a: {  	[tilespmem:s5], [sflag:$0x8] =	stream.linear.gather @p1 [hbm4b:s0+s4], $0x4, $0x38;
	[tilespmem:$0x1F0F8] =	vst v63  }
0x37b: {  	s0 =	simm.s32 @p1 $0x8  }
0x37c: {  	_ =	swait.ge @p1 [sflag:s0], $0x4  }
0x37d: {  	[sflag:s0] =	ssyncset.done @p1 $0x0  }
0x37e: {  	[sflag:s0] =	ssyncadd.s32 @p1 $0xFFFFFFFC  }
0x37f: {  	v1 =	vld @p1 [tilespmem:$0x3638];
	_ =	sdelay $0x2  }
0x380: {  	s0 =	sshll.u32 @p1 s3, $0x6  }
0x381: {  	s5 =	sshll.u32 @!p1 s3, $0x6;
	s4 =	sshrl.u32 @p1 s0, $0x2  }
0x382: {  	s5 =	smov.u32 @p1 s0;
	[tilespmem:s4+$0x3678] =	vst.add.f32.msk @p1 $0xffff, v1  }
0x383: {  	s0 =	sshrl.u32 s5, $0x2;
	[tilespmem:s2+$0x3658] =	vst.msk $0x1, v0  }
0x384: {  	v0 =	vld [tilespmem:s0+$0x3678];
	_ =	sdelay $0x2  }
0x385: {  	s31 =	sshll.u32 s2, $0x6  }
0x386: {  	s0 =	sshra.s32 s31, $0x2  }
0x387: {  	s2 =	sadd.s32 $0x1, s2;
	[tilespmem:s0+$0x3678] =	vst v0  }
.LBB2_47:
0x388: {  	s3 =	sadd.s32 $0x1, s3  }
0x389: {  	p1 =	sne.s32 s3, $0x20  }
.Ltmp33:
0x38a: {  	_ = 	snop;
	(pc) =	sbr.rel @!p1 .LBB2_48-.Ltmp33, $1  }
0x38b: {  	_ =	sdelay $0x3  }
.LBB2_40:
0x38c: {  	v0 =	vld.msk [tilespmem:s3+$0x3658], $0x1;
	_ =	sdelay $0x4  }
0x38d: {  	(v2sf) =	vpush v0, $0x0;
	_ =	sdelay $0xe  }
0x38e: {  	s4 =	spop (v2sf)  }
0x38f: {  	p1 =	seq.s32 s4, $0xFFFFFFFF  }
.Ltmp34:
0x390: {  	_ = 	snop;
	(pc) =	sbr.rel @p1 .LBB2_47-.Ltmp34, $1  }
0x391: {  	_ =	sdelay $0x3  }
0x392: {  	p1 =	slt.s32 s2, $0x1  }
.Ltmp35:
0x393: {  	_ = 	snop;
	(pc) =	sbr.rel @p1 .LBB2_45-.Ltmp35, $1  }
0x394: {  	_ =	sdelay $0x3  }
0x395: {  	s5 =	simm.s32 $0x3658;
	p1 =	por $0x0, $0x0  }
0x396: {  	v1 =	vld.msk @!p1 [tilespmem:s5+$0x0], $0x1;
	_ =	sdelay $0x4  }
0x397: {  	(v2sf) =	vpush @!p1 v1, $0x0;
	_ =	sdelay $0xd  }
0x398: {  	p3 =	sne.s32 s2, $0x1  }
.Ltmp36:
0x399: {  	s0 =	spop @!p1 (v2sf);
	(pc) =	sbr.rel @!p3 .LBB2_44-.Ltmp36, $4  }
0x39a: {  	p2 =	seq.s32 @!p1 s4, s0  }
0x39b: {  	s6 =	simm.s32 $0x0;
	p2 =	por !p2, p1  }
0x39c: {  	s0 =	simm.s32 $0xFFFFFFFF;
	s6 =	simm.s32 @p2 $0xFFFFFFFF  }
0x39d: {  	s7 =	simm.s32 $0x1;
	s6 =	smov.u32 @p1 s0  }
.LBB2_43:
0x39e: {  	s0 =	smov.u32 s6;
	p1 =	sne.s32 s6, $0xFFFFFFFF  }
0x39f: {  	s5 =	sadd.s32 $0x1, s5;
	s6 =	smov.u32 s7;
	s7 =	sadd.s32 $0x1, s7  }
0x3a0: {  	p2 =	sne.s32 s2, s7;
	v1 =	vld.msk @!p1 [tilespmem:s5+$0x0], $0x1;
	_ =	sdelay $0x4  }
0x3a1: {  	(v2sf) =	vpush @!p1 v1, $0x0;
	_ =	sdelay $0xe  }
.Ltmp37:
0x3a2: {  	s8 =	spop @!p1 (v2sf);
	(pc) =	sbr.rel @p2 .LBB2_43-.Ltmp37, $4  }
0x3a3: {  	p3 =	seq.s32 @!p1 s4, s8  }
0x3a4: {  	p3 =	por !p3, p1  }
0x3a5: {  	s6 =	simm.s32 @p3 $0xFFFFFFFF  }
0x3a6: {  	s6 =	smov.u32 @p1 s0  }
.LBB2_44:
0x3a7: {  	p1 =	sne.s32 s6, $0xFFFFFFFF  }
.Ltmp38:
0x3a8: {  	_ = 	snop;
	(pc) =	sbr.rel @!p1 .LBB2_45-.Ltmp38, $1  }
0x3a9: {  	_ =	sdelay $0x3  }
0x3aa: {  	s0 =	sshll.u32 s3, $0x4  }
0x3ab: {  	s0 =	sand.u32 $0x3FFFFFF0, s0  }
0x3ac: {  	v0 =	vld [tilespmem:s0+$0x3678]  }
.Ltmp39:
0x3ad: {  	_ = 	snop;
	(pc) =	sbr.rel .LBB2_47-.Ltmp39, $4  }
0x3ae: {  	_ = 	snop  }
0x3af: {  	s31 =	sshll.u32 s6, $0x6  }
0x3b0: {  	s0 =	sshra.s32 s31, $0x2  }
0x3b1: {  	[tilespmem:s0+$0x3678] =	vst.add.f32.msk $0xffff, v0  }
.LBB2_48:
0x3b2: {  	p1 =	slt.s32 s2, $0x1  }
.Ltmp40:
0x3b3: {  	_ = 	snop;
	(pc) =	sbr.rel @p1 .LBB2_52-.Ltmp40, $3  }
0x3b4: {  	_ =	sdelay $0x1  }
0x3b5: {  	s0 =	simm.s32 $0x8  }
0x3b6: {  	s3 =	simm.s32 $0x0;
	[sflag:s0] =	ssyncpa.u1 $0x1  }
0x3b7: {  	s0 =	simm.s32 $0x3658  }
0x3b8: {  	v0 =	vld.msk [tilespmem:s0+$0x0], $0x1;
	_ =	sdelay $0x4  }
0x3b9: {  	(v2sf) =	vpush v0, $0x0;
	_ =	sdelay $0xe  }
0x3ba: {  	s2 =	sadd.s32 $0xFFFFFFFF, s2;
	s0 =	spop (v2sf)  }
0x3bb: {  	p2 =	sne.s32 s2, $0x0;
	p1 =	sgt.u32 s0, $0x270FF  }
.Ltmp41:
0x3bc: {  	s5 =	sand.u32 @!p1 $0x3FFF8, s0;
	(pc) =	sbr.rel @!p2 .LBB2_51-.Ltmp41, $4  }
0x3bd: {  	s4 =	simm.s32 $0x3678;
	s0 =	sand.u32 @!p1 $0x7, s0;
	s5 =	sadd.s32 @!p1 s1, s5  }
0x3be: {  	[hbm4b:s5+s0] =	stream.linear.scatter @!p1 [tilespmem:s4], [sflag:$0x7], $0x4, $0x38;
	[tilespmem:$0x1F0F8] =	vst v63  }
0x3bf: {  	s0 =	simm.s32 $0x0  }
0x3c0: {  	s5 =	simm.s32 $0x3659;
	s0 =	simm.s32 @!p1 $0x10  }
.LBB2_50:
0x3c1: {  	v0 =	vld.msk [tilespmem:s5+$0x0], $0x1;
	s2 =	sadd.s32 $0xFFFFFFFF, s2;
	s3 =	sadd.s32 s3, s0  }
0x3c2: {  	p1 =	sne.s32 s2, $0x0;
	_ =	sdelay $0x3  }
0x3c3: {  	(v2sf) =	vpush v0, $0x0;
	_ =	sdelay $0xe  }
.Ltmp42:
0x3c4: {  	s6 =	spop (v2sf);
	(pc) =	sbr.rel @p1 .LBB2_50-.Ltmp42, $4  }
0x3c5: {  	s0 =	simm.s32 $0x0;
	p2 =	sgt.u32 s6, $0x270FF  }
0x3c6: {  	s4 =	sadd.s32 $0x10, s4;
	s0 =	simm.s32 @!p2 $0x10;
	s7 =	sand.u32 @!p2 $0x3FFF8, s6  }
0x3c7: {  	s5 =	sadd.s32 $0x1, s5;
	s6 =	sand.u32 @!p2 $0x7, s6;
	s7 =	sadd.s32 @!p2 s1, s7  }
0x3c8: {  	[hbm4b:s7+s6] =	stream.linear.scatter @!p2 [tilespmem:s4], [sflag:$0x7], $0x4, $0x38;
	[tilespmem:$0x1F0F8] =	vst v63  }
.LBB2_51:
0x3c9: {  	s0 =	sadd.s32 s3, s0  }
0x3ca: {  	s3 =	sshrl.u32 s0, $0x2  }
.LBB2_52:
0x3cb: {  	s0 =	simm.s32 $0x7  }
0x3cc: {  	_ =	swait.ge [sflag:s0], s3  }
0x3cd: {  	s1 =	ssub.s32 $0x0, s3;
	[sflag:s0] =	ssyncset.done $0x0  }
0x3ce: {  	[sflag:s0] =	ssyncadd.s32 s1  }
0x3cf: {  	[sflag:s0] =	ssyncpa.u1 $0x1  }
.LBB2_53:
0x3d0: {  	_ =	sfence;
	s0 =	simm.s32 $0x1  }
0x3d1: {  	[sflag:s0] =	ssyncpa.u1 $0x1  }
0x3d2: {  	_ =	strace $0x9000004D  }
0x3d3: {  	[bflag:$0x2] =	sbarrier.arrive $0xFFFF  }
0x3d4: {  	s0 =	rddreg [dreg:$0x4]  }
0x3d5: {  	s0 =	sadd.s32 @!p0 $0x100000, s0  }
0x3d6: {  	[sflag:s0] =	ssyncadd.tile.s32 @!p0 $0x1;
	_ =	shalt  }
.Lfunc_end2:
_tile_overlayer_lowered:
.L_overlay_start_2:
0x3d7: {  	(tag) =	ssettag $0x2  }
0x3d8: {  	s0 =	rddreg [dreg:$0x0];
	s2 =	stileid.u32  }
0x3d9: {  	s1 =	rddreg [dreg:$0x1];
	p0 =	sne.s32 s2, $0x0  }
0x3da: {  	s3 =	rddreg [dreg:$0x2];
	[bflag:$0x3] =	sbarrier.arrive $0xFFFF;
	s2 =	simm.s32 @!p0 $0x1C01  }
0x3db: {  	[timem:s3], [sflag:s2] =	dma.local @!p0 [hbm:s0], s1  }
0x3dc: {  	s0 =	simm.s32 @!p0 $0x1  }
0x3dd: {  	_ =	swait.ge @!p0 [sflag:s0], s1  }
0x3de: {  	s1 =	ssub.s32 @!p0 $0x0, s1;
	[sflag:s0] =	ssyncset.done @!p0 $0x0  }
0x3df: {  	[sflag:s0] =	ssyncadd.s32 @!p0 s1  }
0x3e0: {  	[bflag:$0x3] =	sbarrier.arrive $0xFFFF  }
0x3e1: {  	_ =	shalt  }

// kernel: scatter_offload_async_start
scs
__scs_entry_jumppad:
0x0: {  	(pc) =	sbr.rel $0x88, $3  }
0x1: {  	(tag) =	ssettag $0x0;
	lr =	simm.s32 $0x1  }
0x2: {  	[smem:$0x3F97] =	sst lr;
	_ =	strace $0xD0000000  }
0x3: {  	_ = 	snop  }
0x4: {  	_ = 	snop  }
0x5: {  	_ = 	snop  }
0x6: {  	_ = 	snop  }
0x7: {  	_ = 	snop  }
__scs_overlays_trampoline_lowered:
0x8: {  	[smem:$0x3FA6] =	sst s0  }
0x9: {  	[smem:$0x3FA7] =	sst s1  }
0xa: {  	[smem:$0x3FA8] =	sst s2  }
0xb: {  	[smem:$0x3FA9] =	sst s3  }
0xc: {  	[smem:$0x3FAA] =	sst s4  }
0xd: {  	[smem:$0x3FAB] =	sst s5  }
0xe: {  	[smem:$0x3FAC] =	sst s6  }
0xf: {  	[smem:$0x3FAD] =	sst s7  }
0x10: {  	[smem:$0x3FAE] =	sst s8  }
0x11: {  	[smem:$0x3FAF] =	sst s9;
	s0 =	simm.s32 @!p0 $0x0  }
0x12: {  	s1 =	sld [smem:$0x3F95];
	s0 =	simm.s32 @p0 $0x1  }
0x13: {  	[smem:$0x3FB0] =	sst s0;
	s0 =	simm.s32 @!p1 $0x0  }
0x14: {  	s2 =	sld [smem:$0x3F94];
	s0 =	simm.s32 @p1 $0x1  }
0x15: {  	[smem:$0x3FB1] =	sst s0;
	s0 =	simm.s32 @!p2 $0x0  }
0x16: {  	s3 =	sld [smem:$0x3FDB];
	s0 =	simm.s32 @p2 $0x1  }
0x17: {  	s4 =	simm.s32 $0x1BF5;
	[smem:$0x3FB3] =	sst s0  }
0x18: {  	s0 =	sld [smem:$0x3F96];
	_ =	swait.ge [sflag:s4], $0x0  }
0x19: {  	s7 =	sld [smem:$0x3F97]  }
0x1a: {  	s8 =	sadd.s32 $0xFFFFE003, lr  }
0x1b: {  	s9 =	sadd.s32 $0xFFFFFEF7, lr;
	s5 =	simm.s32 $0xFFFFFFFF;
	p2 =	slt.u32 s8, $0xFFFFF086  }
0x1c: {  	p1 =	slt.u32 s9, $0xF7A;
	s5 =	simm.s32 @!p2 $0x0  }
0x1d: {  	s5 =	simm.s32 @p1 $0x1;
	p0 =	seq.s32 s7, s2  }
0x1e: {  	s7 =	smul.u32 @!p0 $0xF7A, s2;
	p2 =	seq.s32 @!p0 s5, $0x0  }
0x1f: {  	s9 =	smul.u32 $0xF7A, s1;
	s8 =	simm.s32 @!p0 $0x1BF5;
	p2 =	por !p2, p0  }
0x20: {  	[sflag:s8] =	ssyncset.s32 @!p0 $0xFFFFF086;
	s6 =	sadd.s32 @!p0 s3, s7;
	s7 =	simm.s32 @!p0 $0x108  }
0x21: {  	s3 =	sadd.s32 s3, s9;
	s6 =	sadd.s32 @!p0 $0x88, s6;
	s7 =	simm.s32 @p2 $0x1082  }
0x22: {  	[simem:s7], [sflag:s8] =	dma.local @!p0 [hbm:s6], $0xF7A  }
0x23: {  	s9 =	sor.u32 $0xD0000000, s2;
	s6 =	simm.s32 $0x108;
	_ =	swait.ge @!p0 [sflag:s8], $0x0  }
0x24: {  	s3 =	sadd.s32 $0x88, s3;
	s6 =	simm.s32 @!p1 $0x1082;
	[sflag:s4] =	ssyncset.s32 $0xFFFFF086  }
0x25: {  	[simem:s6], [sflag:s4] =	dma.local [hbm:s3], $0xF7A  }
0x26: {  	[smem:$0x3F97] =	sst s1;
	(tag) =	ssettag s2;
	_ =	strace s9  }
0x27: {  	s1 =	sld [smem:$0x3FA7]  }
0x28: {  	s2 =	sld [smem:$0x3FA8]  }
0x29: {  	s4 =	sld [smem:$0x3FAA]  }
0x2a: {  	p0 =	seq.s32 s5, $0x0;
	s5 =	sld [smem:$0x3FAB]  }
0x2b: {  	s6 =	sld [smem:$0x3FAC]  }
0x2c: {  	s7 =	sld [smem:$0x3FAD]  }
0x2d: {  	s3 =	simm.s32 $0x108;
	s8 =	sld [smem:$0x3FAE]  }
0x2e: {  	s3 =	simm.s32 @!p0 $0x1082;
	s9 =	sld [smem:$0x3FAF]  }
0x2f: {  	lr =	sadd.s32 s0, s3;
	s0 =	sld [smem:$0x3FA6]  }
0x30: {  	s3 =	sld [smem:$0x3FA9]  }
0x31: {  	[smem:$0x3FB2] =	sst s10  }
0x32: {  	s10 =	sld [smem:$0x3FB0];
	_ =	sdelay $0x3  }
0x33: {  	p0 =	seq.s32 s10, $0x1;
	s10 =	sld [smem:$0x3FB2];
	_ =	sdelay $0x3  }
0x34: {  	[smem:$0x3FB2] =	sst s10  }
0x35: {  	s10 =	sld [smem:$0x3FB1];
	_ =	sdelay $0x3  }
0x36: {  	p1 =	seq.s32 s10, $0x1;
	s10 =	sld [smem:$0x3FB2];
	_ =	sdelay $0x3  }
0x37: {  	[smem:$0x3FB2] =	sst s10  }
0x38: {  	s10 =	sld [smem:$0x3FB3]  }
0x39: {  	_ = 	snop;
	(pc) =	sbr.ind lr, $3  }
0x3a: {  	_ = 	snop  }
0x3b: {  	_ = 	snop  }
0x3c: {  	p2 =	seq.s32 s10, $0x1;
	s10 =	sld [smem:$0x3FB2]  }
0x3d: {  	_ =	shalt  }
0x3e: {  	_ =	shalt  }
0x3f: {  	_ =	shalt  }
0x40: {  	_ =	shalt  }
0x41: {  	_ =	shalt  }
0x42: {  	_ =	shalt  }
0x43: {  	_ =	shalt  }
0x44: {  	_ =	shalt  }
0x45: {  	_ =	shalt  }
0x46: {  	_ =	shalt  }
0x47: {  	_ =	shalt  }
0x48: {  	_ =	shalt  }
0x49: {  	_ =	shalt  }
0x4a: {  	_ =	shalt  }
0x4b: {  	_ =	shalt  }
0x4c: {  	_ =	shalt  }
0x4d: {  	_ =	shalt  }
0x4e: {  	_ =	shalt  }
0x4f: {  	_ =	shalt  }
0x50: {  	_ =	shalt  }
0x51: {  	_ =	shalt  }
0x52: {  	_ =	shalt  }
0x53: {  	_ =	shalt  }
0x54: {  	_ =	shalt  }
0x55: {  	_ =	shalt  }
0x56: {  	_ =	shalt  }
0x57: {  	_ =	shalt  }
0x58: {  	_ =	shalt  }
0x59: {  	_ =	shalt  }
0x5a: {  	_ =	shalt  }
0x5b: {  	_ =	shalt  }
0x5c: {  	_ =	shalt  }
0x5d: {  	_ =	shalt  }
0x5e: {  	_ =	shalt  }
0x5f: {  	_ =	shalt  }
0x60: {  	_ =	shalt  }
0x61: {  	_ =	shalt  }
0x62: {  	_ =	shalt  }
0x63: {  	_ =	shalt  }
0x64: {  	_ =	shalt  }
0x65: {  	_ =	shalt  }
0x66: {  	_ =	shalt  }
0x67: {  	_ =	shalt  }
0x68: {  	_ =	shalt  }
0x69: {  	_ =	shalt  }
0x6a: {  	_ =	shalt  }
0x6b: {  	_ =	shalt  }
0x6c: {  	_ =	shalt  }
0x6d: {  	_ =	shalt  }
0x6e: {  	_ =	shalt  }
0x6f: {  	_ =	shalt  }
0x70: {  	_ =	shalt  }
0x71: {  	_ =	shalt  }
0x72: {  	_ =	shalt  }
0x73: {  	_ =	shalt  }
0x74: {  	_ =	shalt  }
0x75: {  	_ =	shalt  }
0x76: {  	_ =	shalt  }
0x77: {  	_ =	shalt  }
0x78: {  	_ =	shalt  }
0x79: {  	_ =	shalt  }
0x7a: {  	_ =	shalt  }
0x7b: {  	_ =	shalt  }
0x7c: {  	_ =	shalt  }
0x7d: {  	_ =	shalt  }
0x7e: {  	_ =	shalt  }
0x7f: {  	_ =	shalt  }
0x80: {  	_ =	shalt  }
0x81: {  	_ =	shalt  }
0x82: {  	_ =	shalt  }
0x83: {  	_ =	shalt  }
0x84: {  	_ =	shalt  }
0x85: {  	_ =	shalt  }
0x86: {  	_ =	shalt  }
0x87: {  	_ =	shalt  }
.Lfunc_end0:
.L_simem_size_0:
called_computation_lowered:
.L_overlay_start_0:
0x88: {  	s2 =	sld [smem:$0x3FD9]  }
0x89: {  	s3 =	sld [smem:$0x3FFE];
	_ =	sdelay $0x1  }
0x8a: {  	s1 =	srdreg.scid  }
0x8b: {  	s0 =	sand.u32 $0x1, s1  }
0x8c: {  	s13 =	sshll.u32 s0, $0xA;
	s2 =	sadd.s32 s3, s2  }
0x8d: {  	s2 =	sadd.s32 s2, s13  }
0x8e: {  	[smem:$0x3FBE] =	sst s2  }
0x8f: {  	_ = 	snop  }
0x90: {  	s2 =	sld [smem:$0x3FD0];
	_ =	sdelay $0x2  }
0x91: {  	s14 =	simm.s32 $0xB;
	s4 =	simm.s32 $0x10  }
0x92: {  	[smem:s4], [sflag:s14] =	dma.local [hbm:s2], $0x1  }
0x93: {  	_ =	swait.eq [sflag:s14], $0x1  }
0x94: {  	[sflag:s14] =	ssyncset.done $0x0  }
0x95: {  	[sflag:s14] =	ssyncadd.s32 $0xFFFFFFFF  }
0x96: {  	s15 =	sld [smem:$0x12];
	(tm) =	ssettm $0x1  }
0x97: {  	s16 =	sld [smem:$0x3FFB];
	_ =	sdelay $0x3  }
0x98: {  	_ =	strace s16  }
0x99: {  	s3 =	sld [smem:$0x3FFC];
	_ =	sdelay $0x3  }
0x9a: {  	_ =	strace s3  }
0x9b: {  	s3 =	sld [smem:$0x3FFD];
	_ =	sdelay $0x3  }
0x9c: {  	_ =	strace s3  }
0x9d: {  	_ =	strace $0x8FFFFFFF  }
0x9e: {  	s17 =	sld [smem:$0x3FDB];
	_ =	sdelay $0x1  }
0x9f: {  	s18 =	simm.s32 $_scs_section_size  }
0xa0: {  	s5 =	simm.s32 $_size__tile_overlayer_lowered;
	s6 =	simm.s32 $_tile_overlayer_lowered  }
0xa1: {  	s21 =	simm.s32 $0x1BFF;
	s20 =	sshll.u32 s6, $0x1;
	s3 =	sadd.s32 s18, s17  }
0xa2: {  	s7 =	simm.s32 $0x0;
	s19 =	sshll.u32 s5, $0x1;
	s5 =	sadd.s32 s20, s3  }
0xa3: {  	[timem:s7], [sflag:s21] =	dma.local [hbm:s5], s19  }
0xa4: {  	_ =	swait.ge [sflag:s21], s19  }
0xa5: {  	s4 =	ssub.s32 $0x0, s19;
	[sflag:s21] =	ssyncset.done $0x0  }
0xa6: {  	[sflag:s21] =	ssyncadd.s32 s4;
	_ =	sdelay $0x1  }
0xa7: {  	s22 =	simm.s32 $0x1B8B  }
0xa8: {  	_ =	swait.ge [sflag:s22], $0x1  }
0xa9: {  	[sflag:s22] =	ssyncset.done $0x0  }
0xaa: {  	s23 =	sld [smem:$0x3FFE];
	[sflag:s22] =	ssyncadd.s32 $0xFFFFFFFF  }
0xab: {  	s25 =	simm.s32 $0x1B8E;
	s24 =	sld [smem:$0x0]  }
0xac: {  	s26 =	simm.s32 $execute0_lowered;
	[smem:$0x3FD2] =	sst s25  }
0xad: {  	s6 =	sshll.u32 s26, $0x1;
	_ =	strace $0x80000049;
	[dreg:$0x1] =	wrdreg $0xFFFFFFFF  }
0xae: {  	s28 =	simm.s32 $_size_execute0_lowered;
	s3 =	sadd.s32 s3, s6;
	[dreg:$0x0] =	wrdreg $0x0  }
0xaf: {  	s6 =	sshll.u32 s28, $0x1;
	[dreg:$0x2] =	wrdreg s3  }
0xb0: {  	[dreg:$0x3] =	wrdreg s6  }
0xb1: {  	[dreg:$0x4] =	wrdreg $0xC0  }
0xb2: {  	_ =	task [dreg:s7], $0x5FFFF  }
0xb3: {  	[dreg:$0x1] =	wrdreg $0xFFFFFFFF  }
0xb4: {  	[dreg:$0x0] =	wrdreg $0x60  }
0xb5: {  	[dreg:$0x2] =	wrdreg s15  }
0xb6: {  	[dreg:$0x3] =	wrdreg s23  }
0xb7: {  	[dreg:$0x4] =	wrdreg s1  }
0xb8: {  	[dreg:$0x5] =	wrdreg s24  }
0xb9: {  	[dreg:$0x6] =	wrdreg $0x9  }
0xba: {  	_ =	task.clear_ibuf [dreg:s7], $0x7FFFF;
	_ =	strace $0x90000049  }
0xbb: {  	s29 =	simm.s32 $0x9;
	_ =	strace $0x8000004B  }
0xbc: {  	_ =	swait.ge [sflag:s29], $0x1  }
0xbd: {  	[sflag:s29] =	ssyncadd.s32 $0xFFFFFFFF  }
0xbe: {  	_ =	strace $0x9000004B  }
0xbf: {  	_ =	sfence  }
0xc0: {  	s30 =	sld [smem:$0x0];
	_ =	sdelay $0x2  }
0xc1: {  	s31 =	sshll.u32 s1, $0xD;
	s1 =	sshrl.u32 s1, $0x2  }
0xc2: {  	s3 =	sand.u32 $0x4000, s31;
	s1 =	sadd.s32 s1, s30  }
0xc3: {  	s0 =	sor.u32 s3, s0;
	s1 =	sshll.u32 s1, $0x11  }
0xc4: {  	s0 =	sor.u32 s1, s0  }
0xc5: {  	s0 =	sadd.s32 $0x8F2B, s0  }
0xc6: {  	[sflag:s0] =	ssyncadd.remote.s32 $0x1  }
0xc7: {  	_ =	sfence.sel $0xFFFF  }
0xc8: {  	[dreg:$0x0] =	wrdreg $0xFFFFFFFF;
	(pc) =	sbr.abs _section_cstart, $3  }
0xc9: {  	[dreg:$0x1] =	wrdreg $0xFFFFFFFF  }
0xca: {  	_ =	task.clear_ibuf [dreg:s7], $0x2FFFF;
	_ =	strace $0x9FFFFFFF  }
0xcb: {  	(tm) =	ssettm $0x7FFFFFFF  }
tec
execute0_lowered:
.L_overlay_start_1:
0x0: {  	(tag) =	ssettag $0x1  }
0x1: {  	s1 =	rddreg [dreg:$0x0]  }
0x2: {  	s11 =	rddreg [dreg:$0x1]  }
0x3: {  	s3 =	rddreg [dreg:$0x2];
	_ =	strace $0x8000004A;
	s12 =	simm.s32 $0x1  }
0x4: {  	v0 =	vimm.s32 $0x0;
	[sflag:s12] =	ssyncpa.u1 $0x0  }
0x5: {  	[tilespmem:$0x28] =	vst v0  }
0x6: {  	[tilespmem:$0x38] =	vst v0  }
0x7: {  	[tilespmem:$0x48] =	vst v0  }
0x8: {  	[tilespmem:$0x58] =	vst v0  }
0x9: {  	[tilespmem:$0x68] =	vst v0  }
0xa: {  	[tilespmem:$0x78] =	vst v0  }
0xb: {  	[tilespmem:$0x88] =	vst v0  }
0xc: {  	[tilespmem:$0x98] =	vst v0  }
0xd: {  	[tilespmem:$0xA8] =	vst v0  }
0xe: {  	[tilespmem:$0xB8] =	vst v0  }
0xf: {  	[tilespmem:$0xC8] =	vst v0  }
0x10: {  	[tilespmem:$0xD8] =	vst v0  }
0x11: {  	[tilespmem:$0xE8] =	vst v0  }
0x12: {  	[tilespmem:$0xF8] =	vst v0  }
0x13: {  	[tilespmem:$0x108] =	vst v0  }
0x14: {  	[tilespmem:$0x118] =	vst v0  }
0x15: {  	[tilespmem:$0x128] =	vst v0  }
0x16: {  	[tilespmem:$0x138] =	vst v0  }
0x17: {  	[tilespmem:$0x148] =	vst v0  }
0x18: {  	[tilespmem:$0x158] =	vst v0  }
0x19: {  	[tilespmem:$0x168] =	vst v0  }
0x1a: {  	[tilespmem:$0x178] =	vst v0  }
0x1b: {  	[tilespmem:$0x188] =	vst v0  }
0x1c: {  	[tilespmem:$0x198] =	vst v0  }
0x1d: {  	[tilespmem:$0x1A8] =	vst v0  }
0x1e: {  	[tilespmem:$0x1B8] =	vst v0  }
0x1f: {  	[tilespmem:$0x1C8] =	vst v0  }
0x20: {  	[tilespmem:$0x1D8] =	vst v0  }
0x21: {  	[tilespmem:$0x1E8] =	vst v0  }
0x22: {  	[tilespmem:$0x1F8] =	vst v0  }
0x23: {  	[tilespmem:$0x208] =	vst v0  }
0x24: {  	[tilespmem:$0x218] =	vst v0  }
0x25: {  	[tilespmem:$0x228] =	vst v0  }
0x26: {  	[tilespmem:$0x238] =	vst v0  }
0x27: {  	[tilespmem:$0x248] =	vst v0  }
0x28: {  	[tilespmem:$0x258] =	vst v0  }
0x29: {  	[tilespmem:$0x268] =	vst v0  }
0x2a: {  	[tilespmem:$0x278] =	vst v0  }
0x2b: {  	[tilespmem:$0x288] =	vst v0  }
0x2c: {  	[tilespmem:$0x298] =	vst v0  }
0x2d: {  	[tilespmem:$0x2A8] =	vst v0  }
0x2e: {  	[tilespmem:$0x2B8] =	vst v0  }
0x2f: {  	[tilespmem:$0x2C8] =	vst v0  }
0x30: {  	[tilespmem:$0x2D8] =	vst v0  }
0x31: {  	[tilespmem:$0x2E8] =	vst v0  }
0x32: {  	[tilespmem:$0x2F8] =	vst v0  }
0x33: {  	[tilespmem:$0x308] =	vst v0  }
0x34: {  	[tilespmem:$0x318] =	vst v0  }
0x35: {  	[tilespmem:$0x328] =	vst v0  }
0x36: {  	[tilespmem:$0x338] =	vst v0  }
0x37: {  	[tilespmem:$0x348] =	vst v0  }
0x38: {  	[tilespmem:$0x358] =	vst v0  }
0x39: {  	[tilespmem:$0x368] =	vst v0  }
0x3a: {  	[tilespmem:$0x378] =	vst v0  }
0x3b: {  	[tilespmem:$0x388] =	vst v0  }
0x3c: {  	[tilespmem:$0x398] =	vst v0  }
0x3d: {  	[tilespmem:$0x3A8] =	vst v0  }
0x3e: {  	[tilespmem:$0x3B8] =	vst v0  }
0x3f: {  	[tilespmem:$0x3C8] =	vst v0  }
0x40: {  	[tilespmem:$0x3D8] =	vst v0  }
0x41: {  	[tilespmem:$0x3E8] =	vst v0  }
0x42: {  	[tilespmem:$0x3F8] =	vst v0  }
0x43: {  	[tilespmem:$0x408] =	vst v0  }
0x44: {  	[tilespmem:$0x418] =	vst v0  }
0x45: {  	[tilespmem:$0x428] =	vst v0  }
0x46: {  	[tilespmem:$0x438] =	vst v0  }
0x47: {  	[tilespmem:$0x448] =	vst v0  }
0x48: {  	[tilespmem:$0x458] =	vst v0  }
0x49: {  	[tilespmem:$0x468] =	vst v0  }
0x4a: {  	[tilespmem:$0x478] =	vst v0  }
0x4b: {  	[tilespmem:$0x488] =	vst v0  }
0x4c: {  	[tilespmem:$0x498] =	vst v0  }
0x4d: {  	[tilespmem:$0x4A8] =	vst v0  }
0x4e: {  	[tilespmem:$0x4B8] =	vst v0  }
0x4f: {  	[tilespmem:$0x4C8] =	vst v0  }
0x50: {  	[tilespmem:$0x4D8] =	vst v0  }
0x51: {  	[tilespmem:$0x4E8] =	vst v0  }
0x52: {  	[tilespmem:$0x4F8] =	vst v0  }
0x53: {  	[tilespmem:$0x508] =	vst v0  }
0x54: {  	[tilespmem:$0x518] =	vst v0  }
0x55: {  	[tilespmem:$0x528] =	vst v0  }
0x56: {  	[tilespmem:$0x538] =	vst v0  }
0x57: {  	[tilespmem:$0x548] =	vst v0  }
0x58: {  	[tilespmem:$0x558] =	vst v0  }
0x59: {  	[tilespmem:$0x568] =	vst v0  }
0x5a: {  	[tilespmem:$0x578] =	vst v0  }
0x5b: {  	[tilespmem:$0x588] =	vst v0  }
0x5c: {  	[tilespmem:$0x598] =	vst v0  }
0x5d: {  	[tilespmem:$0x5A8] =	vst v0  }
0x5e: {  	[tilespmem:$0x5B8] =	vst v0  }
0x5f: {  	[tilespmem:$0x5C8] =	vst v0  }
0x60: {  	[tilespmem:$0x5D8] =	vst v0  }
0x61: {  	[tilespmem:$0x5E8] =	vst v0  }
0x62: {  	[tilespmem:$0x5F8] =	vst v0  }
0x63: {  	[tilespmem:$0x608] =	vst v0  }
0x64: {  	[tilespmem:$0x618] =	vst v0  }
0x65: {  	[tilespmem:$0x628] =	vst v0  }
0x66: {  	[tilespmem:$0x638] =	vst v0  }
0x67: {  	[tilespmem:$0x648] =	vst v0  }
0x68: {  	[tilespmem:$0x658] =	vst v0  }
0x69: {  	[tilespmem:$0x668] =	vst v0  }
0x6a: {  	[tilespmem:$0x678] =	vst v0  }
0x6b: {  	[tilespmem:$0x688] =	vst v0  }
0x6c: {  	[tilespmem:$0x698] =	vst v0  }
0x6d: {  	[tilespmem:$0x6A8] =	vst v0  }
0x6e: {  	[tilespmem:$0x6B8] =	vst v0  }
0x6f: {  	[tilespmem:$0x6C8] =	vst v0  }
0x70: {  	[tilespmem:$0x6D8] =	vst v0  }
0x71: {  	[tilespmem:$0x6E8] =	vst v0  }
0x72: {  	[tilespmem:$0x6F8] =	vst v0  }
0x73: {  	[tilespmem:$0x708] =	vst v0  }
0x74: {  	[tilespmem:$0x718] =	vst v0  }
0x75: {  	[tilespmem:$0x728] =	vst v0  }
0x76: {  	[tilespmem:$0x738] =	vst v0  }
0x77: {  	[tilespmem:$0x748] =	vst v0  }
0x78: {  	[tilespmem:$0x758] =	vst v0  }
0x79: {  	[tilespmem:$0x768] =	vst v0  }
0x7a: {  	[tilespmem:$0x778] =	vst v0  }
0x7b: {  	[tilespmem:$0x788] =	vst v0  }
0x7c: {  	[tilespmem:$0x798] =	vst v0  }
0x7d: {  	[tilespmem:$0x7A8] =	vst v0  }
0x7e: {  	[tilespmem:$0x7B8] =	vst v0  }
0x7f: {  	[tilespmem:$0x7C8] =	vst v0  }
0x80: {  	[tilespmem:$0x7D8] =	vst v0  }
0x81: {  	[tilespmem:$0x7E8] =	vst v0  }
0x82: {  	[tilespmem:$0x7F8] =	vst v0  }
0x83: {  	[tilespmem:$0x808] =	vst v0  }
0x84: {  	[tilespmem:$0x818] =	vst v0  }
0x85: {  	[tilespmem:$0x828] =	vst v0  }
0x86: {  	[tilespmem:$0x838] =	vst v0  }
0x87: {  	[tilespmem:$0x848] =	vst v0  }
0x88: {  	[tilespmem:$0x858] =	vst v0  }
0x89: {  	[tilespmem:$0x868] =	vst v0  }
0x8a: {  	[tilespmem:$0x878] =	vst v0  }
0x8b: {  	[tilespmem:$0x888] =	vst v0  }
0x8c: {  	[tilespmem:$0x898] =	vst v0  }
0x8d: {  	[tilespmem:$0x8A8] =	vst v0  }
0x8e: {  	[tilespmem:$0x8B8] =	vst v0  }
0x8f: {  	[tilespmem:$0x8C8] =	vst v0  }
0x90: {  	[tilespmem:$0x8D8] =	vst v0  }
0x91: {  	[tilespmem:$0x8E8] =	vst v0  }
0x92: {  	[tilespmem:$0x8F8] =	vst v0  }
0x93: {  	[tilespmem:$0x908] =	vst v0  }
0x94: {  	[tilespmem:$0x918] =	vst v0  }
0x95: {  	[tilespmem:$0x928] =	vst v0  }
0x96: {  	[tilespmem:$0x938] =	vst v0  }
0x97: {  	[tilespmem:$0x948] =	vst v0  }
0x98: {  	[tilespmem:$0x958] =	vst v0  }
0x99: {  	[tilespmem:$0x968] =	vst v0  }
0x9a: {  	[tilespmem:$0x978] =	vst v0  }
0x9b: {  	[tilespmem:$0x988] =	vst v0  }
0x9c: {  	[tilespmem:$0x998] =	vst v0  }
0x9d: {  	[tilespmem:$0x9A8] =	vst v0  }
0x9e: {  	[tilespmem:$0x9B8] =	vst v0  }
0x9f: {  	[tilespmem:$0x9C8] =	vst v0  }
0xa0: {  	[tilespmem:$0x9D8] =	vst v0  }
0xa1: {  	[tilespmem:$0x9E8] =	vst v0  }
0xa2: {  	[tilespmem:$0x9F8] =	vst v0  }
0xa3: {  	[tilespmem:$0xA08] =	vst v0  }
0xa4: {  	[tilespmem:$0xA18] =	vst v0  }
0xa5: {  	[tilespmem:$0xA28] =	vst v0  }
0xa6: {  	[tilespmem:$0xA38] =	vst v0  }
0xa7: {  	[tilespmem:$0xA48] =	vst v0  }
0xa8: {  	[tilespmem:$0xA58] =	vst v0  }
0xa9: {  	[tilespmem:$0xA68] =	vst v0  }
0xaa: {  	[tilespmem:$0xA78] =	vst v0  }
0xab: {  	[tilespmem:$0xA88] =	vst v0  }
0xac: {  	[tilespmem:$0xA98] =	vst v0  }
0xad: {  	[tilespmem:$0xAA8] =	vst v0  }
0xae: {  	[tilespmem:$0xAB8] =	vst v0  }
0xaf: {  	[tilespmem:$0xAC8] =	vst v0  }
0xb0: {  	[tilespmem:$0xAD8] =	vst v0  }
0xb1: {  	[tilespmem:$0xAE8] =	vst v0  }
0xb2: {  	[tilespmem:$0xAF8] =	vst v0  }
0xb3: {  	[tilespmem:$0xB08] =	vst v0  }
0xb4: {  	[tilespmem:$0xB18] =	vst v0  }
0xb5: {  	[tilespmem:$0xB28] =	vst v0  }
0xb6: {  	[tilespmem:$0xB38] =	vst v0  }
0xb7: {  	[tilespmem:$0xB48] =	vst v0  }
0xb8: {  	[tilespmem:$0xB58] =	vst v0  }
0xb9: {  	[tilespmem:$0xB68] =	vst v0  }
0xba: {  	[tilespmem:$0xB78] =	vst v0  }
0xbb: {  	[tilespmem:$0xB88] =	vst v0  }
0xbc: {  	[tilespmem:$0xB98] =	vst v0  }
0xbd: {  	[tilespmem:$0xBA8] =	vst v0  }
0xbe: {  	[tilespmem:$0xBB8] =	vst v0  }
0xbf: {  	[tilespmem:$0xBC8] =	vst v0  }
0xc0: {  	[tilespmem:$0xBD8] =	vst v0  }
0xc1: {  	[tilespmem:$0xBE8] =	vst v0  }
0xc2: {  	[tilespmem:$0xBF8] =	vst v0  }
0xc3: {  	[tilespmem:$0xC08] =	vst v0  }
0xc4: {  	[tilespmem:$0xC18] =	vst v0  }
0xc5: {  	[tilespmem:$0xC28] =	vst v0  }
0xc6: {  	[tilespmem:$0xC38] =	vst v0  }
0xc7: {  	[tilespmem:$0xC48] =	vst v0  }
0xc8: {  	[tilespmem:$0xC58] =	vst v0  }
0xc9: {  	[tilespmem:$0xC68] =	vst v0  }
0xca: {  	[tilespmem:$0xC78] =	vst v0  }
0xcb: {  	[tilespmem:$0xC88] =	vst v0  }
0xcc: {  	[tilespmem:$0xC98] =	vst v0  }
0xcd: {  	[tilespmem:$0xCA8] =	vst v0  }
0xce: {  	[tilespmem:$0xCB8] =	vst v0  }
0xcf: {  	[tilespmem:$0xCC8] =	vst v0  }
0xd0: {  	[tilespmem:$0xCD8] =	vst v0  }
0xd1: {  	[tilespmem:$0xCE8] =	vst v0  }
0xd2: {  	[tilespmem:$0xCF8] =	vst v0  }
0xd3: {  	[tilespmem:$0xD08] =	vst v0  }
0xd4: {  	[tilespmem:$0xD18] =	vst v0  }
0xd5: {  	[tilespmem:$0xD28] =	vst v0  }
0xd6: {  	[tilespmem:$0xD38] =	vst v0  }
0xd7: {  	[tilespmem:$0xD48] =	vst v0  }
0xd8: {  	[tilespmem:$0xD58] =	vst v0  }
0xd9: {  	[tilespmem:$0xD68] =	vst v0  }
0xda: {  	[tilespmem:$0xD78] =	vst v0  }
0xdb: {  	[tilespmem:$0xD88] =	vst v0  }
0xdc: {  	[tilespmem:$0xD98] =	vst v0  }
0xdd: {  	[tilespmem:$0xDA8] =	vst v0  }
0xde: {  	[tilespmem:$0xDB8] =	vst v0  }
0xdf: {  	[tilespmem:$0xDC8] =	vst v0  }
0xe0: {  	[tilespmem:$0xDD8] =	vst v0  }
0xe1: {  	[tilespmem:$0xDE8] =	vst v0  }
0xe2: {  	[tilespmem:$0xDF8] =	vst v0  }
0xe3: {  	[tilespmem:$0xE08] =	vst v0  }
0xe4: {  	[tilespmem:$0xE18] =	vst v0  }
0xe5: {  	[tilespmem:$0xE28] =	vst v0  }
0xe6: {  	[tilespmem:$0xE38] =	vst v0  }
0xe7: {  	[tilespmem:$0xE48] =	vst v0  }
0xe8: {  	[tilespmem:$0xE58] =	vst v0  }
0xe9: {  	[tilespmem:$0xE68] =	vst v0  }
0xea: {  	[tilespmem:$0xE78] =	vst v0  }
0xeb: {  	[tilespmem:$0xE88] =	vst v0  }
0xec: {  	[tilespmem:$0xE98] =	vst v0  }
0xed: {  	[tilespmem:$0xEA8] =	vst v0  }
0xee: {  	[tilespmem:$0xEB8] =	vst v0  }
0xef: {  	[tilespmem:$0xEC8] =	vst v0  }
0xf0: {  	[tilespmem:$0xED8] =	vst v0  }
0xf1: {  	[tilespmem:$0xEE8] =	vst v0  }
0xf2: {  	[tilespmem:$0xEF8] =	vst v0  }
0xf3: {  	[tilespmem:$0xF08] =	vst v0  }
0xf4: {  	[tilespmem:$0xF18] =	vst v0  }
0xf5: {  	[tilespmem:$0xF28] =	vst v0  }
0xf6: {  	[tilespmem:$0xF38] =	vst v0  }
0xf7: {  	[tilespmem:$0xF48] =	vst v0  }
0xf8: {  	[tilespmem:$0xF58] =	vst v0  }
0xf9: {  	[tilespmem:$0xF68] =	vst v0  }
0xfa: {  	[tilespmem:$0xF78] =	vst v0  }
0xfb: {  	[tilespmem:$0xF88] =	vst v0  }
0xfc: {  	[tilespmem:$0xF98] =	vst v0  }
0xfd: {  	[tilespmem:$0xFA8] =	vst v0  }
0xfe: {  	[tilespmem:$0xFB8] =	vst v0  }
0xff: {  	[tilespmem:$0xFC8] =	vst v0  }
0x100: {  	[tilespmem:$0xFD8] =	vst v0  }
0x101: {  	[tilespmem:$0xFE8] =	vst v0  }
0x102: {  	[tilespmem:$0xFF8] =	vst v0  }
0x103: {  	[tilespmem:$0x1028] =	vst v0  }
0x104: {  	[tilespmem:$0x10E8] =	vst v0  }
0x105: {  	[tilespmem:$0x1048] =	vst v0  }
0x106: {  	[tilespmem:$0x1068] =	vst v0  }
0x107: {  	[tilespmem:$0x1B28] =	vst v0  }
0x108: {  	[tilespmem:$0x1B18] =	vst v0  }
0x109: {  	[tilespmem:$0x1B08] =	vst v0  }
0x10a: {  	[tilespmem:$0x1AF8] =	vst v0  }
0x10b: {  	[tilespmem:$0x1AE8] =	vst v0  }
0x10c: {  	[tilespmem:$0x1AD8] =	vst v0  }
0x10d: {  	[tilespmem:$0x1AC8] =	vst v0  }
0x10e: {  	[tilespmem:$0x1AB8] =	vst v0  }
0x10f: {  	[tilespmem:$0x1AA8] =	vst v0  }
0x110: {  	[tilespmem:$0x1A98] =	vst v0  }
0x111: {  	[tilespmem:$0x1A88] =	vst v0  }
0x112: {  	[tilespmem:$0x1A78] =	vst v0  }
0x113: {  	[tilespmem:$0x1A68] =	vst v0  }
0x114: {  	[tilespmem:$0x1A58] =	vst v0  }
0x115: {  	[tilespmem:$0x1A48] =	vst v0  }
0x116: {  	[tilespmem:$0x1A38] =	vst v0  }
0x117: {  	[tilespmem:$0x1A28] =	vst v0  }
0x118: {  	[tilespmem:$0x1A18] =	vst v0  }
0x119: {  	[tilespmem:$0x1A08] =	vst v0  }
0x11a: {  	[tilespmem:$0x19F8] =	vst v0  }
0x11b: {  	[tilespmem:$0x19E8] =	vst v0  }
0x11c: {  	[tilespmem:$0x19D8] =	vst v0  }
0x11d: {  	[tilespmem:$0x19C8] =	vst v0  }
0x11e: {  	[tilespmem:$0x19B8] =	vst v0  }
0x11f: {  	[tilespmem:$0x19A8] =	vst v0  }
0x120: {  	[tilespmem:$0x1998] =	vst v0  }
0x121: {  	[tilespmem:$0x1988] =	vst v0  }
0x122: {  	[tilespmem:$0x1978] =	vst v0  }
0x123: {  	[tilespmem:$0x1968] =	vst v0  }
0x124: {  	[tilespmem:$0x1958] =	vst v0  }
0x125: {  	[tilespmem:$0x1948] =	vst v0  }
0x126: {  	[tilespmem:$0x1938] =	vst v0  }
0x127: {  	[tilespmem:$0x1928] =	vst v0  }
0x128: {  	[tilespmem:$0x1918] =	vst v0  }
0x129: {  	[tilespmem:$0x1908] =	vst v0  }
0x12a: {  	[tilespmem:$0x18F8] =	vst v0  }
0x12b: {  	[tilespmem:$0x18E8] =	vst v0  }
0x12c: {  	[tilespmem:$0x18D8] =	vst v0  }
0x12d: {  	[tilespmem:$0x18C8] =	vst v0  }
0x12e: {  	[tilespmem:$0x18B8] =	vst v0  }
0x12f: {  	[tilespmem:$0x18A8] =	vst v0  }
0x130: {  	[tilespmem:$0x1898] =	vst v0  }
0x131: {  	[tilespmem:$0x1888] =	vst v0  }
0x132: {  	[tilespmem:$0x1878] =	vst v0  }
0x133: {  	[tilespmem:$0x1868] =	vst v0  }
0x134: {  	[tilespmem:$0x1858] =	vst v0  }
0x135: {  	[tilespmem:$0x1848] =	vst v0  }
0x136: {  	[tilespmem:$0x1838] =	vst v0  }
0x137: {  	[tilespmem:$0x1828] =	vst v0  }
0x138: {  	[tilespmem:$0x1818] =	vst v0  }
0x139: {  	[tilespmem:$0x1808] =	vst v0  }
0x13a: {  	[tilespmem:$0x17F8] =	vst v0  }
0x13b: {  	[tilespmem:$0x17E8] =	vst v0  }
0x13c: {  	[tilespmem:$0x17D8] =	vst v0  }
0x13d: {  	[tilespmem:$0x17C8] =	vst v0  }
0x13e: {  	[tilespmem:$0x17B8] =	vst v0  }
0x13f: {  	[tilespmem:$0x17A8] =	vst v0  }
0x140: {  	[tilespmem:$0x1798] =	vst v0  }
0x141: {  	[tilespmem:$0x1788] =	vst v0  }
0x142: {  	[tilespmem:$0x1778] =	vst v0  }
0x143: {  	[tilespmem:$0x1768] =	vst v0  }
0x144: {  	[tilespmem:$0x1758] =	vst v0  }
0x145: {  	[tilespmem:$0x1748] =	vst v0  }
0x146: {  	[tilespmem:$0x1738] =	vst v0  }
0x147: {  	[tilespmem:$0x1728] =	vst v0  }
0x148: {  	[tilespmem:$0x1718] =	vst v0  }
0x149: {  	[tilespmem:$0x1708] =	vst v0  }
0x14a: {  	[tilespmem:$0x16F8] =	vst v0  }
0x14b: {  	[tilespmem:$0x16E8] =	vst v0  }
0x14c: {  	[tilespmem:$0x16D8] =	vst v0  }
0x14d: {  	[tilespmem:$0x16C8] =	vst v0  }
0x14e: {  	[tilespmem:$0x16B8] =	vst v0  }
0x14f: {  	[tilespmem:$0x16A8] =	vst v0  }
0x150: {  	[tilespmem:$0x1698] =	vst v0  }
0x151: {  	[tilespmem:$0x1688] =	vst v0  }
0x152: {  	[tilespmem:$0x1678] =	vst v0  }
0x153: {  	[tilespmem:$0x1668] =	vst v0  }
0x154: {  	[tilespmem:$0x1658] =	vst v0  }
0x155: {  	[tilespmem:$0x1648] =	vst v0  }
0x156: {  	[tilespmem:$0x1638] =	vst v0  }
0x157: {  	[tilespmem:$0x1628] =	vst v0  }
0x158: {  	[tilespmem:$0x1618] =	vst v0  }
0x159: {  	[tilespmem:$0x1608] =	vst v0  }
0x15a: {  	[tilespmem:$0x15F8] =	vst v0  }
0x15b: {  	[tilespmem:$0x15E8] =	vst v0  }
0x15c: {  	[tilespmem:$0x15D8] =	vst v0  }
0x15d: {  	[tilespmem:$0x15C8] =	vst v0  }
0x15e: {  	[tilespmem:$0x15B8] =	vst v0  }
0x15f: {  	[tilespmem:$0x15A8] =	vst v0  }
0x160: {  	[tilespmem:$0x1598] =	vst v0  }
0x161: {  	[tilespmem:$0x1588] =	vst v0  }
0x162: {  	[tilespmem:$0x1578] =	vst v0  }
0x163: {  	[tilespmem:$0x1568] =	vst v0  }
0x164: {  	[tilespmem:$0x1558] =	vst v0  }
0x165: {  	[tilespmem:$0x1548] =	vst v0  }
0x166: {  	[tilespmem:$0x1538] =	vst v0  }
0x167: {  	[tilespmem:$0x1528] =	vst v0  }
0x168: {  	[tilespmem:$0x1518] =	vst v0  }
0x169: {  	[tilespmem:$0x1508] =	vst v0  }
0x16a: {  	[tilespmem:$0x14F8] =	vst v0  }
0x16b: {  	[tilespmem:$0x14E8] =	vst v0  }
0x16c: {  	[tilespmem:$0x14D8] =	vst v0  }
0x16d: {  	[tilespmem:$0x14C8] =	vst v0  }
0x16e: {  	[tilespmem:$0x14B8] =	vst v0  }
0x16f: {  	[tilespmem:$0x14A8] =	vst v0  }
0x170: {  	[tilespmem:$0x1498] =	vst v0  }
0x171: {  	[tilespmem:$0x1488] =	vst v0  }
0x172: {  	[tilespmem:$0x1478] =	vst v0  }
0x173: {  	[tilespmem:$0x1468] =	vst v0  }
0x174: {  	[tilespmem:$0x1458] =	vst v0  }
0x175: {  	[tilespmem:$0x1448] =	vst v0  }
0x176: {  	[tilespmem:$0x1438] =	vst v0  }
0x177: {  	[tilespmem:$0x1428] =	vst v0  }
0x178: {  	[tilespmem:$0x1418] =	vst v0  }
0x179: {  	[tilespmem:$0x1408] =	vst v0  }
0x17a: {  	[tilespmem:$0x13F8] =	vst v0  }
0x17b: {  	[tilespmem:$0x13E8] =	vst v0  }
0x17c: {  	[tilespmem:$0x13D8] =	vst v0  }
0x17d: {  	[tilespmem:$0x13C8] =	vst v0  }
0x17e: {  	[tilespmem:$0x13B8] =	vst v0  }
0x17f: {  	[tilespmem:$0x13A8] =	vst v0  }
0x180: {  	[tilespmem:$0x1398] =	vst v0  }
0x181: {  	[tilespmem:$0x1388] =	vst v0  }
0x182: {  	[tilespmem:$0x1378] =	vst v0  }
0x183: {  	[tilespmem:$0x1368] =	vst v0  }
0x184: {  	[tilespmem:$0x1358] =	vst v0  }
0x185: {  	[tilespmem:$0x1348] =	vst v0  }
0x186: {  	[tilespmem:$0x1338] =	vst v0  }
0x187: {  	[tilespmem:$0x1328] =	vst v0  }
0x188: {  	[tilespmem:$0x1318] =	vst v0  }
0x189: {  	[tilespmem:$0x1308] =	vst v0  }
0x18a: {  	[tilespmem:$0x12F8] =	vst v0  }
0x18b: {  	[tilespmem:$0x12E8] =	vst v0  }
0x18c: {  	[tilespmem:$0x12D8] =	vst v0  }
0x18d: {  	[tilespmem:$0x12C8] =	vst v0  }
0x18e: {  	[tilespmem:$0x12B8] =	vst v0  }
0x18f: {  	[tilespmem:$0x12A8] =	vst v0  }
0x190: {  	[tilespmem:$0x1298] =	vst v0  }
0x191: {  	[tilespmem:$0x1288] =	vst v0  }
0x192: {  	[tilespmem:$0x1278] =	vst v0  }
0x193: {  	[tilespmem:$0x1268] =	vst v0  }
0x194: {  	[tilespmem:$0x1258] =	vst v0  }
0x195: {  	[tilespmem:$0x1248] =	vst v0  }
0x196: {  	[tilespmem:$0x1238] =	vst v0  }
0x197: {  	[tilespmem:$0x1228] =	vst v0  }
0x198: {  	[tilespmem:$0x1218] =	vst v0  }
0x199: {  	[tilespmem:$0x1208] =	vst v0  }
0x19a: {  	[tilespmem:$0x11F8] =	vst v0  }
0x19b: {  	[tilespmem:$0x11E8] =	vst v0  }
0x19c: {  	[tilespmem:$0x11D8] =	vst v0  }
0x19d: {  	[tilespmem:$0x11C8] =	vst v0  }
0x19e: {  	[tilespmem:$0x11B8] =	vst v0  }
0x19f: {  	[tilespmem:$0x11A8] =	vst v0  }
0x1a0: {  	[tilespmem:$0x1198] =	vst v0  }
0x1a1: {  	[tilespmem:$0x1188] =	vst v0  }
0x1a2: {  	[tilespmem:$0x1178] =	vst v0  }
0x1a3: {  	[tilespmem:$0x1168] =	vst v0  }
0x1a4: {  	[tilespmem:$0x1158] =	vst v0  }
0x1a5: {  	[tilespmem:$0x1148] =	vst v0  }
0x1a6: {  	[tilespmem:$0x1138] =	vst v0  }
0x1a7: {  	s4 =	stileid.u32;
	[tilespmem:$0x1128] =	vst v0  }
0x1a8: {  	s0 =	smul.u32 $0x17, s4;
	[tilespmem:$0x1118] =	vst v0  }
0x1a9: {  	s2 =	smin.u32 s4, $0x3;
	[tilespmem:$0x1108] =	vst v0  }
0x1aa: {  	[tilespmem:$0x10F8] =	vst v0;
	s0 =	sadd.s32 s2, s0  }
0x1ab: {  	p0 =	slt.u32 s4, $0x3;
	[tilespmem:$0x10C8] =	vst v0;
	s2 =	simm.s32 $0x2880;
	s6 =	smul.u32 $0x1B0, s0  }
0x1ac: {  	s2 =	simm.s32 @!p0 $0x26D0;
	[tilespmem:$0x10D8] =	vst v0  }
0x1ad: {  	[tilespmem:$0x10B8] =	vst v0;
	s0 =	sadd.s32 s2, s6  }
0x1ae: {  	[tilespmem:$0x1038] =	vst v0;
	s7 =	smin.u32 s0, $0x27100  }
0x1af: {  	s5 =	simm.s32 $0x2;
	s8 =	simm.s32 $0x9;
	[tilespmem:$0x10A8] =	vst v0;
	s0 =	ssub.s32 s7, s6  }
0x1b0: {  	s10 =	simm.s32 $0xA;
	s30 =	simm.s32 $0xB;
	[tilespmem:$0x1098] =	vst v0;
	p0 =	sgt.s32 s0, $0x0  }
0x1b1: {  	s16 =	simm.s32 $0x0;
	p4 =	por $0x0, $0x0;
	[tilespmem:$0x1088] =	vst v0;
	s0 =	simm.s32 @!p0 $0x0  }
0x1b2: {  	s17 =	simm.s32 $0xC;
	s21 =	simm.s32 $0x0;
	[tilespmem:$0x1078] =	vst v0;
	s28 =	smulhi.u32 $0x4BDA12F7, s0  }
0x1b3: {  	s18 =	simm.s32 $0x0;
	s20 =	simm.s32 $0x0;
	s3 =	sand.u32 $0x1, s3;
	[tilespmem:$0x1058] =	vst v0  }
0x1b4: {  	[dreg:$0x6] =	wrdreg s3;
	s3 =	smul.u32 $0x4E20, s3;
	[tilespmem:$0x1018] =	vst v0;
	s2 =	sshrl.u32 s28, $0x7  }
0x1b5: {  	s31 =	sshll.u32 s4, $0x5;
	[tilespmem:$0x1008] =	vst v0;
	[sflag:s5] =	ssyncpa.u1 $0x0;
	v0 =	vimm.s32 $0xFFFFFFFF;
	s29 =	smul.u32 $0x1B0, s2  }
.Ltmp0:
0x1b6: {  	[dreg:$0x5] =	wrdreg s31;
	[tilespmem:$0x3648] =	vst v0;
	[sflag:s8] =	ssyncpa.u1 $0x0;
	(pc) =	sbr.rel .LBB2_1-.Ltmp0, $4  }
0x1b7: {  	s3 =	sadd.s32 s3, s11;
	[sflag:s10] =	ssyncpa.u1 $0x0;
	p0 =	sne.s32 s0, s29  }
0x1b8: {  	s11 =	sadd.s32 $0x271000, s11;
	[sflag:s30] =	ssyncpa.u1 $0x0;
	s12 =	simm.s32 @!p0 $0x0  }
0x1b9: {  	s13 =	sadd.s32 $0x3D26A00, s3;
	s14 =	sadd.s32 $0x3D1CC00, s3;
	s12 =	sadd.s32 s12, s2  }
0x1ba: {  	v0 =	vlaneseq.u32;
	s19 =	smov.u32 s6;
	p0 =	por $0x1, $0x1;
	s15 =	sadd.s32 $0x1, s12  }
.LBB2_18:
0x1bb: {  	s0 =	simm.s32 $0x2  }
0x1bc: {  	_ =	swait.ge [sflag:s0], $0x0  }
0x1bd: {  	[sflag:s0] =	ssyncset.done $0x0;
	s0 =	simm.s32 $0x0  }
.LBB2_19:
0x1be: {  	_ =	swait.ge [sflag:s17], s0  }
0x1bf: {  	s31 =	ssub.s32 $0x0, s0;
	v1 =	vmov s23;
	vm0 =	veq.s32 v0, $0x0;
	[sflag:s17] =	ssyncset.done $0x0  }
0x1c0: {  	vm15 =	veq.s32 v0, $0x2;
	v1 =	vsel vm0, s28, v1;
	[sflag:s17] =	ssyncadd.s32 s31  }
0x1c1: {  	v1 =	vsel vm15, s21, v1;
	[sflag:s17] =	ssyncpa.u1 $0x1  }
0x1c2: {  	[tilespmem:$0x3648] =	vst v1  }
.LBB2_20:
0x1c3: {  	s0 =	sadd.s32 $0x1B0, s19  }
0x1c4: {  	s2 =	smov.u32 s6;
	p1 =	slt.s32 s0, s7  }
0x1c5: {  	s2 =	smov.u32 @p1 s0;
	p1 =	sne.s32 s20, s15  }
.Ltmp1:
0x1c6: {  	_ = 	snop;
	(pc) =	sbr.rel @!p1 .LBB2_21-.Ltmp1, $4  }
0x1c7: {  	_ = 	snop  }
0x1c8: {  	s21 =	smov.u32 s18  }
0x1c9: {  	s31 =	sadd.s32 $0x1, s20;
	s18 =	smov.u32 s19;
	p0 =	por !p0, !p0  }
0x1ca: {  	p4 =	por !p4, !p4;
	s20 =	smov.u32 s31;
	s19 =	smov.u32 s2  }
.LBB2_1:
0x1cb: {  	p2 =	sge.u32 s20, s12  }
0x1cc: {  	s0 =	smulhi.u32 @!p2 $0xAAAAAAAB, s20  }
0x1cd: {  	s2 =	smov.u32 s19;
	p3 =	sgt.s32 @!p2 s19, $0x26F50  }
0x1ce: {  	s3 =	sshra.s32 @!p2 s19, $0x1F;
	p3 =	por !p3, p2;
	s0 =	sshrl.u32 @!p2 s0, $0x1  }
0x1cf: {  	s3 =	sand.u32 @!p2 s3, s19;
	s2 =	simm.s32 @p3 $0x26F50;
	s0 =	smul.u32 @!p2 $0x3, s0  }
0x1d0: {  	s2 =	ssub.s32 @!p2 s2, s3  }
0x1d1: {  	s23 =	sadd.s32 $0xFFFFFFFF, s20;
	s2 =	sadd.s32 @!p2 $0xFFFD90B0, s2;
	s0 =	ssub.s32 @!p2 s20, s0  }
0x1d2: {  	s3 =	sshll.u32 @!p2 s2, $0x2;
	p3 =	sgt.s32 @!p2 s2, $0x1AF;
	s0 =	smul.u32 @!p2 $0x6C0, s0  }
0x1d3: {  	s5 =	sand.u32 @!p2 $0x7, s19;
	s2 =	ssub.s32 @!p2 $0x6C0, s3;
	p3 =	por !p3, p2  }
0x1d4: {  	s3 =	sshrl.u32 @!p2 s19, $0x3;
	s2 =	sshrl.u32 @!p2 s2, $0x2;
	s0 =	sshrl.u32 @!p2 s0, $0x2  }
0x1d5: {  	s3 =	sadd.s32 @!p2 s3, s13;
	s2 =	simm.s32 @!p3 $0x0;
	s0 =	sadd.s32 @!p2 $0x3888, s0  }
0x1d6: {  	[tilespmem:s0], [sflag:$0xA] =	stream.linear.gather @!p2 [hbm4b:s3+s5], s2, $0x38;
	[tilespmem:$0x1F0F8] =	vst v63  }
0x1d7: {  	p2 =	sge.u32 s23, s12  }
0x1d8: {  	p3 =	sgt.s32 @!p2 s18, $0x26F50  }
0x1d9: {  	s0 =	smov.u32 s18;
	s2 =	sshra.s32 @!p2 s18, $0x1F;
	p3 =	por !p3, p2  }
0x1da: {  	s2 =	sand.u32 @!p2 s2, s18;
	s0 =	simm.s32 @p3 $0x26F50  }
0x1db: {  	s0 =	ssub.s32 @!p2 s0, s2  }
0x1dc: {  	s0 =	sadd.s32 @!p2 $0xFFFD90B0, s0  }
0x1dd: {  	s2 =	sshll.u32 @!p2 s0, $0x2  }
0x1de: {  	p3 =	sgt.s32 @!p2 s0, $0x1AF;
	s0 =	ssub.s32 @!p2 $0x6C0, s2  }
0x1df: {  	s22 =	ssub.s32 @!p2 $0x27100, s18;
	p3 =	por !p3, p2;
	s0 =	sshrl.u32 @!p2 s0, $0x2  }
0x1e0: {  	s2 =	sand.u32 @!p2 $0x1, s23;
	s0 =	simm.s32 @!p3 $0x0;
	p3 =	slt.s32 @!p2 s22, $0x1  }
0x1e1: {  	s3 =	simm.s32 @!p2 $0xA;
	s2 =	smul.u32 @!p2 $0x6C0, s2;
	p3 =	por p2, p3  }
.Ltmp2:
0x1e2: {  	_ =	swait.ge @!p2 [sflag:s3], s0;
	(pc) =	sbr.rel @p3 .LBB2_7-.Ltmp2, $4  }
0x1e3: {  	s5 =	ssub.s32 @!p2 $0x0, s0;
	[sflag:s3] =	ssyncset.done @!p2 $0x0  }
0x1e4: {  	s2 =	sshrl.u32 @!p2 s2, $0x2;
	[sflag:s3] =	ssyncadd.s32 @!p2 s5;
	s3 =	sshrl.u32 @!p2 s18, $0x3  }
0x1e5: {  	s2 =	sadd.s32 @!p2 $0x3D98, s2;
	s5 =	sand.u32 @!p2 $0x7, s18;
	s3 =	sadd.s32 @!p2 s3, s14  }
0x1e6: {  	[tilespmem:s2], [sflag:$0xB] =	stream.linear.gather @!p2 [hbm4b:s3+s5], s0, $0x38;
	[tilespmem:$0x1F0F8] =	vst v63  }
0x1e7: {  	s0 =	smulhi.u32 $0xAAAAAAAB, s23;
	_ =	sdelay $0x1  }
0x1e8: {  	s0 =	sshrl.u32 s0, $0x1  }
0x1e9: {  	s0 =	smul.u32 $0x3, s0;
	_ =	sdelay $0x1  }
0x1ea: {  	s0 =	ssub.s32 s23, s0  }
0x1eb: {  	s2 =	simm.s32 $0x1;
	s0 =	smul.u32 $0x6C0, s0  }
.Ltmp3:
0x1ec: {  	s2 =	simm.s32 @!p0 $0x0;
	(pc) =	sbr.rel .LBB2_4-.Ltmp3, $4  }
0x1ed: {  	s2 =	smul.u32 $0x36000, s2  }
0x1ee: {  	p3 =	slt.s32 @!p2 s22, $0x1B0;
	s0 =	sshrl.u32 s0, $0x2  }
0x1ef: {  	p2 =	por !p3, p2;
	s2 =	sshrl.u32 s2, $0x2;
	s0 =	sadd.s32 $0x3888, s0  }
0x1f0: {  	s24 =	simm.s32 $0x0;
	s22 =	simm.s32 @p2 $0x1B0;
	s23 =	sadd.s32 $0x40F8, s2;
	v1 =	vmov s0  }
.LBB2_3:
0x1f1: {  	p2 =	sge.s32 s24, s22  }
.Ltmp4:
0x1f2: {  	_ = 	snop;
	(pc) =	sbr.rel @p2 .LBB2_7-.Ltmp4, $2  }
0x1f3: {  	_ =	sdelay $0x2  }
0x1f4: {  	s23 =	sadd.s32 $0x800, s23  }
.LBB2_4:
0x1f5: {  	p2 =	sle.s32 s22, s24  }
.Ltmp5:
0x1f6: {  	_ = 	snop;
	(pc) =	sbr.rel @p2 .LBB2_3-.Ltmp5, $2  }
0x1f7: {  	_ =	sdelay $0x2  }
0x1f8: {  	s0 =	smov.u32 s24;
	s24 =	sadd.s32 $0x10, s24  }
0x1f9: {  	s2 =	ssub.s32 s22, s0  }
0x1fa: {  	p2 =	slt.s32 s2, $0x10  }
0x1fb: {  	s2 =	simm.s32 @!p2 $0x10  }
0x1fc: {  	v2 =	vmov s2  }
0x1fd: {  	vm0 =	vgt.s32 v2, v0;
	_ =	sdelay $0x5  }
0x1fe: {  	v2 =	vld.idx.msk [tilespmem:v1+s0+$0x0 ss:$0x1], vm0;
	_ =	sdelay $0x2  }
0x1ff: {  	p2 =	slt.s32 s24, s22;
	s2 =	smov.u32 s22  }
0x200: {  	s3 =	smov.u32 s23;
	s25 =	simm.s32 $0x0;
	s2 =	smov.u32 @p2 s24  }
.LBB2_6:
0x201: {  	(v2sf) =	vpush v2, s25;
	_ =	sdelay $0xc  }
0x202: {  	s25 =	sadd.s32 $0x1, s25  }
0x203: {  	s31 =	sadd.s32 s25, s0  }
0x204: {  	p2 =	slt.s32 s31, s2;
	s5 =	spop (v2sf)  }
.Ltmp6:
0x205: {  	s5 =	sshll.u32 s5, $0x4;
	(pc) =	sbr.rel @p2 .LBB2_6-.Ltmp6, $4  }
0x206: {  	s5 =	sand.u32 $0x1FFFFFF0, s5  }
0x207: {  	s5 =	sadd.s32 s11, s5  }
0x208: {  	[tilespmem:s3], [sflag:$0x9] =	stream.linear.gather [hbm4b:s5+s16], $0x4, $0x38;
	[tilespmem:$0x1F0F8] =	vst v63  }
0x209: {  	s3 =	sadd.s32 $0x80, s3  }
.Ltmp7:
0x20a: {  	_ = 	snop;
	(pc) =	sbr.rel .LBB2_3-.Ltmp7, $1  }
0x20b: {  	_ =	sdelay $0x3  }
.LBB2_7:
0x20c: {  	p2 =	slt.u32 s20, $0x2  }
.Ltmp8:
0x20d: {  	_ = 	snop;
	(pc) =	sbr.rel @p2 .LBB2_20-.Ltmp8, $1  }
0x20e: {  	_ =	sdelay $0x3  }
0x20f: {  	p2 =	sgt.s32 s21, $0x26F50  }
0x210: {  	s0 =	smov.u32 s21;
	s2 =	sshra.s32 s21, $0x1F;
	s3 =	ssub.s32 $0x27100, s21  }
0x211: {  	s0 =	simm.s32 @!p2 $0x26F50;
	s2 =	sand.u32 s2, s21;
	p2 =	slt.s32 s3, $0x1B0  }
0x212: {  	s0 =	ssub.s32 s0, s2;
	s3 =	simm.s32 @!p2 $0x1B0  }
0x213: {  	s0 =	sadd.s32 $0xFFFD90B0, s0;
	s24 =	sshll.u32 s3, $0x2  }
0x214: {  	s28 =	simm.s32 $0x9;
	s25 =	sshll.u32 s0, $0x2;
	s2 =	sand.u32 $0x3FFFFFFC, s24  }
0x215: {  	p2 =	sgt.s32 s0, $0x1AF;
	s26 =	ssub.s32 $0x6C0, s25;
	_ =	swait.ge [sflag:s28], s2  }
0x216: {  	s2 =	ssub.s32 $0x0, s2;
	[sflag:s28] =	ssyncset.done $0x0;
	s0 =	sshrl.u32 s26, $0x2  }
0x217: {  	s30 =	simm.s32 $0xB;
	[sflag:s28] =	ssyncadd.s32 s2;
	s0 =	simm.s32 @p2 $0x0  }
0x218: {  	_ =	swait.ge [sflag:s30], s0  }
0x219: {  	s0 =	ssub.s32 $0x0, s0;
	[sflag:s30] =	ssyncset.done $0x0  }
0x21a: {  	[sflag:s30] =	ssyncadd.s32 s0  }
0x21b: {  	v1 =	vld [tilespmem:$0x3648];
	_ =	sdelay $0x4  }
0x21c: {  	(v2sf) =	vpush v1, $0x0  }
0x21d: {  	(v2sf) =	vpush v1, $0x1  }
0x21e: {  	(v2sf) =	vpush v1, $0x2;
	_ =	sdelay $0x3  }
0x21f: {  	s0 =	sadd.s32 $0x1B0, s21  }
0x220: {  	s2 =	ssub.s32 $0x4E200, s21;
	p2 =	slt.s32 s7, s0  }
0x221: {  	s0 =	smov.u32 @p2 s7;
	p2 =	sgt.s32 s2, $0x0  }
0x222: {  	s25 =	ssub.s32 s0, s21;
	s2 =	simm.s32 @!p2 $0x0  }
0x223: {  	p2 =	slt.s32 s2, s25  }
0x224: {  	s25 =	smov.u32 @p2 s2  }
0x225: {  	s24 =	simm.s32 $0x1;
	p2 =	slt.s32 s25, $0x1  }
.Ltmp9:
0x226: {  	s24 =	simm.s32 @!p4 $0x0;
	(pc) =	sbr.rel @p2 .LBB2_12-.Ltmp9, $4  }
0x227: {  	s31 =	smul.u32 $0x6C0, s24  }
0x228: {  	s26 =	spop (v2sf)  }
0x229: {  	s0 =	sshrl.u32 s31, $0x2;
	s29 =	spop (v2sf)  }
0x22a: {  	s22 =	sadd.s32 $0x3D98, s0;
	s21 =	spop (v2sf)  }
0x22b: {  	s0 =	smin.u32 s25, $0x10  }
0x22c: {  	v1 =	vmov s0  }
0x22d: {  	p3 =	sgt.s32 s25, $0x10;
	vm1 =	vgt.u32 v1, v0  }
.Ltmp10:
0x22e: {  	_ = 	snop;
	(pc) =	sbr.rel @!p3 .LBB2_11-.Ltmp10, $2  }
0x22f: {  	_ =	sdelay $0x2  }
0x230: {  	s23 =	simm.s32 $0x10;
	s28 =	sadd.s32 $0xFFFFFFF0, s25;
	s0 =	smov.u32 s22;
	vm0 =	vmmov vm1  }
.LBB2_10:
0x231: {  	s2 =	smin.u32 s28, $0x10;
	s23 =	sadd.s32 $0x10, s23;
	v1 =	vld.msk [tilespmem:s0+$0x0 ss:$0x1], vm1  }
0x232: {  	v2 =	vmov s2;
	p3 =	slt.s32 s23, s25  }
0x233: {  	vm1 =	vgt.u32 v2, v0  }
.Ltmp11:
0x234: {  	(pc) =	sbr.rel @p3 .LBB2_10-.Ltmp11, $3  }
0x235: {  	_ =	sdelay $0x1  }
0x236: {  	v1 =	vshll.u32 v1, $0x4  }
0x237: {  	s28 =	sadd.s32 $0xFFFFFFF0, s28;
	[tilespmem:s0+$0x0] =	vst.msk vm0, v1;
	s0 =	sadd.s32 $0x10, s0;
	vm0 =	vmmov vm1  }
.LBB2_11:
0x238: {  	_ =	sdelay $0x4  }
0x239: {  	v1 =	vld.msk [tilespmem:s0+$0x0 ss:$0x1], vm1;
	_ =	sdelay $0x4  }
0x23a: {  	v1 =	vshll.u32 v1, $0x4  }
0x23b: {  	[tilespmem:s0+$0x0] =	vst.msk vm0, v1  }
.LBB2_12:
0x23c: {  	s0 =	sand.u32 $0x1, s20  }
0x23d: {  	s2 =	smul.u32 $0x1B0, s0  }
0x23e: {  	p3 =	sne.s32 s29, $0xFFFFFFFF  }
0x23f: {  	v1 =	vld.msk @!p3 [tilespmem:s2+$0x3D98], $0x1;
	_ =	sdelay $0x4  }
0x240: {  	(v2sf) =	vpush @!p3 v1, $0x0;
	_ =	sdelay $0x9  }
0x241: {  	s0 =	smul.u32 $0xD800, s0;
	_ =	sdelay $0x1  }
0x242: {  	v1 =	vld.msk @!p3 [tilespmem:s0+$0x40F8], $0xf  }
.Ltmp12:
0x243: {  	_ = 	snop;
	(pc) =	sbr.rel @p2 .LBB2_18-.Ltmp12, $4  }
0x244: {  	_ = 	snop  }
0x245: {  	s28 =	spop @!p3 (v2sf)  }
0x246: {  	s21 =	simm.s32 @!p3 $0x0;
	s0 =	simm.s32 @!p3 $0x28;
	s23 =	smov.u32 s28  }
0x247: {  	[tilespmem:s0+$0x0] =	vst.msk @!p3 $0xf, v1;
	[sflag:s17] =	ssyncpa.u1 $0x0;
	s28 =	smov.u32 @p3 s26;
	s23 =	smov.u32 @p3 s29  }
0x248: {  	v1 =	vld.msk [tilespmem:s22+$0x0], $0x1;
	_ =	sdelay $0x4  }
0x249: {  	(v2sf) =	vpush v1, $0x0;
	_ =	sdelay $0xe  }
0x24a: {  	s0 =	simm.s32 @!p4 $0x0;
	s26 =	smul.u32 $0x36000, s24;
	s31 =	spop (v2sf)  }
0x24b: {  	s29 =	ssub.s32 $0x0, s25;
	s0 =	simm.s32 @p4 $0x1;
	p2 =	seq.s32 s28, s31  }
0x24c: {  	s2 =	smov.u32 s28;
	[smem:$0x7FD] =	sst s0;
	p3 =	sgt.s32 @!p2 s28, $0x0  }
0x24d: {  	s0 =	sshrl.u32 s26, $0x2;
	s26 =	sadd.s32 $0x1, s29;
	p3 =	por !p3, p2  }
0x24e: {  	s2 =	simm.s32 @p3 $0x0;
	p3 =	seq.s32 s26, $0x0  }
.Ltmp13:
0x24f: {  	_ = 	snop;
	(pc) =	sbr.rel @p3 .LBB2_15-.Ltmp13, $4  }
0x250: {  	s25 =	simm.s32 $0x0  }
0x251: {  	s24 =	sadd.s32 $0x40F8, s0;
	s0 =	simm.s32 @!p2 $0x1;
	s3 =	smin.u32 @!p2 s2, $0x270FF  }
0x252: {  	s30 =	sadd.s32 $0x1, s22;
	s0 =	smov.u32 @p2 s25;
	s5 =	sand.u32 @!p2 $0x3FFF8, s3  }
0x253: {  	s2 =	simm.s32 @!p2 $0x1B38;
	s3 =	sand.u32 @!p2 $0x7, s3;
	s5 =	sadd.s32 @!p2 s1, s5  }
.LBB2_14:
0x254: {  	s4 =	smov.u32 s0  }
0x255: {  	[tilespmem:s2], [sflag:$0x2] =	stream.linear.gather @!p2 [hbm4b:s5+s3], $0x4, $0x38;
	[tilespmem:$0x1F0F8] =	vst v63  }
0x256: {  	s26 =	sadd.s32 $0x1, s26;
	s3 =	smov.u32 s31;
	v1 =	vld.msk [tilespmem:s30+$0x0], $0x1  }
0x257: {  	p3 =	seq.s32 s26, $0x0;
	_ =	sdelay $0x3  }
0x258: {  	(v2sf) =	vpush v1, $0x0;
	_ =	sdelay $0xe  }
0x259: {  	s31 =	spop (v2sf)  }
0x25a: {  	p2 =	seq.s32 s3, s31  }
0x25b: {  	p4 =	sgt.s32 @!p2 s3, $0x0;
	s2 =	sshll.u32 @!p2 s0, $0x6;
	s0 =	sadd.s32 @!p2 $0x1, s0  }
.Ltmp14:
0x25c: {  	p4 =	por !p4, p2;
	s2 =	sshra.s32 @!p2 s2, $0x2;
	(pc) =	sbr.rel @!p3 .LBB2_14-.Ltmp14, $4  }
0x25d: {  	s0 =	smov.u32 @p2 s4;
	s3 =	simm.s32 @p4 $0x0;
	s2 =	sadd.s32 @!p2 $0x1B38, s2  }
0x25e: {  	s3 =	smin.u32 @!p2 s3, $0x270FF  }
0x25f: {  	s4 =	sand.u32 @!p2 $0x3FFF8, s3;
	s3 =	sand.u32 @!p2 $0x7, s3  }
0x260: {  	s30 =	sadd.s32 $0x1, s30;
	s5 =	sadd.s32 @!p2 s1, s4  }
.LBB2_15:
0x261: {  	[tilespmem:s2], [sflag:$0x2] =	stream.linear.gather @!p2 [hbm4b:s5+s3], $0x4, $0x38;
	[tilespmem:$0x1F0F8] =	vst v63  }
0x262: {  	s0 =	sshll.u32 s0, $0x2  }
0x263: {  	s31 =	simm.s32 $0x2;
	s0 =	sand.u32 $0x3FFFFFFC, s0  }
0x264: {  	_ =	swait.ge [sflag:s31], s0  }
0x265: {  	s0 =	ssub.s32 $0x0, s0;
	[sflag:s31] =	ssyncset.done $0x0  }
0x266: {  	[sflag:s31] =	ssyncadd.s32 s0  }
0x267: {  	v1 =	vld.msk [tilespmem:s22+$0x0], $0x1;
	_ =	sdelay $0x4  }
0x268: {  	(v2sf) =	vpush v1, $0x0;
	_ =	sdelay $0xe  }
0x269: {  	s26 =	spop (v2sf)  }
0x26a: {  	p2 =	sne.s32 s28, s26  }
0x26b: {  	p4 =	sne.s32 @p2 s28, s23  }
0x26c: {  	p3 =	por !p4, !p2  }
0x26d: {  	s0 =	sshll.u32 @!p3 s21, $0x6;
	s2 =	simm.s32 @!p3 $0x0  }
0x26e: {  	s0 =	sshra.s32 @!p3 s0, $0x2;
	v1 =	vld.msk @!p3 [tilespmem:s2+$0x1B38], $0xf  }
0x26f: {  	v2 =	vld.msk @!p3 [tilespmem:s0+$0x28], $0xf;
	_ =	sdelay $0x1  }
0x270: {  	p5 =	sgt.u32 @!p3 s28, $0x270FF  }
0x271: {  	p6 =	por @p2 p5, !p4  }
0x272: {  	p1 =	por p6, !p2;
	p6 =	por p4, !p2  }
0x273: {  	s3 =	sadd.s32 @!p3 $0x28, s0;
	s2 =	sand.u32 @!p1 $0x3FFF8, s28;
	s4 =	sshll.u32 @!p6 s21, $0x6;
	v1 =	vmax.f32 @!p3 v1, v2  }
0x274: {  	s28 =	sand.u32 @!p1 $0x7, s28;
	s2 =	sadd.s32 @!p1 s1, s2;
	[tilespmem:s0+$0x28] =	vst.msk @!p3 $0xf, v1;
	s0 =	sshra.s32 @!p6 s4, $0x2  }
0x275: {  	[hbm4b:s2+s28] =	stream.linear.scatter @!p1 [tilespmem:s3], [sflag:$0xC], $0x4, $0x38;
	[tilespmem:$0x1F0F8] =	vst v63  }
0x276: {  	s5 =	rddreg [dreg:$0x5];
	s0 =	sadd.s32 @!p6 $0x28, s0;
	s2 =	simm.s32 @!p6 $0x1  }
0x277: {  	[spmem:s5] =	stream.linear.scatter @!p6 [tilespmem:s0], [sflag:$0x1], $0x4, $0x38;
	[tilespmem:$0x1F0F8] =	vst v63  }
0x278: {  	s0 =	sadd.s32 @p2 $0x1, s21;
	_ =	swait.ge @!p6 [sflag:s2], $0x4  }
0x279: {  	s3 =	sshrl.u32 @p2 s0, $0x4;
	[sflag:s2] =	ssyncset.done @!p6 $0x0  }
0x27a: {  	s3 =	smulhi.u32 @p2 $0x97B425F, s3;
	[sflag:s2] =	ssyncadd.s32 @!p6 $0xFFFFFFFC  }
0x27b: {  	v1 =	vld.msk @p2 [tilespmem:s24+$0x0], $0xf  }
0x27c: {  	s28 =	sadd.s32 $0x1, s29;
	p1 =	por @p2 !p5, !p4;
	s2 =	smul.u32 @p2 $0x1B0, s3  }
0x27d: {  	p1 =	por !p1, !p2;
	p6 =	seq.s32 s28, $0x0  }
.Ltmp15:
0x27e: {  	s3 =	simm.s32 @!p3 $0x0;
	s2 =	ssub.s32 @p2 s0, s2;
	(pc) =	sbr.rel @p6 .LBB2_17-.Ltmp15, $4  }
0x27f: {  	s3 =	simm.s32 @!p1 $0x10;
	s4 =	sshll.u32 @p2 s2, $0x4  }
0x280: {  	s29 =	simm.s32 $0x0;
	s0 =	sshll.u32 @!p2 s21, $0x6;
	s3 =	sadd.s32 @!p3 $0x0, s3;
	[tilespmem:s4+$0x28] =	vst.msk @p2 $0xf, v1  }
0x281: {  	s5 =	simm.s32 @p2 $0x1;
	s3 =	smov.u32 @p3 s25;
	s0 =	sshra.s32 @!p2 s0, $0x2;
	v1 =	vld.msk @!p2 [tilespmem:s24+$0x0], $0xf  }
0x282: {  	s29 =	smov.u32 @p2 s5;
	s21 =	smov.u32 @p2 s2;
	s25 =	smov.u32 @p2 s3;
	v2 =	vld.msk @!p2 [tilespmem:s0+$0x28], $0xf  }
.LBB2_16:
0x283: {  	_ =	sdelay $0x3  }
0x284: {  	v1 =	vmax.f32 @!p2 v1, v2  }
0x285: {  	s22 =	sadd.s32 $0x1, s22;
	[tilespmem:s0+$0x28] =	vst.msk @!p2 $0xf, v1  }
0x286: {  	v1 =	vld.msk [tilespmem:s22+$0x0], $0x1;
	_ =	sdelay $0x4  }
0x287: {  	(v2sf) =	vpush v1, $0x0;
	_ =	sdelay $0xe  }
0x288: {  	s30 =	smov.u32 s26;
	s26 =	spop (v2sf)  }
0x289: {  	p2 =	sne.s32 s30, s26  }
0x28a: {  	p5 =	sne.s32 @p2 s30, s23  }
0x28b: {  	s0 =	sadd.s32 @p2 $0x1, s21;
	p4 =	por !p5, !p2  }
0x28c: {  	s31 =	sshll.u32 @!p2 s21, $0x6;
	s3 =	sadd.s32 @p2 $0x1, s29;
	s4 =	sshll.u32 @!p4 s29, $0x6  }
0x28d: {  	s2 =	sshrl.u32 @p2 s0, $0x4;
	s5 =	sshll.u32 @!p4 s21, $0x6;
	s4 =	sshra.s32 @!p4 s4, $0x2  }
0x28e: {  	p1 =	sgt.u32 @!p4 s30, $0x270FF;
	s2 =	smulhi.u32 @p2 $0x97B425F, s2;
	s5 =	sshra.s32 @!p4 s5, $0x2;
	v1 =	vld.msk @!p4 [tilespmem:s4+$0x1B38], $0xf  }
0x28f: {  	s8 =	simm.s32 @!p4 $0x0;
	s29 =	smov.u32 @p2 s3;
	p6 =	por @p2 p1, !p5;
	v2 =	vld.msk @!p4 [tilespmem:s5+$0x28], $0xf  }
0x290: {  	p1 =	por @p2 !p1, !p5;
	p5 =	por p5, !p2;
	s4 =	sadd.s32 @!p4 $0x28, s5  }
0x291: {  	p6 =	por p6, !p2;
	p1 =	por !p1, !p2;
	s2 =	smul.u32 @p2 $0x1B0, s2  }
0x292: {  	s10 =	sshll.u32 @!p5 s21, $0x6;
	s9 =	sand.u32 @!p6 $0x3FFF8, s30;
	s8 =	simm.s32 @!p1 $0x10  }
0x293: {  	s30 =	sand.u32 @!p6 $0x7, s30;
	s9 =	sadd.s32 @!p6 s1, s9;
	s3 =	sadd.s32 @!p4 s8, s25  }
0x294: {  	s8 =	rddreg [dreg:$0x5];
	s0 =	ssub.s32 @p2 s0, s2;
	s3 =	smov.u32 @p4 s25;
	v1 =	vmax.f32 @!p4 v1, v2  }
0x295: {  	s2 =	sshll.u32 @p2 s0, $0x4;
	s25 =	smov.u32 @p2 s3;
	s3 =	sshra.s32 @!p5 s10, $0x2;
	[tilespmem:s5+$0x28] =	vst.msk @!p4 $0xf, v1  }
0x296: {  	[hbm4b:s9+s30] =	stream.linear.scatter @!p6 [tilespmem:s4], [sflag:$0xC], $0x4, $0x38;
	[tilespmem:$0x1F0F8] =	vst v63  }
0x297: {  	s21 =	smov.u32 @p2 s0;
	s0 =	sadd.s32 @!p5 $0x28, s3;
	s3 =	simm.s32 @!p5 $0x1  }
0x298: {  	[spmem:s8] =	stream.linear.scatter @!p5 [tilespmem:s0], [sflag:$0x1], $0x4, $0x38;
	[tilespmem:$0x1F0F8] =	vst v63  }
0x299: {  	_ =	swait.ge @!p5 [sflag:s3], $0x4  }
0x29a: {  	[sflag:s3] =	ssyncset.done @!p5 $0x0  }
0x29b: {  	s24 =	sadd.s32 $0x80, s24;
	[sflag:s3] =	ssyncadd.s32 @!p5 $0xFFFFFFFC  }
0x29c: {  	v1 =	vld.msk @p2 [tilespmem:s24+$0x0], $0xf  }
0x29d: {  	s28 =	sadd.s32 $0x1, s28  }
0x29e: {  	p3 =	seq.s32 s28, $0x0  }
.Ltmp16:
0x29f: {  	_ = 	snop;
	(pc) =	sbr.rel @!p3 .LBB2_16-.Ltmp16, $4  }
0x2a0: {  	_ = 	snop  }
0x2a1: {  	[tilespmem:s2+$0x28] =	vst.msk @p2 $0xf, v1  }
0x2a2: {  	s0 =	sshra.s32 @!p2 s31, $0x2;
	v1 =	vld.msk @!p2 [tilespmem:s24+$0x0], $0xf  }
0x2a3: {  	v2 =	vld.msk @!p2 [tilespmem:s0+$0x28], $0xf  }
.LBB2_17:
0x2a4: {  	_ = 	snop  }
.Ltmp17:
0x2a5: {  	_ = 	snop;
	(pc) =	sbr.rel .LBB2_19-.Ltmp17, $3  }
0x2a6: {  	s2 =	sld [smem:$0x7FD];
	_ =	sdelay $0x1  }
0x2a7: {  	v1 =	vmax.f32 @!p2 v1, v2  }
0x2a8: {  	s28 =	smov.u32 s26;
	p4 =	seq.s32 s2, $0x1;
	[tilespmem:s0+$0x28] =	vst.msk @!p2 $0xf, v1;
	s0 =	sshrl.u32 s25, $0x2  }
.LBB2_21:
0x2a9: {  	_ =	sfence.sel $0x180000  }
0x2aa: {  	s0 =	simm.s32 $0x9;
	[bflag:$0x0] =	sbarrier.arrive $0xFFFF  }
0x2ab: {  	s24 =	simm.s32 $0xA;
	[sflag:s0] =	ssyncpa.u1 $0x1  }
0x2ac: {  	s25 =	simm.s32 $0xB;
	[sflag:s24] =	ssyncpa.u1 $0x1  }
0x2ad: {  	s26 =	simm.s32 $0x2;
	[sflag:s25] =	ssyncpa.u1 $0x1  }
0x2ae: {  	[sflag:s26] =	ssyncpa.u1 $0x1  }
0x2af: {  	v0 =	vld [tilespmem:$0x3648];
	_ =	sdelay $0x4  }
0x2b0: {  	(v2sf) =	vpush v0, $0x0  }
0x2b1: {  	(v2sf) =	vpush v0, $0x1;
	_ =	sdelay $0x1  }
0x2b2: {  	(v2sf) =	vpush v0, $0x2;
	_ =	sdelay $0xb  }
0x2b3: {  	s0 =	spop (v2sf)  }
0x2b4: {  	s2 =	spop (v2sf)  }
0x2b5: {  	s3 =	smov.u32 s0;
	p0 =	sne.s32 s0, s2  }
0x2b6: {  	s4 =	spop (v2sf);
	s3 =	simm.s32 @!p0 $0xFFFFFFFF  }
0x2b7: {  	v2 =	vimm.s32 $0x1;
	v3 =	vlaneseq.u32;
	p0 =	seq.s32 s4, $0xFFFFFFFF;
	v1 =	vmov s3  }
0x2b8: {  	s16 =	stileid.u32;
	v0 =	vperm.xlane v0, v2;
	p1 =	sne.s32 @!p0 s0, s2;
	v1 =	vperm.xlane v1, v3  }
0x2b9: {  	vm0 =	vcmask $0x3F04;
	s6 =	simm.s32 $0x3648;
	s0 =	simm.s32 @!p0 $0x1;
	p1 =	por !p1, p0  }
0x2ba: {  	s3 =	sshll.u32 s16, $0x1;
	s2 =	sshll.u32 @!p0 s4, $0x6;
	s0 =	simm.s32 @p1 $0x0;
	v0 =	vsel vm0, v1, v0  }
0x2bb: {  	s5 =	sor.u32 $0x200, s3;
	s2 =	sshra.s32 @!p0 s2, $0x2;
	s0 =	sor.u32 @!p0 s0, s3;
	[tilespmem:$0x3648] =	vst v0  }
0x2bc: {  	[spmem:s5] =	stream.linear.scatter [tilespmem:s6], [sflag:$0x1], $0x2, $0x38;
	[tilespmem:$0x1F0F8] =	vst v63  }
0x2bd: {  	s2 =	sadd.s32 @!p0 $0x28, s2;
	s0 =	sshll.u32 @!p0 s0, $0x4  }
0x2be: {  	[spmem:s0] =	stream.linear.scatter @!p0 [tilespmem:s2], [sflag:$0x1], $0x10, $0x38;
	[tilespmem:$0x1F0F8] =	vst v63  }
0x2bf: {  	s0 =	simm.s32 @!p0 $0x12  }
0x2c0: {  	s28 =	simm.s32 $0x1;
	s0 =	simm.s32 @p0 $0x2  }
0x2c1: {  	_ =	swait.ge [sflag:s28], s0  }
0x2c2: {  	s0 =	ssub.s32 $0x0, s0;
	[sflag:s28] =	ssyncset.done $0x0  }
0x2c3: {  	p0 =	sne.s32 s16, $0x0;
	[sflag:s28] =	ssyncadd.s32 s0  }
.Ltmp18:
0x2c4: {  	_ =	sfence.stream.spmem;
	(pc) =	sbr.rel @p0 .LBB2_38-.Ltmp18, $4  }
0x2c5: {  	s29 =	simm.s32 $0x3;
	[bflag:$0x0] =	sbarrier.arrive $0xFFFF  }
0x2c6: {  	s30 =	simm.s32 $0x4;
	[sflag:s29] =	ssyncpa.u1 $0x1  }
0x2c7: {  	s31 =	simm.s32 $0x3C;
	[sflag:s30] =	ssyncpa.u1 $0x1  }
0x2c8: {  	s17 =	rddreg [dreg:$0x6];
	[sflag:s31] =	ssyncpa.u1 $0x1  }
0x2c9: {  	_ =	sfence.stream.spmem;
	s0 =	simm.s32 $0x5  }
0x2ca: {  	s2 =	simm.s32 $0x200;
	s3 =	simm.s32 $0x3658;
	[sflag:s0] =	ssyncpa.u1 $0x0  }
0x2cb: {  	[tilespmem:s3], [sflag:$0x5] =	stream.linear.gather [spmem:s2], $0x20, $0x38;
	[tilespmem:$0x1F0F8] =	vst v63  }
0x2cc: {  	s26 =	simm.s32 $0x0;
	s28 =	simm.s32 $0x3678  }
0x2cd: {  	[tilespmem:s28], [sflag:$0x5] =	stream.linear.gather [spmem:s26], $0x200, $0x38;
	[tilespmem:$0x1F0F8] =	vst v63  }
0x2ce: {  	_ =	swait.ge [sflag:s0], $0x220  }
0x2cf: {  	[sflag:s0] =	ssyncset.done $0x0  }
0x2d0: {  	s29 =	simm.s32 $0x0;
	[sflag:s0] =	ssyncadd.s32 $0xFFFFFDE0  }
0x2d1: {  	v0 =	vld.msk [tilespmem:s29+$0x3658], $0x1;
	_ =	sdelay $0x1  }
0x2d2: {  	s30 =	simm.s32 $0x1  }
0x2d3: {  	v1 =	vld.msk [tilespmem:s30+$0x3658], $0x1;
	_ =	sdelay $0x1  }
0x2d4: {  	(v2sf) =	vpush v0, $0x0;
	_ =	sdelay $0x2  }
0x2d5: {  	(v2sf) =	vpush v1, $0x0;
	_ =	sdelay $0x2  }
0x2d6: {  	s31 =	simm.s32 $0x2  }
0x2d7: {  	v0 =	vld.msk [tilespmem:s31+$0x3658], $0x1;
	_ =	sdelay $0x2  }
0x2d8: {  	s6 =	simm.s32 $0xFFFFFFFF;
	s2 =	simm.s32 $0xFFFFFFFF;
	s0 =	simm.s32 $0xC  }
.LBB2_23:
0x2d9: {  	s3 =	smov.u32 s6;
	s4 =	smov.u32 s2  }
0x2da: {  	s2 =	sshra.s32 s0, $0x2;
	p1 =	sne.s32 s0, $0x7C;
	s0 =	sadd.s32 $0x4, s0;
	(v2sf) =	vpush v0, $0x0  }
0x2db: {  	v0 =	vld.msk [tilespmem:s2+$0x3658], $0x1  }
.Ltmp19:
0x2dc: {  	(pc) =	sbr.rel @p1 .LBB2_23-.Ltmp19, $4  }
0x2dd: {  	s6 =	spop (v2sf)  }
0x2de: {  	p2 =	sne.s32 s4, $0xFFFFFFFF;
	s2 =	smov.u32 s6  }
0x2df: {  	p3 =	seq.s32 s6, $0xFFFFFFFF;
	s2 =	smov.u32 @p2 s4  }
0x2e0: {  	s6 =	smov.u32 @p3 s3;
	s2 =	smov.u32 @p3 s4  }
0x2e1: {  	(v2sf) =	vpush v0, $0x0;
	_ =	sdelay $0x8  }
0x2e2: {  	s0 =	spop (v2sf)  }
0x2e3: {  	p1 =	sne.s32 s2, $0xFFFFFFFF;
	s3 =	smov.u32 s0  }
0x2e4: {  	s9 =	simm.s32 $0x6;
	p2 =	seq.s32 s0, $0xFFFFFFFF;
	s3 =	smov.u32 @p1 s2  }
0x2e5: {  	s10 =	simm.s32 $0x3638;
	s3 =	smov.u32 @p2 s2;
	s2 =	spop (v2sf)  }
0x2e6: {  	s0 =	smov.u32 @p2 s6;
	p1 =	sne.s32 s3, $0xFFFFFFFF;
	s4 =	smov.u32 s2  }
.Ltmp20:
0x2e7: {  	p2 =	seq.s32 s2, $0xFFFFFFFF;
	s4 =	smov.u32 @p1 s3;
	(pc) =	sbr.rel .LBB2_25-.Ltmp20, $4  }
0x2e8: {  	s11 =	simm.s32 $0x0;
	s4 =	smov.u32 @p2 s3;
	s7 =	spop (v2sf)  }
0x2e9: {  	[sflag:s9] =	ssyncpa.u1 $0x0;
	p1 =	sne.s32 s4, $0xFFFFFFFF;
	s8 =	smov.u32 s7  }
0x2ea: {  	s2 =	smov.u32 @p2 s0;
	p2 =	seq.s32 s7, $0xFFFFFFFF;
	s8 =	smov.u32 @p1 s4  }
0x2eb: {  	s6 =	simm.s32 $0x0;
	s7 =	smov.u32 @p2 s2;
	s8 =	smov.u32 @p2 s4  }
.LBB2_30:
0x2ec: {  	p1 =	sgt.u32 s12, $0x270FF  }
0x2ed: {  	p2 =	seq.s32 @!p1 s12, s8  }
0x2ee: {  	p1 =	por p1, p2  }
0x2ef: {  	p2 =	sne.s32 @!p1 s12, s7  }
0x2f0: {  	p1 =	por p1, !p2  }
0x2f1: {  	s0 =	sshll.u32 @p1 s11, $0x6  }
0x2f2: {  	s0 =	sand.u32 @!p1 $0x3FFF8, s12  }
0x2f3: {  	s2 =	sand.u32 @!p1 $0x7, s12;
	s0 =	sadd.s32 @!p1 s1, s0  }
0x2f4: {  	[tilespmem:s10], [sflag:$0x6] =	stream.linear.gather @!p1 [hbm4b:s0+s2], $0x4, $0x38;
	[tilespmem:$0x1F0F8] =	vst v63  }
0x2f5: {  	_ =	swait.ge @!p1 [sflag:s9], $0x4  }
0x2f6: {  	[sflag:s9] =	ssyncset.done @!p1 $0x0  }
0x2f7: {  	s0 =	sshll.u32 @!p1 s11, $0x6;
	[sflag:s9] =	ssyncadd.s32 @!p1 $0xFFFFFFFC  }
0x2f8: {  	s2 =	sshrl.u32 @!p1 s0, $0x2;
	v1 =	vld @!p1 [tilespmem:$0x3638]  }
0x2f9: {  	v2 =	vld @!p1 [tilespmem:s2+$0x3678];
	_ =	sdelay $0x4  }
0x2fa: {  	v1 =	vmax.f32 @!p1 v1, v2  }
0x2fb: {  	[tilespmem:s2+$0x3678] =	vst @!p1 v1  }
0x2fc: {  	s0 =	sshrl.u32 s0, $0x2;
	[tilespmem:s6+$0x3658] =	vst.msk $0x1, v0  }
0x2fd: {  	v0 =	vld [tilespmem:s0+$0x3678];
	_ =	sdelay $0x2  }
0x2fe: {  	s31 =	sshll.u32 s6, $0x6  }
0x2ff: {  	s0 =	sshra.s32 s31, $0x2  }
0x300: {  	s6 =	sadd.s32 $0x1, s6;
	[tilespmem:s0+$0x3678] =	vst v0  }
.LBB2_32:
0x301: {  	s11 =	sadd.s32 $0x1, s11  }
0x302: {  	p1 =	sne.s32 s11, $0x20  }
.Ltmp21:
0x303: {  	_ = 	snop;
	(pc) =	sbr.rel @!p1 .LBB2_33-.Ltmp21, $1  }
0x304: {  	_ =	sdelay $0x3  }
.LBB2_25:
0x305: {  	v0 =	vld.msk [tilespmem:s11+$0x3658], $0x1;
	_ =	sdelay $0x4  }
0x306: {  	(v2sf) =	vpush v0, $0x0;
	_ =	sdelay $0xe  }
0x307: {  	s12 =	spop (v2sf)  }
0x308: {  	p1 =	seq.s32 s12, $0xFFFFFFFF  }
.Ltmp22:
0x309: {  	_ = 	snop;
	(pc) =	sbr.rel @p1 .LBB2_32-.Ltmp22, $1  }
0x30a: {  	_ =	sdelay $0x3  }
0x30b: {  	p1 =	slt.s32 s6, $0x1  }
.Ltmp23:
0x30c: {  	_ = 	snop;
	(pc) =	sbr.rel @p1 .LBB2_30-.Ltmp23, $1  }
0x30d: {  	_ =	sdelay $0x3  }
0x30e: {  	s13 =	simm.s32 $0x3658;
	p1 =	por $0x0, $0x0  }
0x30f: {  	v1 =	vld.msk @!p1 [tilespmem:s13+$0x0], $0x1;
	_ =	sdelay $0x4  }
0x310: {  	(v2sf) =	vpush @!p1 v1, $0x0;
	_ =	sdelay $0xd  }
0x311: {  	p3 =	sne.s32 s6, $0x1  }
.Ltmp24:
0x312: {  	s0 =	spop @!p1 (v2sf);
	(pc) =	sbr.rel @!p3 .LBB2_29-.Ltmp24, $4  }
0x313: {  	p2 =	seq.s32 @!p1 s12, s0  }
0x314: {  	s14 =	simm.s32 $0x0;
	p2 =	por !p2, p1  }
0x315: {  	s0 =	simm.s32 $0xFFFFFFFF;
	s14 =	simm.s32 @p2 $0xFFFFFFFF  }
0x316: {  	s15 =	simm.s32 $0x1;
	s14 =	smov.u32 @p1 s0  }
.LBB2_28:
0x317: {  	s0 =	smov.u32 s14;
	p1 =	sne.s32 s14, $0xFFFFFFFF  }
0x318: {  	s13 =	sadd.s32 $0x1, s13;
	s14 =	smov.u32 s15;
	s15 =	sadd.s32 $0x1, s15  }
0x319: {  	p2 =	sne.s32 s6, s15;
	v1 =	vld.msk @!p1 [tilespmem:s13+$0x0], $0x1;
	_ =	sdelay $0x4  }
0x31a: {  	(v2sf) =	vpush @!p1 v1, $0x0;
	_ =	sdelay $0xe  }
.Ltmp25:
0x31b: {  	s2 =	spop @!p1 (v2sf);
	(pc) =	sbr.rel @p2 .LBB2_28-.Ltmp25, $4  }
0x31c: {  	p3 =	seq.s32 @!p1 s12, s2  }
0x31d: {  	p3 =	por !p3, p1  }
0x31e: {  	s14 =	simm.s32 @p3 $0xFFFFFFFF  }
0x31f: {  	s14 =	smov.u32 @p1 s0  }
.LBB2_29:
0x320: {  	p1 =	sne.s32 s14, $0xFFFFFFFF  }
.Ltmp26:
0x321: {  	_ = 	snop;
	(pc) =	sbr.rel @!p1 .LBB2_30-.Ltmp26, $1  }
0x322: {  	_ =	sdelay $0x3  }
0x323: {  	s0 =	sshll.u32 s11, $0x4  }
0x324: {  	s2 =	sshll.u32 s14, $0x6;
	s0 =	sand.u32 $0x3FFFFFF0, s0  }
0x325: {  	s31 =	sshra.s32 s2, $0x2;
	v0 =	vld [tilespmem:s0+$0x3678]  }
0x326: {  	v1 =	vld [tilespmem:s31+$0x3678];
	_ =	sdelay $0x1  }
.Ltmp27:
0x327: {  	_ = 	snop;
	(pc) =	sbr.rel .LBB2_32-.Ltmp27, $3  }
0x328: {  	_ =	sdelay $0x1  }
0x329: {  	v0 =	vmax.f32 v0, v1  }
0x32a: {  	[tilespmem:s31+$0x3678] =	vst v0  }
.LBB2_33:
0x32b: {  	s0 =	simm.s32 $0x6;
	p1 =	seq.s32 s6, $0x0  }
0x32c: {  	[sflag:s0] =	ssyncpa.u1 $0x1;
	v0 =	vimm.s32 @p1 $0xFFFFFFFF  }
0x32d: {  	s9 =	sadd.s32 $0xFFFFFFFF, s6;
	[tilespmem:$0x3878] =	vst @p1 v0  }
0x32e: {  	v0 =	vld.msk @!p1 [tilespmem:s9+$0x3658], $0x1;
	_ =	sdelay $0x1  }
0x32f: {  	v1 =	vld.msk @!p1 [tilespmem:$0x3658], $0x1;
	_ =	sdelay $0x2  }
0x330: {  	p2 =	seq.s32 @!p1 s9, $0x0;
	v0 =	vbroadcast @!p1 v0, $0x0  }
0x331: {  	vm0 =	vmmov @!p1 $0x1;
	p2 =	por !p2, p1  }
0x332: {  	v1 =	vnsel @!p1 vm0, $0xFFFFFFFF, v1;
	vm0 =	vcmask @!p1 $0x308;
	v0 =	vpsel !p2, $0xFFFFFFFF, v0  }
0x333: {  	p2 =	sne.s32 @!p1 s8, s7;
	v0 =	vsel @!p1 vm0, v1, v0  }
0x334: {  	s0 =	simm.s32 @!p1 $0x3678;
	s2 =	simm.s32 @!p1 $0x0;
	p3 =	por !p2, p1;
	[tilespmem:$0x3878] =	vst @!p1 v0  }
0x335: {  	[spmem:s2] =	stream.linear.scatter @!p1 [tilespmem:s0], [sflag:$0x1], $0x10, $0x38;
	[tilespmem:$0x1F0F8] =	vst v63  }
0x336: {  	s0 =	sshll.u32 @!p3 s9, $0x6  }
0x337: {  	s0 =	sshra.s32 @!p3 s0, $0x2  }
0x338: {  	s2 =	simm.s32 @!p3 $0x10;
	s0 =	sadd.s32 @!p3 $0x3678, s0  }
0x339: {  	[spmem:s2] =	stream.linear.scatter @!p3 [tilespmem:s0], [sflag:$0x1], $0x10, $0x38;
	[tilespmem:$0x1F0F8] =	vst v63  }
0x33a: {  	s0 =	simm.s32 @!p3 $0x1  }
0x33b: {  	_ =	swait.ge @!p3 [sflag:s0], $0x20  }
0x33c: {  	p1 =	por p2, p1;
	[sflag:s0] =	ssyncset.done @!p3 $0x0  }
0x33d: {  	[sflag:s0] =	ssyncadd.s32 @!p3 $0xFFFFFFE0;
	s0 =	simm.s32 @!p1 $0x1  }
0x33e: {  	_ =	swait.ge @!p1 [sflag:s0], $0x10  }
0x33f: {  	s29 =	simm.s32 $0x3878;
	[sflag:s0] =	ssyncset.done @!p1 $0x0  }
0x340: {  	s30 =	simm.s32 $0x200;
	s31 =	simm.s32 $0x1;
	[sflag:s0] =	ssyncadd.s32 @!p1 $0xFFFFFFF0  }
0x341: {  	[spmem:s30] =	stream.linear.scatter [tilespmem:s29], [sflag:$0x1], $0x10, $0x38;
	[tilespmem:$0x1F0F8] =	vst v63  }
0x342: {  	_ =	swait.ge [sflag:s31], $0x10  }
0x343: {  	[sflag:s31] =	ssyncset.done $0x0  }
0x344: {  	p1 =	seq.s32 s17, $0x0;
	s8 =	rddreg [dreg:$0x2];
	[sflag:s31] =	ssyncadd.s32 $0xFFFFFFF0  }
0x345: {  	s2 =	sshll.u32 @p1 s8, $0xE;
	s7 =	rddreg [dreg:$0x3]  }
0x346: {  	s0 =	sadd.s32 @p1 $0x15C3C, s2;
	s2 =	sshll.u32 @p1 s7, $0x11  }
0x347: {  	_ =	sfence.stream.spmem;
	s0 =	sor.u32 @p1 s2, s0  }
0x348: {  	[sflag:s0] =	ssyncadd.remote.s32 @p1 $0x1;
	s0 =	simm.s32 @p1 $0x4  }
0x349: {  	s3 =	simm.s32 @!p1 $0x3C;
	s2 =	sand.u32 $0xFFFFFFFE, s8;
	_ =	swait.ge @p1 [sflag:s0], $0x6  }
0x34a: {  	s4 =	simm.s32 @!p1 $0x0;
	s2 =	sadd.s32 @!p1 $0x4, s2;
	[sflag:s0] =	ssyncset.done @p1 $0x0  }
0x34b: {  	s5 =	simm.s32 @!p1 $0x20;
	[sflag:s0] =	ssyncadd.s32 @p1 $0xFFFFFFFA;
	s0 =	sshll.u32 @!p1 s2, $0x1A  }
0x34c: {  	s2 =	sshll.u32 @!p1 s2, $0xD;
	s0 =	sor.u32 @!p1 s0, s7;
	_ =	swait.eq @!p1 [sflag:s3], $0x1  }
0x34d: {  	s2 =	sor.u32 @!p1 $0x1C04, s2;
	s3 =	simm.s32 @!p1 $0x1C03;
	s0 =	sor.u32 @!p1 $0x80004000, s0  }
0x34e: {  	[spmem:s5], [sflag:s2] =	dma.general @!p1 [spmem:s4], [sflag:s3], length:$0x4, [dreg:$0x0], stride_count:$0x0, ici_dest:s0, dma_misc:DstOpCode:WRITE  }
0x34f: {  	p2 =	slt.s32 s9, $0x2;
	s4 =	simm.s32 @!p1 $0x40;
	s5 =	simm.s32 @!p1 $0x42  }
0x350: {  	[spmem:s5], [sflag:s2] =	dma.general @!p1 [spmem:s4], [sflag:s3], length:$0x2, [dreg:$0x0], stride_count:$0x0, ici_dest:s0, dma_misc:DstOpCode:WRITE  }
.Ltmp28:
0x351: {  	s0 =	simm.s32 @!p1 $0x3;
	(pc) =	sbr.rel @p2 .LBB2_37-.Ltmp28, $4  }
0x352: {  	s2 =	sshll.u32 @!p1 s8, $0xE;
	_ =	swait.ge @!p1 [sflag:s0], $0x6  }
0x353: {  	s3 =	sshll.u32 @!p1 s7, $0x11;
	s2 =	sadd.s32 @!p1 $0x11C3C, s2;
	[sflag:s0] =	ssyncset.done @!p1 $0x0  }
0x354: {  	[sflag:s0] =	ssyncadd.s32 @!p1 $0xFFFFFFFA;
	s0 =	sor.u32 @!p1 s3, s2  }
0x355: {  	[sflag:s0] =	ssyncadd.remote.s32 @!p1 $0xFFFFFFFF;
	s0 =	simm.s32 $0x0  }
0x356: {  	s0 =	simm.s32 $0x3659  }
0x357: {  	v0 =	vld.msk [tilespmem:s0+$0x0], $0x1;
	_ =	sdelay $0x4  }
0x358: {  	(v2sf) =	vpush v0, $0x0;
	_ =	sdelay $0xd  }
0x359: {  	s3 =	sadd.s32 $0xFFFFFFFE, s6  }
0x35a: {  	s3 =	sadd.s32 $0xFFFFFFFF, s3;
	s0 =	spop (v2sf)  }
0x35b: {  	p2 =	sne.s32 s3, $0x0;
	p1 =	sgt.u32 s0, $0x270FF  }
.Ltmp29:
0x35c: {  	s4 =	sand.u32 @!p1 $0x3FFF8, s0;
	(pc) =	sbr.rel @!p2 .LBB2_36-.Ltmp29, $4  }
0x35d: {  	s2 =	simm.s32 $0x3688;
	s0 =	sand.u32 @!p1 $0x7, s0;
	s4 =	sadd.s32 @!p1 s1, s4  }
0x35e: {  	[hbm4b:s4+s0] =	stream.linear.scatter @!p1 [tilespmem:s2], [sflag:$0x5], $0x4, $0x38;
	[tilespmem:$0x1F0F8] =	vst v63  }
0x35f: {  	s0 =	simm.s32 $0x0  }
0x360: {  	s6 =	simm.s32 $0x0;
	s7 =	simm.s32 $0x365A;
	s0 =	simm.s32 @!p1 $0x10  }
.LBB2_35:
0x361: {  	v0 =	vld.msk [tilespmem:s7+$0x0], $0x1;
	s3 =	sadd.s32 $0xFFFFFFFF, s3;
	s6 =	sadd.s32 s6, s0  }
0x362: {  	p1 =	sne.s32 s3, $0x0;
	_ =	sdelay $0x3  }
0x363: {  	(v2sf) =	vpush v0, $0x0;
	_ =	sdelay $0xe  }
.Ltmp30:
0x364: {  	s4 =	spop (v2sf);
	(pc) =	sbr.rel @p1 .LBB2_35-.Ltmp30, $4  }
0x365: {  	s0 =	simm.s32 $0x0;
	p2 =	sgt.u32 s4, $0x270FF  }
0x366: {  	s2 =	sadd.s32 $0x10, s2;
	s0 =	simm.s32 @!p2 $0x10;
	s5 =	sand.u32 @!p2 $0x3FFF8, s4  }
0x367: {  	s7 =	sadd.s32 $0x1, s7;
	s4 =	sand.u32 @!p2 $0x7, s4;
	s5 =	sadd.s32 @!p2 s1, s5  }
0x368: {  	[hbm4b:s5+s4] =	stream.linear.scatter @!p2 [tilespmem:s2], [sflag:$0x5], $0x4, $0x38;
	[tilespmem:$0x1F0F8] =	vst v63  }
.LBB2_36:
0x369: {  	s0 =	sadd.s32 s6, s0  }
0x36a: {  	s0 =	sshrl.u32 s0, $0x2  }
.LBB2_37:
0x36b: {  	s2 =	simm.s32 $0x5  }
0x36c: {  	_ =	swait.ge [sflag:s2], s0  }
0x36d: {  	s31 =	ssub.s32 $0x0, s0;
	[sflag:s2] =	ssyncset.done $0x0  }
0x36e: {  	[sflag:s2] =	ssyncadd.s32 s31  }
0x36f: {  	[sflag:s2] =	ssyncpa.u1 $0x1  }
.LBB2_38:
0x370: {  	s0 =	sor.u32 s17, s16  }
0x371: {  	p1 =	sne.s32 s0, $0x0  }
.Ltmp31:
0x372: {  	_ = 	snop;
	(pc) =	sbr.rel @p1 .LBB2_53-.Ltmp31, $3  }
0x373: {  	_ =	sdelay $0x1  }
0x374: {  	[bflag:$0x0] =	sbarrier.arrive $0xFFFF  }
0x375: {  	_ =	sfence  }
0x376: {  	s0 =	simm.s32 $0x7  }
0x377: {  	s2 =	simm.s32 $0x200;
	s3 =	simm.s32 $0x3658;
	[sflag:s0] =	ssyncpa.u1 $0x0  }
0x378: {  	[tilespmem:s3], [sflag:$0x7] =	stream.linear.gather [spmem:s2], $0x20, $0x38;
	[tilespmem:$0x1F0F8] =	vst v63  }
0x379: {  	s30 =	simm.s32 $0x3678;
	s2 =	simm.s32 $0x0  }
0x37a: {  	[tilespmem:s30], [sflag:$0x7] =	stream.linear.gather [spmem:s2], $0x200, $0x38;
	[tilespmem:$0x1F0F8] =	vst v63  }
.Ltmp32:
0x37b: {  	_ = 	snop;
	(pc) =	sbr.rel .LBB2_40-.Ltmp32, $4  }
0x37c: {  	_ =	swait.ge [sflag:s0], $0x220  }
0x37d: {  	[sflag:s0] =	ssyncset.done $0x0  }
0x37e: {  	s31 =	simm.s32 $0x8;
	[sflag:s0] =	ssyncadd.s32 $0xFFFFFDE0  }
0x37f: {  	s3 =	simm.s32 $0x0;
	[sflag:s31] =	ssyncpa.u1 $0x0  }
.LBB2_45:
0x380: {  	p1 =	slt.u32 s4, $0x27100  }
0x381: {  	s0 =	sand.u32 @p1 $0x3FFF8, s4  }
0x382: {  	s4 =	sand.u32 @p1 $0x7, s4;
	s5 =	simm.s32 @p1 $0x3638;
	s0 =	sadd.s32 @p1 s1, s0  }
0x383: {  	[tilespmem:s5], [sflag:$0x8] =	stream.linear.gather @p1 [hbm4b:s0+s4], $0x4, $0x38;
	[tilespmem:$0x1F0F8] =	vst v63  }
0x384: {  	s0 =	simm.s32 @p1 $0x8  }
0x385: {  	_ =	swait.ge @p1 [sflag:s0], $0x4  }
0x386: {  	[sflag:s0] =	ssyncset.done @p1 $0x0  }
0x387: {  	[sflag:s0] =	ssyncadd.s32 @p1 $0xFFFFFFFC;
	s0 =	sshll.u32 @p1 s3, $0x6  }
0x388: {  	v1 =	vld @p1 [tilespmem:$0x3638];
	s4 =	sshrl.u32 @p1 s0, $0x2  }
0x389: {  	v2 =	vld @p1 [tilespmem:s4+$0x3678];
	_ =	sdelay $0x4  }
0x38a: {  	s5 =	sshll.u32 @!p1 s3, $0x6;
	v1 =	vmax.f32 @p1 v1, v2  }
0x38b: {  	s5 =	smov.u32 @p1 s0;
	[tilespmem:s4+$0x3678] =	vst @p1 v1  }
0x38c: {  	s0 =	sshrl.u32 s5, $0x2;
	[tilespmem:s2+$0x3658] =	vst.msk $0x1, v0  }
0x38d: {  	v0 =	vld [tilespmem:s0+$0x3678];
	_ =	sdelay $0x2  }
0x38e: {  	s31 =	sshll.u32 s2, $0x6  }
0x38f: {  	s0 =	sshra.s32 s31, $0x2  }
0x390: {  	s2 =	sadd.s32 $0x1, s2;
	[tilespmem:s0+$0x3678] =	vst v0  }
.LBB2_47:
0x391: {  	s3 =	sadd.s32 $0x1, s3  }
0x392: {  	p1 =	sne.s32 s3, $0x20  }
.Ltmp33:
0x393: {  	_ = 	snop;
	(pc) =	sbr.rel @!p1 .LBB2_48-.Ltmp33, $1  }
0x394: {  	_ =	sdelay $0x3  }
.LBB2_40:
0x395: {  	v0 =	vld.msk [tilespmem:s3+$0x3658], $0x1;
	_ =	sdelay $0x4  }
0x396: {  	(v2sf) =	vpush v0, $0x0;
	_ =	sdelay $0xe  }
0x397: {  	s4 =	spop (v2sf)  }
0x398: {  	p1 =	seq.s32 s4, $0xFFFFFFFF  }
.Ltmp34:
0x399: {  	_ = 	snop;
	(pc) =	sbr.rel @p1 .LBB2_47-.Ltmp34, $1  }
0x39a: {  	_ =	sdelay $0x3  }
0x39b: {  	p1 =	slt.s32 s2, $0x1  }
.Ltmp35:
0x39c: {  	_ = 	snop;
	(pc) =	sbr.rel @p1 .LBB2_45-.Ltmp35, $1  }
0x39d: {  	_ =	sdelay $0x3  }
0x39e: {  	s5 =	simm.s32 $0x3658;
	p1 =	por $0x0, $0x0  }
0x39f: {  	v1 =	vld.msk @!p1 [tilespmem:s5+$0x0], $0x1;
	_ =	sdelay $0x4  }
0x3a0: {  	(v2sf) =	vpush @!p1 v1, $0x0;
	_ =	sdelay $0xd  }
0x3a1: {  	p3 =	sne.s32 s2, $0x1  }
.Ltmp36:
0x3a2: {  	s0 =	spop @!p1 (v2sf);
	(pc) =	sbr.rel @!p3 .LBB2_44-.Ltmp36, $4  }
0x3a3: {  	p2 =	seq.s32 @!p1 s4, s0  }
0x3a4: {  	s6 =	simm.s32 $0x0;
	p2 =	por !p2, p1  }
0x3a5: {  	s0 =	simm.s32 $0xFFFFFFFF;
	s6 =	simm.s32 @p2 $0xFFFFFFFF  }
0x3a6: {  	s7 =	simm.s32 $0x1;
	s6 =	smov.u32 @p1 s0  }
.LBB2_43:
0x3a7: {  	s0 =	smov.u32 s6;
	p1 =	sne.s32 s6, $0xFFFFFFFF  }
0x3a8: {  	s5 =	sadd.s32 $0x1, s5;
	s6 =	smov.u32 s7;
	s7 =	sadd.s32 $0x1, s7  }
0x3a9: {  	p2 =	sne.s32 s2, s7;
	v1 =	vld.msk @!p1 [tilespmem:s5+$0x0], $0x1;
	_ =	sdelay $0x4  }
0x3aa: {  	(v2sf) =	vpush @!p1 v1, $0x0;
	_ =	sdelay $0xe  }
.Ltmp37:
0x3ab: {  	s8 =	spop @!p1 (v2sf);
	(pc) =	sbr.rel @p2 .LBB2_43-.Ltmp37, $4  }
0x3ac: {  	p3 =	seq.s32 @!p1 s4, s8  }
0x3ad: {  	p3 =	por !p3, p1  }
0x3ae: {  	s6 =	simm.s32 @p3 $0xFFFFFFFF  }
0x3af: {  	s6 =	smov.u32 @p1 s0  }
.LBB2_44:
0x3b0: {  	p1 =	sne.s32 s6, $0xFFFFFFFF  }
.Ltmp38:
0x3b1: {  	_ = 	snop;
	(pc) =	sbr.rel @!p1 .LBB2_45-.Ltmp38, $1  }
0x3b2: {  	_ =	sdelay $0x3  }
0x3b3: {  	s0 =	sshll.u32 s3, $0x4  }
0x3b4: {  	s4 =	sshll.u32 s6, $0x6;
	s0 =	sand.u32 $0x3FFFFFF0, s0  }
0x3b5: {  	s31 =	sshra.s32 s4, $0x2;
	v0 =	vld [tilespmem:s0+$0x3678]  }
0x3b6: {  	v1 =	vld [tilespmem:s31+$0x3678];
	_ =	sdelay $0x1  }
.Ltmp39:
0x3b7: {  	_ = 	snop;
	(pc) =	sbr.rel .LBB2_47-.Ltmp39, $3  }
0x3b8: {  	_ =	sdelay $0x1  }
0x3b9: {  	v0 =	vmax.f32 v0, v1  }
0x3ba: {  	[tilespmem:s31+$0x3678] =	vst v0  }
.LBB2_48:
0x3bb: {  	p1 =	slt.s32 s2, $0x1  }
.Ltmp40:
0x3bc: {  	_ = 	snop;
	(pc) =	sbr.rel @p1 .LBB2_52-.Ltmp40, $3  }
0x3bd: {  	_ =	sdelay $0x1  }
0x3be: {  	s0 =	simm.s32 $0x8  }
0x3bf: {  	s3 =	simm.s32 $0x0;
	[sflag:s0] =	ssyncpa.u1 $0x1  }
0x3c0: {  	s0 =	simm.s32 $0x3658  }
0x3c1: {  	v0 =	vld.msk [tilespmem:s0+$0x0], $0x1;
	_ =	sdelay $0x4  }
0x3c2: {  	(v2sf) =	vpush v0, $0x0;
	_ =	sdelay $0xe  }
0x3c3: {  	s2 =	sadd.s32 $0xFFFFFFFF, s2;
	s0 =	spop (v2sf)  }
0x3c4: {  	p2 =	sne.s32 s2, $0x0;
	p1 =	sgt.u32 s0, $0x270FF  }
.Ltmp41:
0x3c5: {  	s5 =	sand.u32 @!p1 $0x3FFF8, s0;
	(pc) =	sbr.rel @!p2 .LBB2_51-.Ltmp41, $4  }
0x3c6: {  	s4 =	simm.s32 $0x3678;
	s0 =	sand.u32 @!p1 $0x7, s0;
	s5 =	sadd.s32 @!p1 s1, s5  }
0x3c7: {  	[hbm4b:s5+s0] =	stream.linear.scatter @!p1 [tilespmem:s4], [sflag:$0x7], $0x4, $0x38;
	[tilespmem:$0x1F0F8] =	vst v63  }
0x3c8: {  	s0 =	simm.s32 $0x0  }
0x3c9: {  	s5 =	simm.s32 $0x3659;
	s0 =	simm.s32 @!p1 $0x10  }
.LBB2_50:
0x3ca: {  	v0 =	vld.msk [tilespmem:s5+$0x0], $0x1;
	s2 =	sadd.s32 $0xFFFFFFFF, s2;
	s3 =	sadd.s32 s3, s0  }
0x3cb: {  	p1 =	sne.s32 s2, $0x0;
	_ =	sdelay $0x3  }
0x3cc: {  	(v2sf) =	vpush v0, $0x0;
	_ =	sdelay $0xe  }
.Ltmp42:
0x3cd: {  	s6 =	spop (v2sf);
	(pc) =	sbr.rel @p1 .LBB2_50-.Ltmp42, $4  }
0x3ce: {  	s0 =	simm.s32 $0x0;
	p2 =	sgt.u32 s6, $0x270FF  }
0x3cf: {  	s4 =	sadd.s32 $0x10, s4;
	s0 =	simm.s32 @!p2 $0x10;
	s7 =	sand.u32 @!p2 $0x3FFF8, s6  }
0x3d0: {  	s5 =	sadd.s32 $0x1, s5;
	s6 =	sand.u32 @!p2 $0x7, s6;
	s7 =	sadd.s32 @!p2 s1, s7  }
0x3d1: {  	[hbm4b:s7+s6] =	stream.linear.scatter @!p2 [tilespmem:s4], [sflag:$0x7], $0x4, $0x38;
	[tilespmem:$0x1F0F8] =	vst v63  }
.LBB2_51:
0x3d2: {  	s0 =	sadd.s32 s3, s0  }
0x3d3: {  	s3 =	sshrl.u32 s0, $0x2  }
.LBB2_52:
0x3d4: {  	s0 =	simm.s32 $0x7  }
0x3d5: {  	_ =	swait.ge [sflag:s0], s3  }
0x3d6: {  	s1 =	ssub.s32 $0x0, s3;
	[sflag:s0] =	ssyncset.done $0x0  }
0x3d7: {  	[sflag:s0] =	ssyncadd.s32 s1  }
0x3d8: {  	[sflag:s0] =	ssyncpa.u1 $0x1  }
.LBB2_53:
0x3d9: {  	_ =	sfence;
	s0 =	simm.s32 $0x1  }
0x3da: {  	[sflag:s0] =	ssyncpa.u1 $0x1  }
0x3db: {  	_ =	strace $0x9000004A  }
0x3dc: {  	[bflag:$0x2] =	sbarrier.arrive $0xFFFF  }
0x3dd: {  	s0 =	rddreg [dreg:$0x4]  }
0x3de: {  	s0 =	sadd.s32 @!p0 $0x100000, s0  }
0x3df: {  	[sflag:s0] =	ssyncadd.tile.s32 @!p0 $0x1;
	_ =	shalt  }
.Lfunc_end2:
_tile_overlayer_lowered:
.L_overlay_start_2:
0x3e0: {  	(tag) =	ssettag $0x2  }
0x3e1: {  	s0 =	rddreg [dreg:$0x0];
	s2 =	stileid.u32  }
0x3e2: {  	s1 =	rddreg [dreg:$0x1];
	p0 =	sne.s32 s2, $0x0  }
0x3e3: {  	s3 =	rddreg [dreg:$0x2];
	[bflag:$0x3] =	sbarrier.arrive $0xFFFF;
	s2 =	simm.s32 @!p0 $0x1C01  }
0x3e4: {  	[timem:s3], [sflag:s2] =	dma.local @!p0 [hbm:s0], s1  }
0x3e5: {  	s0 =	simm.s32 @!p0 $0x1  }
0x3e6: {  	_ =	swait.ge @!p0 [sflag:s0], s1  }
0x3e7: {  	s1 =	ssub.s32 @!p0 $0x0, s1;
	[sflag:s0] =	ssyncset.done @!p0 $0x0  }
0x3e8: {  	[sflag:s0] =	ssyncadd.s32 @!p0 s1  }
0x3e9: {  	[bflag:$0x3] =	sbarrier.arrive $0xFFFF  }
0x3ea: {  	_ =	shalt  }

// kernel: sparse-core-data-format-call.1.cloned.1.call-start
scs
called_computation.3_lowered:
.L_overlay_start_0:
0x0: {  	s2 =	sld [smem:$0x3FD9]  }
0x1: {  	s3 =	sld [smem:$0x3FFE];
	_ =	sdelay $0x1  }
0x2: {  	s1 =	srdreg.scid  }
0x3: {  	s0 =	sand.u32 $0x1, s1  }
0x4: {  	s18 =	sshll.u32 s0, $0xA;
	s2 =	sadd.s32 s3, s2  }
0x5: {  	s2 =	sadd.s32 s2, s18  }
0x6: {  	[smem:$0x3FBE] =	sst s2  }
0x7: {  	_ = 	snop  }
0x8: {  	(tm) =	ssettm $0x1  }
0x9: {  	s19 =	sld [smem:$0x3FFB];
	_ =	sdelay $0x3  }
0xa: {  	_ =	strace s19  }
0xb: {  	s2 =	sld [smem:$0x3FFC];
	_ =	sdelay $0x3  }
0xc: {  	_ =	strace s2  }
0xd: {  	s2 =	sld [smem:$0x3FFD];
	_ =	sdelay $0x3  }
0xe: {  	_ =	strace s2  }
0xf: {  	_ =	strace $0x8FFFFFFF  }
0x10: {  	s20 =	sld [smem:$0x3FDB];
	_ =	sdelay $0x1  }
0x11: {  	s21 =	simm.s32 $_scs_section_size  }
0x12: {  	s4 =	simm.s32 $_size__tile_overlayer_lowered;
	s5 =	simm.s32 $_tile_overlayer_lowered  }
0x13: {  	s6 =	simm.s32 $0x1BFF;
	s22 =	sshll.u32 s5, $0x1;
	s3 =	sadd.s32 s21, s20  }
0x14: {  	s23 =	simm.s32 $0x0;
	s4 =	sshll.u32 s4, $0x1;
	s5 =	sadd.s32 s22, s3  }
0x15: {  	[timem:s23], [sflag:s6] =	dma.local [hbm:s5], s4  }
0x16: {  	_ =	swait.ge [sflag:s6], s4  }
0x17: {  	s4 =	ssub.s32 $0x0, s4;
	[sflag:s6] =	ssyncset.done $0x0  }
0x18: {  	[sflag:s6] =	ssyncadd.s32 s4;
	_ =	sdelay $0x1  }
0x19: {  	s24 =	simm.s32 $0x1B8B  }
0x1a: {  	_ =	swait.ge [sflag:s24], $0x1  }
0x1b: {  	[sflag:s24] =	ssyncset.done $0x0  }
0x1c: {  	[sflag:s24] =	ssyncadd.s32 $0xFFFFFFFF  }
0x1d: {  	s4 =	sld [smem:$0x0]  }
0x1e: {  	s5 =	sand.u32 $0xFFFFFFFE, s1  }
0x1f: {  	p0 =	sne.s32 s1, s5  }
0x20: {  	s5 =	sshll.u32 @p0 s5, $0xE  }
0x21: {  	s5 =	sadd.s32 @p0 $0x11B8D, s5;
	s6 =	sshll.u32 @p0 s4, $0x11  }
0x22: {  	s5 =	sor.u32 @p0 s6, s5  }
0x23: {  	[sflag:s5] =	ssyncadd.remote.s32 @p0 $0x1;
	_ =	sdelay $0x1  }
0x24: {  	s5 =	simm.s32 @p0 $0x1B8D  }
0x25: {  	_ =	swait.eq @p0 [sflag:s5], $0x1  }
0x26: {  	[sflag:s5] =	ssyncadd.s32 @p0 $0xFFFFFFFF  }
0x27: {  	s6 =	sshll.u32 @!p0 s1, $0xE  }
0x28: {  	s6 =	sor.u32 @!p0 $0x4000, s6;
	s5 =	simm.s32 @!p0 $0x1B8D  }
0x29: {  	s4 =	sshll.u32 @!p0 s4, $0x11;
	s6 =	sadd.s32 @!p0 $0x11B8D, s6;
	_ =	swait.eq @!p0 [sflag:s5], $0x1  }
0x2a: {  	s4 =	sor.u32 @!p0 s4, s6;
	[sflag:s5] =	ssyncadd.s32 @!p0 $0xFFFFFFFF  }
0x2b: {  	s26 =	simm.s32 $0x1B8E;
	s25 =	sld [smem:$0x3FFE];
	[sflag:s4] =	ssyncadd.remote.s32 @!p0 $0x1  }
0x2c: {  	s27 =	simm.s32 $execute0_lowered;
	[smem:$0x3FD2] =	sst s26  }
0x2d: {  	s5 =	sshll.u32 s27, $0x1;
	_ =	strace $0x8000004F;
	[dreg:$0x1] =	wrdreg $0xFFFFFFFF  }
0x2e: {  	s28 =	simm.s32 $_size_execute0_lowered;
	s3 =	sadd.s32 s3, s5;
	[dreg:$0x0] =	wrdreg $0x0  }
0x2f: {  	s5 =	sshll.u32 s28, $0x1;
	[dreg:$0x2] =	wrdreg s3  }
0x30: {  	[dreg:$0x3] =	wrdreg s5  }
0x31: {  	[dreg:$0x4] =	wrdreg $0xC0  }
0x32: {  	_ =	task [dreg:s23], $0x5FFFF  }
0x33: {  	[dreg:$0x1] =	wrdreg $0xFFFFFFFF  }
0x34: {  	[dreg:$0x0] =	wrdreg $0x60  }
0x35: {  	[dreg:$0x2] =	wrdreg s25  }
0x36: {  	[dreg:$0x3] =	wrdreg $0xA  }
0x37: {  	_ =	task.clear_ibuf [dreg:s23], $0x4FFFF;
	_ =	strace $0x9000004F  }
0x38: {  	s29 =	simm.s32 $0xA;
	_ =	strace $0x80000051  }
0x39: {  	_ =	swait.ge [sflag:s29], $0x1  }
0x3a: {  	[sflag:s29] =	ssyncadd.s32 $0xFFFFFFFF  }
0x3b: {  	_ =	strace $0x90000051  }
0x3c: {  	_ =	sfence  }
0x3d: {  	s30 =	sld [smem:$0x0];
	_ =	sdelay $0x2  }
0x3e: {  	s31 =	sshll.u32 s1, $0xD;
	s1 =	sshrl.u32 s1, $0x2  }
0x3f: {  	s4 =	sand.u32 $0x4000, s31;
	s1 =	sadd.s32 s1, s30  }
0x40: {  	s0 =	sor.u32 s4, s0;
	s1 =	sshll.u32 s1, $0x11  }
0x41: {  	s0 =	sor.u32 s1, s0  }
0x42: {  	s0 =	sadd.s32 $0x8F2B, s0  }
0x43: {  	[sflag:s0] =	ssyncadd.remote.s32 $0x1  }
0x44: {  	_ =	sfence.sel $0xFFFF  }
0x45: {  	[dreg:$0x0] =	wrdreg $0xFFFFFFFF;
	(pc) =	sbr.abs _section_cstart, $3  }
0x46: {  	[dreg:$0x1] =	wrdreg $0xFFFFFFFF  }
0x47: {  	_ =	task.clear_ibuf [dreg:s23], $0x2FFFF;
	_ =	strace $0x9FFFFFFF  }
0x48: {  	(tm) =	ssettm $0x7FFFFFFF  }
0x49: {  	_ =	shalt  }
tec
execute0_lowered:
.L_overlay_start_1:
0x0: {  	(tag) =	ssettag $0x1  }
0x1: {  	s0 =	srdreg.scid  }
0x2: {  	s1 =	sshll.u32 s0, $0x4  }
0x3: {  	s4 =	rddreg [dreg:$0x0];
	s0 =	stileid.u32;
	s1 =	sand.u32 $0x10, s1  }
0x4: {  	s7 =	simm.s32 $0x1;
	s8 =	simm.s32 $0x2;
	s2 =	sor.u32 s0, s1  }
0x5: {  	s9 =	simm.s32 $0x0;
	s12 =	simm.s32 $0x0;
	s2 =	sshll.u32 s2, $0x2  }
0x6: {  	s11 =	simm.s32 $0x0;
	s3 =	sadd.s32 $0x2994C00, s4;
	s6 =	ssub.s32 $0x9C40, s2  }
.Ltmp0:
0x7: {  	s4 =	sadd.s32 $0x160CC00, s4;
	s5 =	sand.u32 $0x7C, s6;
	(pc) =	sbr.rel .LBB1_1-.Ltmp0, $4  }
0x8: {  	s1 =	rddreg [dreg:$0x1];
	_ =	strace $0x80000050;
	p0 =	sne.s32 s5, $0x0  }
0x9: {  	s6 =	sshrl.u32 s6, $0x7;
	s5 =	simm.s32 $0x1;
	s7 =	simm.s32 @!p0 $0x0  }
0xa: {  	s10 =	smov.u32 s2;
	[sflag:s5] =	ssyncpa.u1 $0x0;
	s6 =	sadd.s32 s7, s6  }
0xb: {  	[sflag:s8] =	ssyncpa.u1 $0x0;
	s8 =	simm.s32 $0x0;
	s7 =	sadd.s32 $0x1, s6  }
.LBB1_9:
0xc: {  	s14 =	sadd.s32 $0x80, s10  }
0xd: {  	p1 =	sgt.s32 s14, $0x9C3F  }
0xe: {  	s14 =	smov.u32 @p1 s2;
	p1 =	sne.s32 s11, s7  }
.Ltmp1:
0xf: {  	p0 =	slt.u32 s11, $0x2;
	(pc) =	sbr.rel @!p1 .LBB1_10-.Ltmp1, $4  }
0x10: {  	s13 =	simm.s32 @!p0 $0x2  }
0x11: {  	s15 =	sadd.s32 $0x1, s11;
	_ =	swait.ge @!p0 [sflag:s13], $0x4000  }
0x12: {  	s12 =	smov.u32 s10;
	s9 =	sadd.s32 $0x4000, s9;
	[sflag:s13] =	ssyncset.done @!p0 $0x0  }
0x13: {  	s11 =	smov.u32 s15;
	s10 =	smov.u32 s14;
	[sflag:s13] =	ssyncadd.s32 @!p0 $0xFFFFC000  }
.LBB1_1:
0x14: {  	p0 =	sge.u32 s11, s6  }
0x15: {  	s13 =	sxor.u32 @!p0 $0xFFFFFFFF, s11  }
0x16: {  	s31 =	sadd.s32 $0xFFFFFFFF, s11;
	s14 =	sshll.u32 @!p0 s10, $0x9;
	s13 =	sshll.u32 @!p0 s13, $0xE  }
0x17: {  	s15 =	simm.s32 @!p0 $0x0;
	s14 =	sadd.s32 @!p0 s3, s14;
	s13 =	sand.u32 @!p0 $0x4000, s13  }
0x18: {  	[tilespmem:s13], [sflag:$0x1] =	stream.linear.gather @!p0 [hbm4b:s14+s15], $0x4000, $0x38;
	[tilespmem:$0x10000] =	vst v63  }
0x19: {  	p0 =	sge.u32 s31, s6  }
.Ltmp2:
0x1a: {  	_ = 	snop;
	(pc) =	sbr.rel @p0 .LBB1_9-.Ltmp2, $1  }
0x1b: {  	_ =	sdelay $0x3  }
0x1c: {  	s14 =	sand.u32 $0x4000, s9  }
0x1d: {  	_ =	swait.ge [sflag:s5], $0x4000;
	s15 =	sshll.u32 s11, $0xE;
	s16 =	simm.s32 $0x0  }
0x1e: {  	s13 =	sor.u32 $0x8040, s14;
	[sflag:s5] =	ssyncset.done $0x0;
	s15 =	sand.u32 $0x4000, s15  }
0x1f: {  	s14 =	sor.u32 $0x40, s14;
	[sflag:s5] =	ssyncadd.s32 $0xFFFFC000;
	s15 =	sor.u32 $0x8000, s15  }
.LBB1_3:
0x20: {  	s17 =	smov.u32 s14;
	s18 =	smov.u32 s13;
	s19 =	simm.s32 $0x0  }
.LBB1_4:
0x21: {  	v0 =	vmov s17;
	_ =	sdelay $0x3  }
0x22: {  	s21 =	simm.s32 $0x0  }
0x23: {  	v6 =	vld.idx.msk [tilespmem:v0+s21+$0x30 ss:$0x1], $0xffff  }
0x24: {  	v7 =	vld.idx.msk [tilespmem:v0+s21+$0xFFFFFFC0 ss:$0x1], $0xffff  }
0x25: {  	v5 =	vld.idx.msk [tilespmem:v0+s21+$0xFFFFFFD0 ss:$0x1], $0xffff  }
0x26: {  	v4 =	vld.idx.msk [tilespmem:v0+s21+$0xFFFFFFE0 ss:$0x1], $0xffff  }
0x27: {  	v3 =	vld.idx.msk [tilespmem:v0+s21+$0xFFFFFFF0 ss:$0x1], $0xffff  }
0x28: {  	v1 =	vld.idx.msk [tilespmem:v0+s21+$0x0 ss:$0x1], $0xffff  }
0x29: {  	v2 =	vld.idx.msk [tilespmem:v0+s21+$0x10 ss:$0x1], $0xffff;
	[tilespmem:s18+$0x30] =	vst v6  }
0x2a: {  	s20 =	simm.s32 $0x80;
	s22 =	simm.s32 $0x400;
	[tilespmem:s18+$0xFFFFFFC0] =	vst v7;
	v6 =	vld.idx.msk [tilespmem:v0+s21+$0x20 ss:$0x1], $0xffff;
	s21 =	smov.u32 s18  }
.LBB1_5:
0x2b: {  	p0 =	sne.s32 s22, $0x600;
	v7 =	vld.idx.msk [tilespmem:v0+s20+$0x30 ss:$0x1], $0xffff;
	[tilespmem:s21+$0xFFFFFFD0] =	vst v5  }
0x2c: {  	v8 =	vld.idx.msk [tilespmem:v0+s20+$0xFFFFFFC0 ss:$0x1], $0xffff;
	[tilespmem:s21+$0xFFFFFFE0] =	vst v4  }
0x2d: {  	v5 =	vld.idx.msk [tilespmem:v0+s20+$0xFFFFFFD0 ss:$0x1], $0xffff;
	[tilespmem:s21+$0xFFFFFFF0] =	vst v3  }
.Ltmp3:
0x2e: {  	v4 =	vld.idx.msk [tilespmem:v0+s20+$0xFFFFFFE0 ss:$0x1], $0xffff;
	[tilespmem:s21+$0x0] =	vst v1;
	(pc) =	sbr.rel @p0 .LBB1_5-.Ltmp3, $4  }
0x2f: {  	v3 =	vld.idx.msk [tilespmem:v0+s20+$0xFFFFFFF0 ss:$0x1], $0xffff;
	[tilespmem:s21+$0x10] =	vst v2  }
0x30: {  	v1 =	vld.idx.msk [tilespmem:v0+s20+$0x0 ss:$0x1], $0xffff;
	[tilespmem:s21+$0x20] =	vst v6;
	s21 =	sadd.s32 $0x400, s21  }
0x31: {  	v2 =	vld.idx.msk [tilespmem:v0+s20+$0x10 ss:$0x1], $0xffff;
	[tilespmem:s21+$0x30] =	vst v7  }
0x32: {  	[tilespmem:s21+$0xFFFFFFC0] =	vst v8;
	v6 =	vld.idx.msk [tilespmem:v0+s20+$0x20 ss:$0x1], $0xffff;
	s20 =	sshra.s32 s22, $0x2;
	s22 =	sadd.s32 $0x200, s22  }
0x33: {  	_ =	sdelay $0x2  }
0x34: {  	[tilespmem:s21+$0xFFFFFFD0] =	vst v5  }
0x35: {  	v56 =	vld.idx.msk [tilespmem:v0+s20+$0x30 ss:$0x1], $0xffff;
	[tilespmem:s21+$0xFFFFFFE0] =	vst v4  }
0x36: {  	v57 =	vld.idx.msk [tilespmem:v0+s20+$0xFFFFFFC0 ss:$0x1], $0xffff;
	[tilespmem:s21+$0xFFFFFFF0] =	vst v3  }
0x37: {  	v58 =	vld.idx.msk [tilespmem:v0+s20+$0xFFFFFFD0 ss:$0x1], $0xffff;
	[tilespmem:s21+$0x0] =	vst v1  }
0x38: {  	v59 =	vld.idx.msk [tilespmem:v0+s20+$0xFFFFFFE0 ss:$0x1], $0xffff;
	[tilespmem:s21+$0x10] =	vst v2  }
0x39: {  	v60 =	vld.idx.msk [tilespmem:v0+s20+$0xFFFFFFF0 ss:$0x1], $0xffff;
	s31 =	sadd.s32 $0x400, s21;
	[tilespmem:s21+$0x20] =	vst v6  }
0x3a: {  	v61 =	vld.idx.msk [tilespmem:v0+s20+$0x0 ss:$0x1], $0xffff;
	[tilespmem:s31+$0x30] =	vst v56  }
0x3b: {  	v62 =	vld.idx.msk [tilespmem:v0+s20+$0x10 ss:$0x1], $0xffff;
	s19 =	sadd.s32 $0x1, s19;
	[tilespmem:s31+$0xFFFFFFC0] =	vst v57  }
0x3c: {  	v63 =	vld.idx.msk [tilespmem:v0+s20+$0x20 ss:$0x1], $0xffff;
	p0 =	sne.s32 s19, $0x8;
	[tilespmem:s31+$0xFFFFFFD0] =	vst v58  }
.Ltmp4:
0x3d: {  	[tilespmem:s31+$0xFFFFFFE0] =	vst v59;
	(pc) =	sbr.rel @p0 .LBB1_4-.Ltmp4, $4  }
0x3e: {  	[tilespmem:s31+$0xFFFFFFF0] =	vst v60  }
0x3f: {  	[tilespmem:s31+$0x0] =	vst v61  }
0x40: {  	[tilespmem:s31+$0x10] =	vst v62  }
0x41: {  	s18 =	sadd.s32 $0x80, s18;
	s17 =	sadd.s32 $0x200, s17;
	[tilespmem:s31+$0x20] =	vst v63  }
0x42: {  	s16 =	sadd.s32 $0x1, s16  }
0x43: {  	p0 =	sne.s32 s16, $0x4  }
.Ltmp5:
0x44: {  	_ = 	snop;
	(pc) =	sbr.rel @p0 .LBB1_3-.Ltmp5, $2  }
0x45: {  	_ =	sdelay $0x2  }
0x46: {  	s13 =	sadd.s32 $0x1000, s13;
	s14 =	sadd.s32 $0x1000, s14  }
.Ltmp6:
0x47: {  	(pc) =	sbr.rel .LBB1_9-.Ltmp6, $4  }
0x48: {  	_ = 	snop  }
0x49: {  	s12 =	sshll.u32 s12, $0x9  }
0x4a: {  	s12 =	sadd.s32 s4, s12  }
0x4b: {  	[hbm4b:s12+s8] =	stream.linear.scatter [tilespmem:s15], [sflag:$0x2], $0x4000, $0x38;
	[tilespmem:$0x10000] =	vst v63  }
.LBB1_10:
0x4c: {  	_ =	sfence.sel $0x180000  }
0x4d: {  	s2 =	simm.s32 $0x1;
	[bflag:$0x0] =	sbarrier.arrive $0xFFFF  }
0x4e: {  	s31 =	simm.s32 $0x2;
	[sflag:s2] =	ssyncpa.u1 $0x1  }
0x4f: {  	[sflag:s31] =	ssyncpa.u1 $0x1  }
0x50: {  	p0 =	sne.s32 s0, $0x0;
	_ =	strace $0x90000050  }
0x51: {  	s0 =	sadd.s32 @!p0 $0x100000, s1;
	[bflag:$0x2] =	sbarrier.arrive $0xFFFF  }
0x52: {  	[sflag:s0] =	ssyncadd.tile.s32 @!p0 $0x1;
	_ =	shalt  }
.Lfunc_end1:
_tile_overlayer_lowered:
.L_overlay_start_2:
0x53: {  	(tag) =	ssettag $0x2  }
0x54: {  	s0 =	rddreg [dreg:$0x0];
	s2 =	stileid.u32  }
0x55: {  	s1 =	rddreg [dreg:$0x1];
	p0 =	sne.s32 s2, $0x0  }
0x56: {  	s3 =	rddreg [dreg:$0x2];
	[bflag:$0x3] =	sbarrier.arrive $0xFFFF;
	s2 =	simm.s32 @!p0 $0x1C01  }
0x57: {  	[timem:s3], [sflag:s2] =	dma.local @!p0 [hbm:s0], s1  }
0x58: {  	s0 =	simm.s32 @!p0 $0x1  }
0x59: {  	_ =	swait.ge @!p0 [sflag:s0], s1  }
0x5a: {  	s1 =	ssub.s32 @!p0 $0x0, s1;
	[sflag:s0] =	ssyncset.done @!p0 $0x0  }
0x5b: {  	[sflag:s0] =	ssyncadd.s32 @!p0 s1  }
0x5c: {  	[bflag:$0x3] =	sbarrier.arrive $0xFFFF  }
0x5d: {  	_ =	shalt  }

// kernel: sparse-core-data-format-call.cloned.1.call-start
scs
called_computation.2_lowered:
.L_overlay_start_0:
0x0: {  	s1 =	sld [smem:$0x3FD9]  }
0x1: {  	s2 =	sld [smem:$0x3FFE];
	_ =	sdelay $0x1  }
0x2: {  	s3 =	srdreg.scid  }
0x3: {  	s0 =	sand.u32 $0x1, s3  }
0x4: {  	s17 =	sshll.u32 s0, $0xA;
	s1 =	sadd.s32 s2, s1  }
0x5: {  	s1 =	sadd.s32 s1, s17  }
0x6: {  	[smem:$0x3FBE] =	sst s1  }
0x7: {  	_ = 	snop  }
0x8: {  	(tm) =	ssettm $0x1  }
0x9: {  	s18 =	sld [smem:$0x3FFB];
	_ =	sdelay $0x3  }
0xa: {  	_ =	strace s18  }
0xb: {  	s1 =	sld [smem:$0x3FFC];
	_ =	sdelay $0x3  }
0xc: {  	_ =	strace s1  }
0xd: {  	s1 =	sld [smem:$0x3FFD];
	_ =	sdelay $0x3  }
0xe: {  	_ =	strace s1  }
0xf: {  	_ =	strace $0x8FFFFFFF  }
0x10: {  	s19 =	sld [smem:$0x3FDB];
	_ =	sdelay $0x1  }
0x11: {  	s20 =	simm.s32 $_scs_section_size  }
0x12: {  	s4 =	simm.s32 $_size__tile_overlayer_lowered;
	s5 =	simm.s32 $_tile_overlayer_lowered  }
0x13: {  	s23 =	simm.s32 $0x1BFF;
	s22 =	sshll.u32 s5, $0x1;
	s1 =	sadd.s32 s20, s19  }
0x14: {  	s6 =	simm.s32 $0x0;
	s21 =	sshll.u32 s4, $0x1;
	s4 =	sadd.s32 s22, s1  }
0x15: {  	[timem:s6], [sflag:s23] =	dma.local [hbm:s4], s21  }
0x16: {  	_ =	swait.ge [sflag:s23], s21  }
0x17: {  	s2 =	ssub.s32 $0x0, s21;
	[sflag:s23] =	ssyncset.done $0x0  }
0x18: {  	[sflag:s23] =	ssyncadd.s32 s2;
	_ =	sdelay $0x1  }
0x19: {  	s24 =	simm.s32 $0x1B8B  }
0x1a: {  	_ =	swait.ge [sflag:s24], $0x1  }
0x1b: {  	[sflag:s24] =	ssyncset.done $0x0  }
0x1c: {  	s26 =	simm.s32 $0x1B8E;
	s25 =	sld [smem:$0x3FFE];
	[sflag:s24] =	ssyncadd.s32 $0xFFFFFFFF  }
0x1d: {  	s27 =	simm.s32 $execute0_lowered;
	[smem:$0x3FD2] =	sst s26  }
0x1e: {  	s4 =	sshll.u32 s27, $0x1;
	_ =	strace $0x80000046;
	[dreg:$0x1] =	wrdreg $0xFFFFFFFF  }
0x1f: {  	s28 =	simm.s32 $_size_execute0_lowered;
	s1 =	sadd.s32 s1, s4;
	[dreg:$0x0] =	wrdreg $0x0  }
0x20: {  	s4 =	sshll.u32 s28, $0x1;
	[dreg:$0x2] =	wrdreg s1  }
0x21: {  	[dreg:$0x3] =	wrdreg s4  }
0x22: {  	[dreg:$0x4] =	wrdreg $0xC0  }
0x23: {  	_ =	task [dreg:s6], $0x5FFFF  }
0x24: {  	[dreg:$0x1] =	wrdreg $0xFFFFFFFF  }
0x25: {  	[dreg:$0x0] =	wrdreg $0x60  }
0x26: {  	[dreg:$0x2] =	wrdreg s25  }
0x27: {  	[dreg:$0x3] =	wrdreg $0x9  }
0x28: {  	_ =	task.clear_ibuf [dreg:s6], $0x4FFFF;
	_ =	strace $0x90000046  }
0x29: {  	s29 =	simm.s32 $0x9;
	_ =	strace $0x80000048  }
0x2a: {  	_ =	swait.ge [sflag:s29], $0x1  }
0x2b: {  	[sflag:s29] =	ssyncadd.s32 $0xFFFFFFFF  }
0x2c: {  	_ =	strace $0x90000048  }
0x2d: {  	_ =	sfence  }
0x2e: {  	s30 =	sld [smem:$0x0];
	_ =	sdelay $0x2  }
0x2f: {  	s31 =	sshll.u32 s3, $0xD;
	s3 =	sshrl.u32 s3, $0x2  }
0x30: {  	s2 =	sand.u32 $0x4000, s31;
	s1 =	sadd.s32 s3, s30  }
0x31: {  	s0 =	sor.u32 s2, s0;
	s1 =	sshll.u32 s1, $0x11  }
0x32: {  	s0 =	sor.u32 s1, s0  }
0x33: {  	s0 =	sadd.s32 $0x8F2B, s0  }
0x34: {  	[sflag:s0] =	ssyncadd.remote.s32 $0x1  }
0x35: {  	_ =	sfence.sel $0xFFFF  }
0x36: {  	[dreg:$0x0] =	wrdreg $0xFFFFFFFF;
	(pc) =	sbr.abs _section_cstart, $3  }
0x37: {  	[dreg:$0x1] =	wrdreg $0xFFFFFFFF  }
0x38: {  	_ =	task.clear_ibuf [dreg:s6], $0x2FFFF;
	_ =	strace $0x9FFFFFFF  }
0x39: {  	(tm) =	ssettm $0x7FFFFFFF  }
tec
execute0_lowered:
.L_overlay_start_1:
0x0: {  	(tag) =	ssettag $0x1  }
0x1: {  	s0 =	srdreg.scid;
	s2 =	rddreg [dreg:$0x0]  }
0x2: {  	s4 =	simm.s32 $0x1;
	s7 =	simm.s32 $0x2;
	s1 =	sshll.u32 s0, $0x4  }
0x3: {  	s13 =	simm.s32 $0x0;
	s0 =	stileid.u32;
	s1 =	sand.u32 $0x10, s1  }
0x4: {  	s14 =	simm.s32 $0x0;
	s15 =	simm.s32 $0x0;
	s1 =	sor.u32 s0, s1  }
0x5: {  	s10 =	simm.s32 $0x0;
	s11 =	simm.s32 $0x0;
	s3 =	sshll.u32 s1, $0x8  }
0x6: {  	s12 =	simm.s32 $0x0;
	s1 =	rddreg [dreg:$0x1];
	s5 =	ssub.s32 $0x4E200, s3  }
.Ltmp0:
0x7: {  	_ =	strace $0x80000047;
	s6 =	sand.u32 $0x1F00, s5;
	(pc) =	sbr.rel .LBB1_1-.Ltmp0, $4  }
0x8: {  	[sflag:s4] =	ssyncpa.u1 $0x0;
	p0 =	sne.s32 s6, $0x0;
	s6 =	simm.s32 $0x1  }
0x9: {  	s9 =	smov.u32 s3;
	s8 =	sshrl.u32 s5, $0xD;
	s6 =	simm.s32 @!p0 $0x0  }
0xa: {  	s5 =	sadd.s32 $0x271000, s2;
	[sflag:s7] =	ssyncpa.u1 $0x0;
	s6 =	sadd.s32 s6, s8  }
0xb: {  	p0 =	por $0x0, $0x0;
	s8 =	simm.s32 $0x80;
	s7 =	sadd.s32 $0x1, s6  }
.LBB1_7:
0xc: {  	s16 =	sadd.s32 $0x2000, s9  }
0xd: {  	s13 =	sadd.s32 $0x10, s10;
	s17 =	smov.u32 s10;
	p2 =	sgt.s32 s16, $0x4E1FF  }
0xe: {  	s17 =	smov.u32 @p2 s13  }
0xf: {  	s19 =	smov.u32 s11;
	s13 =	sadd.s32 $0x4, s11;
	p3 =	sgt.s32 s17, $0xF  }
0x10: {  	s19 =	smov.u32 @p3 s13  }
0x11: {  	s16 =	smov.u32 @p2 s3;
	p2 =	sgt.s32 s19, $0x3  }
0x12: {  	p1 =	slt.u32 s12, $0x2;
	s19 =	simm.s32 @p2 $0x0;
	p2 =	sne.s32 s12, s7  }
.Ltmp1:
0x13: {  	s18 =	simm.s32 @!p1 $0x2;
	(pc) =	sbr.rel @!p2 .LBB1_8-.Ltmp1, $4  }
0x14: {  	s14 =	smov.u32 s10;
	s15 =	smov.u32 s11;
	_ =	swait.ge @!p1 [sflag:s18], $0x4000  }
0x15: {  	p0 =	por !p0, !p0;
	[sflag:s18] =	ssyncset.done @!p1 $0x0;
	s17 =	simm.s32 @p3 $0x0  }
0x16: {  	s13 =	smov.u32 s9;
	[sflag:s18] =	ssyncadd.s32 @!p1 $0xFFFFC000;
	s9 =	smov.u32 s16  }
0x17: {  	s10 =	smov.u32 s17;
	s12 =	sadd.s32 $0x1, s12;
	s11 =	smov.u32 s19  }
.LBB1_1:
0x18: {  	p1 =	sge.u32 s12, s6  }
0x19: {  	s16 =	sshrl.u32 @!p1 s10, $0x3  }
0x1a: {  	s17 =	sshll.u32 @!p1 s9, $0x3;
	s16 =	smul.u32 @!p1 $0x271000, s16  }
0x1b: {  	s18 =	sshll.u32 @!p1 s10, $0x7;
	s17 =	sand.u32 @!p1 $0xFFFFFC00, s17  }
0x1c: {  	s16 =	sadd.s32 @!p1 s16, s17;
	s17 =	sand.u32 @!p1 $0x380, s18  }
0x1d: {  	s18 =	sand.u32 @!p1 $0x7F, s9;
	s16 =	sor.u32 @!p1 s17, s16  }
0x1e: {  	s17 =	sor.u32 @!p1 s18, s16  }
0x1f: {  	s18 =	smulhi.u32 @!p1 $0xD1B71759, s17  }
0x20: {  	s16 =	smulhi.u32 @!p1 $0xD1B71759, s16  }
0x21: {  	s18 =	sshrl.u32 @!p1 s18, $0x12  }
0x22: {  	s31 =	sadd.s32 $0xFFFFFFFF, s12;
	s16 =	sshrl.u32 @!p1 s16, $0x12;
	s18 =	smul.u32 @!p1 $0x4E200, s18  }
0x23: {  	s19 =	sxor.u32 @!p1 $0xFFFFFFFF, s12;
	s20 =	smul.u32 @!p1 $0x9C400, s11;
	s16 =	sand.u32 @!p1 $0xF, s16  }
0x24: {  	s19 =	sshll.u32 @!p1 s19, $0xE;
	s16 =	smul.u32 @!p1 $0x9C40, s16;
	s17 =	ssub.s32 @!p1 s17, s18  }
0x25: {  	s18 =	sand.u32 @!p1 $0x4000, s19;
	s19 =	sadd.s32 @!p1 s2, s20;
	s20 =	sand.u32 @!p1 $0x7, s17  }
0x26: {  	s17 =	sshrl.u32 @!p1 s17, $0x3;
	s16 =	sadd.s32 @!p1 s16, s19;
	s19 =	sshll.u32 @!p1 s20, $0x12  }
0x27: {  	s16 =	sadd.s32 @!p1 s17, s16;
	s17 =	sor.u32 @!p1 $0x800, s19;
	s19 =	simm.s32 @!p1 $0x271000  }
0x28: {  	[tilespmem:s18], [sflag:$0x1] =	stream.strided.gather @!p1 [hbm4b:s16+s17], $0x4000, s19, s17, $0x38;
	[tilespmem:$0x10800] =	vst v63  }
0x29: {  	p1 =	sge.u32 s31, s6  }
.Ltmp2:
0x2a: {  	_ = 	snop;
	(pc) =	sbr.rel @p1 .LBB1_7-.Ltmp2, $1  }
0x2b: {  	_ =	sdelay $0x3  }
0x2c: {  	s16 =	simm.s32 $0x1;
	s18 =	sand.u32 $0x1, s12  }
0x2d: {  	s16 =	simm.s32 @!p0 $0x0;
	s19 =	smul.u32 $0x11000, s18  }
0x2e: {  	_ =	swait.ge [sflag:s4], $0x4000;
	s16 =	smul.u32 $0x11000, s16  }
0x2f: {  	s20 =	simm.s32 $0x0;
	[sflag:s4] =	ssyncset.done $0x0;
	s18 =	sshll.u32 s18, $0xE  }
0x30: {  	[sflag:s4] =	ssyncadd.s32 $0xFFFFC000;
	s31 =	sshrl.u32 s19, $0x2;
	s16 =	sshrl.u32 s16, $0x2  }
0x31: {  	s19 =	simm.s32 $0x0;
	s17 =	sor.u32 $0x8000, s16;
	s16 =	sor.u32 $0x8000, s31  }
.LBB1_3:
0x32: {  	s21 =	sshll.u32 s20, $0xC  }
0x33: {  	s30 =	sand.u32 $0x800, s19;
	s31 =	sand.u32 $0x380, s19;
	s22 =	sadd.s32 s21, s18;
	v1 =	vmov s21  }
0x34: {  	v0 =	vmov s22;
	s22 =	sor.u32 s31, s30  }
0x35: {  	s21 =	sand.u32 $0xB00, s22  }
0x36: {  	s23 =	sand.u32 $0x80, s19;
	s21 =	sadd.s32 s21, s18  }
0x37: {  	s23 =	sadd.s32 s23, s21  }
0x38: {  	v5 =	vld.idx.msk [tilespmem:v1+s23+$0x400 ss:$0x1], $0xffff  }
0x39: {  	v6 =	vld.idx.msk [tilespmem:v1+s23+$0x0 ss:$0x1], $0xffff  }
0x3a: {  	v7 =	vld.idx.msk [tilespmem:v1+s23+$0x10 ss:$0x1], $0xffff  }
0x3b: {  	v11 =	vld.idx.msk [tilespmem:v1+s23+$0x20 ss:$0x1], $0xffff  }
0x3c: {  	v12 =	vld.idx.msk [tilespmem:v1+s23+$0x30 ss:$0x1], $0xffff  }
0x3d: {  	v13 =	vld.idx.msk [tilespmem:v1+s23+$0x40 ss:$0x1], $0xffff  }
0x3e: {  	v10 =	vld.idx.msk [tilespmem:v1+s23+$0x50 ss:$0x1], $0xffff  }
0x3f: {  	v9 =	vld.idx.msk [tilespmem:v1+s23+$0x60 ss:$0x1], $0xffff  }
0x40: {  	s21 =	sadd.s32 $0x0, s17;
	v8 =	vld.idx.msk [tilespmem:v1+s23+$0x70 ss:$0x1], $0xffff  }
0x41: {  	v2 =	vld.idx.msk [tilespmem:v0+s22+$0x410 ss:$0x1], $0xffff;
	[tilespmem:s21+$0x2200 ss:$0x44] =	vst.msk $0xffff, v5  }
0x42: {  	v3 =	vld.idx.msk [tilespmem:v0+s22+$0x420 ss:$0x1], $0xffff;
	[tilespmem:s21+$0x0 ss:$0x44] =	vst.msk $0xffff, v6  }
0x43: {  	v4 =	vld.idx.msk [tilespmem:v0+s22+$0x430 ss:$0x1], $0xffff;
	[tilespmem:s21+$0x440 ss:$0x44] =	vst.msk $0xffff, v7  }
0x44: {  	[tilespmem:s21+$0x880 ss:$0x44] =	vst.msk $0xffff, v11;
	v5 =	vld.idx.msk [tilespmem:v0+s22+$0x440 ss:$0x1], $0xffff  }
0x45: {  	s24 =	simm.s32 $0x80;
	s25 =	simm.s32 $0x100;
	s26 =	simm.s32 $0x8;
	[tilespmem:s21+$0xCC0 ss:$0x44] =	vst.msk $0xffff, v12;
	v6 =	vld.idx.msk [tilespmem:v0+s22+$0x450 ss:$0x1], $0xffff  }
0x46: {  	s27 =	sand.u32 $0x800, s25;
	s28 =	sand.u32 $0x380, s24;
	s23 =	simm.s32 $0x4;
	[tilespmem:s21+$0x1100 ss:$0x44] =	vst.msk $0xffff, v13;
	v7 =	vld.idx.msk [tilespmem:v0+s22+$0x460 ss:$0x1], $0xffff  }
.LBB1_4:
0x47: {  	p1 =	sne.s32 s26, $0x3C;
	[tilespmem:s21+$0x1540 ss:$0x44] =	vst.msk $0xffff, v10;
	v10 =	vld.idx.msk [tilespmem:v0+s22+$0x470 ss:$0x1], $0xffff;
	s22 =	sor.u32 s28, s27  }
0x48: {  	s27 =	sand.u32 $0xB00, s22;
	v11 =	vld.idx.msk [tilespmem:v0+s22+$0x410 ss:$0x1], $0xffff;
	[tilespmem:s21+$0x1980 ss:$0x44] =	vst.msk $0xffff, v9  }
0x49: {  	s28 =	sand.u32 $0x80, s24;
	s27 =	sadd.s32 s27, s18;
	v9 =	vld.idx.msk [tilespmem:v0+s22+$0x420 ss:$0x1], $0xffff;
	[tilespmem:s21+$0x1DC0 ss:$0x44] =	vst.msk $0xffff, v8  }
0x4a: {  	s27 =	sadd.s32 s28, s27;
	v8 =	vld.idx.msk [tilespmem:v0+s22+$0x430 ss:$0x1], $0xffff;
	[tilespmem:s21+$0x2640 ss:$0x44] =	vst.msk $0xffff, v2  }
0x4b: {  	v12 =	vld.idx.msk [tilespmem:v1+s27+$0x400 ss:$0x1], $0xffff;
	[tilespmem:s21+$0x2A80 ss:$0x44] =	vst.msk $0xffff, v3  }
0x4c: {  	v13 =	vld.idx.msk [tilespmem:v1+s27+$0x0 ss:$0x1], $0xffff;
	[tilespmem:s21+$0x2EC0 ss:$0x44] =	vst.msk $0xffff, v4  }
0x4d: {  	v14 =	vld.idx.msk [tilespmem:v1+s27+$0x10 ss:$0x1], $0xffff;
	[tilespmem:s21+$0x3300 ss:$0x44] =	vst.msk $0xffff, v5  }
0x4e: {  	v2 =	vmov v11;
	v5 =	vld.idx.msk [tilespmem:v1+s27+$0x20 ss:$0x1], $0xffff;
	[tilespmem:s21+$0x3740 ss:$0x44] =	vst.msk $0xffff, v6  }
0x4f: {  	s28 =	sshra.s32 s23, $0x2;
	s23 =	smov.u32 s26;
	v3 =	vmov v9;
	v6 =	vld.idx.msk [tilespmem:v1+s27+$0x30 ss:$0x1], $0xffff;
	[tilespmem:s21+$0x3B80 ss:$0x44] =	vst.msk $0xffff, v7  }
0x50: {  	v4 =	vmov v8;
	v7 =	vld.idx.msk [tilespmem:v1+s27+$0x40 ss:$0x1], $0xffff;
	[tilespmem:s21+$0x3FC0 ss:$0x44] =	vst.msk $0xffff, v10;
	s21 =	sadd.s32 s28, s17  }
0x51: {  	v10 =	vld.idx.msk [tilespmem:v1+s27+$0x50 ss:$0x1], $0xffff;
	[tilespmem:s21+$0x2200 ss:$0x44] =	vst.msk $0xffff, v12  }
.Ltmp3:
0x52: {  	[tilespmem:s21+$0x0 ss:$0x44] =	vst.msk $0xffff, v13;
	v9 =	vld.idx.msk [tilespmem:v1+s27+$0x60 ss:$0x1], $0xffff;
	(pc) =	sbr.rel @p1 .LBB1_4-.Ltmp3, $4  }
0x53: {  	[tilespmem:s21+$0x440 ss:$0x44] =	vst.msk $0xffff, v14;
	v8 =	vld.idx.msk [tilespmem:v1+s27+$0x70 ss:$0x1], $0xffff  }
0x54: {  	[tilespmem:s21+$0x880 ss:$0x44] =	vst.msk $0xffff, v5;
	v5 =	vld.idx.msk [tilespmem:v0+s22+$0x440 ss:$0x1], $0xffff  }
0x55: {  	s24 =	sadd.s32 $0x80, s24;
	s25 =	sadd.s32 $0x100, s25;
	[tilespmem:s21+$0xCC0 ss:$0x44] =	vst.msk $0xffff, v6;
	v6 =	vld.idx.msk [tilespmem:v0+s22+$0x450 ss:$0x1], $0xffff  }
0x56: {  	s26 =	sadd.s32 $0x4, s26;
	s28 =	sand.u32 $0x380, s24;
	s27 =	sand.u32 $0x800, s25;
	[tilespmem:s21+$0x1100 ss:$0x44] =	vst.msk $0xffff, v7;
	v7 =	vld.idx.msk [tilespmem:v0+s22+$0x460 ss:$0x1], $0xffff  }
0x57: {  	[tilespmem:s21+$0x1540 ss:$0x44] =	vst.msk $0xffff, v10  }
0x58: {  	[tilespmem:s21+$0x1980 ss:$0x44] =	vst.msk $0xffff, v9  }
0x59: {  	[tilespmem:s21+$0x2640 ss:$0x44] =	vst.msk $0xffff, v2  }
0x5a: {  	[tilespmem:s21+$0x2A80 ss:$0x44] =	vst.msk $0xffff, v3  }
0x5b: {  	s25 =	sor.u32 s28, s27;
	v47 =	vld.idx.msk [tilespmem:v0+s22+$0x470 ss:$0x1], $0xffff;
	[tilespmem:s21+$0x2EC0 ss:$0x44] =	vst.msk $0xffff, v4  }
0x5c: {  	[tilespmem:s21+$0x1DC0 ss:$0x44] =	vst.msk $0xffff, v8;
	v57 =	vld.idx.msk [tilespmem:v0+s25+$0x410 ss:$0x1], $0xffff  }
0x5d: {  	v58 =	vld.idx.msk [tilespmem:v0+s25+$0x420 ss:$0x1], $0xffff;
	[tilespmem:s21+$0x3300 ss:$0x44] =	vst.msk $0xffff, v5  }
0x5e: {  	v59 =	vld.idx.msk [tilespmem:v0+s25+$0x430 ss:$0x1], $0xffff;
	[tilespmem:s21+$0x3740 ss:$0x44] =	vst.msk $0xffff, v6  }
0x5f: {  	s23 =	sshra.s32 s23, $0x2;
	v60 =	vld.idx.msk [tilespmem:v0+s25+$0x440 ss:$0x1], $0xffff;
	[tilespmem:s21+$0x3B80 ss:$0x44] =	vst.msk $0xffff, v7  }
0x60: {  	s26 =	sand.u32 $0xB00, s25;
	s23 =	sadd.s32 s23, s17;
	v61 =	vld.idx.msk [tilespmem:v0+s25+$0x450 ss:$0x1], $0xffff;
	[tilespmem:s21+$0x3FC0 ss:$0x44] =	vst.msk $0xffff, v47  }
0x61: {  	s24 =	sand.u32 $0x80, s24;
	v62 =	vld.idx.msk [tilespmem:v0+s25+$0x460 ss:$0x1], $0xffff;
	s26 =	sadd.s32 s26, s18;
	[tilespmem:s23+$0x2640 ss:$0x44] =	vst.msk $0xffff, v57  }
0x62: {  	v63 =	vld.idx.msk [tilespmem:v0+s25+$0x470 ss:$0x1], $0xffff;
	s31 =	sadd.s32 s24, s26;
	[tilespmem:s23+$0x2A80 ss:$0x44] =	vst.msk $0xffff, v58  }
0x63: {  	v48 =	vld.idx.msk [tilespmem:v1+s31+$0x400 ss:$0x1], $0xffff;
	[tilespmem:s23+$0x2EC0 ss:$0x44] =	vst.msk $0xffff, v59  }
0x64: {  	v49 =	vld.idx.msk [tilespmem:v1+s31+$0x0 ss:$0x1], $0xffff;
	[tilespmem:s23+$0x3300 ss:$0x44] =	vst.msk $0xffff, v60  }
0x65: {  	v50 =	vld.idx.msk [tilespmem:v1+s31+$0x10 ss:$0x1], $0xffff;
	[tilespmem:s23+$0x3740 ss:$0x44] =	vst.msk $0xffff, v61  }
0x66: {  	v51 =	vld.idx.msk [tilespmem:v1+s31+$0x20 ss:$0x1], $0xffff;
	[tilespmem:s23+$0x3B80 ss:$0x44] =	vst.msk $0xffff, v62  }
0x67: {  	v52 =	vld.idx.msk [tilespmem:v1+s31+$0x30 ss:$0x1], $0xffff;
	[tilespmem:s23+$0x3FC0 ss:$0x44] =	vst.msk $0xffff, v63  }
0x68: {  	v53 =	vld.idx.msk [tilespmem:v1+s31+$0x40 ss:$0x1], $0xffff;
	[tilespmem:s23+$0x2200 ss:$0x44] =	vst.msk $0xffff, v48  }
0x69: {  	v54 =	vld.idx.msk [tilespmem:v1+s31+$0x50 ss:$0x1], $0xffff;
	[tilespmem:s23+$0x0 ss:$0x44] =	vst.msk $0xffff, v49  }
0x6a: {  	s20 =	sadd.s32 $0x1, s20;
	v55 =	vld.idx.msk [tilespmem:v1+s31+$0x60 ss:$0x1], $0xffff;
	[tilespmem:s23+$0x440 ss:$0x44] =	vst.msk $0xffff, v50  }
0x6b: {  	p1 =	sne.s32 s20, $0x4;
	v56 =	vld.idx.msk [tilespmem:v1+s31+$0x70 ss:$0x1], $0xffff;
	[tilespmem:s23+$0x880 ss:$0x44] =	vst.msk $0xffff, v51  }
.Ltmp4:
0x6c: {  	[tilespmem:s23+$0xCC0 ss:$0x44] =	vst.msk $0xffff, v52;
	(pc) =	sbr.rel @p1 .LBB1_3-.Ltmp4, $4  }
0x6d: {  	[tilespmem:s23+$0x1100 ss:$0x44] =	vst.msk $0xffff, v53  }
0x6e: {  	[tilespmem:s23+$0x1540 ss:$0x44] =	vst.msk $0xffff, v54  }
0x6f: {  	[tilespmem:s23+$0x1980 ss:$0x44] =	vst.msk $0xffff, v55  }
0x70: {  	s17 =	sadd.s32 $0x11, s17;
	[tilespmem:s23+$0x1DC0 ss:$0x44] =	vst.msk $0xffff, v56  }
0x71: {  	s15 =	sshll.u32 s15, $0x4  }
.Ltmp5:
0x72: {  	s13 =	sshll.u32 s13, $0x6;
	s15 =	sand.u32 $0x30, s15;
	(pc) =	sbr.rel .LBB1_7-.Ltmp5, $4  }
0x73: {  	s17 =	sshrl.u32 s14, $0x3;
	s31 =	sand.u32 $0x7, s14;
	s15 =	sadd.s32 s5, s15  }
0x74: {  	s17 =	sand.u32 $0xF, s17;
	s14 =	sshll.u32 s31, $0x12;
	s13 =	sadd.s32 s13, s15  }
0x75: {  	s14 =	sor.u32 $0x10, s14;
	s13 =	sadd.s32 s17, s13  }
0x76: {  	[hbm4b:s13+s14] =	stream.strided.scatter [tilespmem:s16], [sflag:$0x2], $0x4000, s8, s14, $0x8;
	[tilespmem:$0x10800] =	vst v63  }
.LBB1_8:
0x77: {  	_ =	sfence.sel $0x180000  }
0x78: {  	s2 =	simm.s32 $0x1;
	[bflag:$0x0] =	sbarrier.arrive $0xFFFF  }
0x79: {  	s31 =	simm.s32 $0x2;
	[sflag:s2] =	ssyncpa.u1 $0x1  }
0x7a: {  	[sflag:s31] =	ssyncpa.u1 $0x1  }
0x7b: {  	p0 =	sne.s32 s0, $0x0;
	_ =	strace $0x90000047  }
0x7c: {  	s0 =	sadd.s32 @!p0 $0x100000, s1;
	[bflag:$0x2] =	sbarrier.arrive $0xFFFF  }
0x7d: {  	[sflag:s0] =	ssyncadd.tile.s32 @!p0 $0x1;
	_ =	shalt  }
.Lfunc_end1:
_tile_overlayer_lowered:
.L_overlay_start_2:
0x7e: {  	(tag) =	ssettag $0x2  }
0x7f: {  	s0 =	rddreg [dreg:$0x0];
	s2 =	stileid.u32  }
0x80: {  	s1 =	rddreg [dreg:$0x1];
	p0 =	sne.s32 s2, $0x0  }
0x81: {  	s3 =	rddreg [dreg:$0x2];
	[bflag:$0x3] =	sbarrier.arrive $0xFFFF;
	s2 =	simm.s32 @!p0 $0x1C01  }
0x82: {  	[timem:s3], [sflag:s2] =	dma.local @!p0 [hbm:s0], s1  }
0x83: {  	s0 =	simm.s32 @!p0 $0x1  }
0x84: {  	_ =	swait.ge @!p0 [sflag:s0], s1  }
0x85: {  	s1 =	ssub.s32 @!p0 $0x0, s1;
	[sflag:s0] =	ssyncset.done @!p0 $0x0  }
0x86: {  	[sflag:s0] =	ssyncadd.s32 @!p0 s1  }
0x87: {  	[bflag:$0x3] =	sbarrier.arrive $0xFFFF  }
0x88: {  	_ =	shalt  }

</sc_bundles>
